<compile_context>
chip_gen: v7x
topology: tpu7x:2x2x1
jax: 0.10.2.dev20260603
libtpu: 0.0.44.dev20260713+nightly
codegen_flags: <defaults>
</compile_context>

<pallas_src>
import functools

import numpy as np
import jax
import jax.numpy as jnp
from jax import lax
from jax.experimental import pallas as pl
from jax.experimental.pallas import tpu as pltpu
from jax.experimental.pallas import tpu_sc as plsc

_B, _C, _N, _K = 4, 96, 2304, 16
_NCENT, _TOPK, _G = 50, 12, 4
_PREC = None

_NTILES = 32
_NPT = (_B * _N) // _NTILES
_NB = 16
_NCHUNK = _NPT // _NB
_ROWS = _NB * 2 * _K
_IDXCHUNK = 128
_NGATHER = _ROWS // _IDXCHUNK
_BLANES = 32
_CCB = _C // _BLANES


def _pool_matrix() -> np.ndarray:
    Hs = Ws = 48
    oh, ow = 5, 10
    M = np.zeros((Hs * Ws, oh * ow), np.float32)
    for i in range(oh):
        h0 = (i * Hs) // oh
        h1 = -(-((i + 1) * Hs) // oh)
        for j in range(ow):
            w0 = (j * Ws) // ow
            w1 = -(-((j + 1) * Ws) // ow)
            cnt = (h1 - h0) * (w1 - w0)
            for h in range(h0, h1):
                for w in range(w0, w1):
                    M[h * Ws + w, i * ow + j] = 1.0 / cnt
    return M


_M_POOL = _pool_matrix()
_GMASK = ((np.arange(_C)[:, None] // (_C // _G))
          == (np.arange(_C)[None, :] // (_C // _G))).astype(np.float32)


def _sc_edge_max_body(x_hbm, e0_hbm, e1_hbm, out_hbm, idx_v, e0_v, e1_v, rows_v, y_v,
                      sem0, sem1, semw0, semw1):
    wid = lax.axis_index("s") * 2 + lax.axis_index("c")
    base = wid * _NPT
    boff = (base // _N) * _N
    sems = (sem0, sem1)
    semws = (semw0, semw1)

    pltpu.sync_copy(e0_hbm.at[pl.ds(base * _K, _NPT * _K)], e0_v)
    pltpu.sync_copy(e1_hbm.at[pl.ds(base * _K, _NPT * _K)], e1_v)

    def build(i, c2):
        sl = pl.ds(i * _K, _K)
        idx_v[pl.ds(i * 2 * _K, _K)] = e0_v[sl] + boff
        idx_v[pl.ds(i * 2 * _K + _K, _K)] = e1_v[sl] + boff
        return c2

    lax.fori_loop(0, _NPT, build, 0)

    def fire_gathers(ch, buf):
        o = buf * _ROWS
        for r in range(_NGATHER):
            pltpu.async_copy(
                x_hbm.at[idx_v.at[pl.ds(ch * _ROWS + r * _IDXCHUNK, _IDXCHUNK)]],
                rows_v.at[pl.ds(o + r * _IDXCHUNK, _IDXCHUNK)],
                sems[buf],
            )

    def wait_gathers(ch, buf):
        o = buf * _ROWS
        for r in range(_NGATHER):
            pltpu.make_async_copy(
                x_hbm.at[idx_v.at[pl.ds(ch * _ROWS + r * _IDXCHUNK, _IDXCHUNK)]],
                rows_v.at[pl.ds(o + r * _IDXCHUNK, _IDXCHUNK)],
                sems[buf],
            ).wait()

    def wb_copy(ch, buf):
        g0 = base + ch * _NB
        return pltpu.make_async_copy(
            y_v.at[pl.ds(buf * _NB * _C, _NB * _C)],
            out_hbm.at[pl.ds(g0 * _C, _NB * _C)],
            semws[buf],
        )

    def compute(ch, buf):
        o = buf * _ROWS
        yo = buf * _NB * _C

        def comp(i, c2):
            r0 = o + i * 2 * _K
            for cc in range(_CCB):
                sl = pl.ds(cc * _BLANES, _BLANES)
                acc = rows_v[r0, sl] - rows_v[r0 + _K, sl]
                for k in range(1, _K):
                    acc = jnp.maximum(acc, rows_v[r0 + k, sl] - rows_v[r0 + _K + k, sl])
                y_v[pl.ds(yo + i * _C + cc * _BLANES, _BLANES)] = acc
            return c2

        lax.fori_loop(0, _NB, comp, 0)

    fire_gathers(0, 0)

    def outer(g, carry):
        for b in (0, 1):
            ch = g * 2 + b

            @pl.when(ch + 1 < _NCHUNK)
            def _():
                fire_gathers(ch + 1, b ^ 1)

            wait_gathers(ch, b)

            @pl.when(ch >= 2)
            def _():
                wb_copy(ch - 2, b).wait()

            compute(ch, b)
            wb_copy(ch, b).start()
        return carry

    lax.fori_loop(0, _NCHUNK // 2, outer, 0)
    wb_copy(_NCHUNK - 2, 0).wait()
    wb_copy(_NCHUNK - 1, 1).wait()


@functools.cache
def _sc_edge_max():
    return pl.kernel(
        _sc_edge_max_body,
        out_type=jax.ShapeDtypeStruct((_B * _N * _C,), jnp.bfloat16),
        mesh=plsc.VectorSubcoreMesh(core_axis_name="c", subcore_axis_name="s"),
        compiler_params=pltpu.CompilerParams(use_tc_tiling_on_sc=False),
        scratch_types=[
            pltpu.VMEM((_NPT * 2 * _K,), jnp.int32),
            pltpu.VMEM((_NPT * _K,), jnp.int32),
            pltpu.VMEM((_NPT * _K,), jnp.int32),
            pltpu.VMEM((2 * _ROWS, _C), jnp.bfloat16),
            pltpu.VMEM((2 * _NB * _C,), jnp.bfloat16),
            pltpu.SemaphoreType.DMA,
            pltpu.SemaphoreType.DMA,
            pltpu.SemaphoreType.DMA,
            pltpu.SemaphoreType.DMA,
        ],
    )


def _tc_centers_body(x_ref, xt_ref, m_ref, o_ref):
    xb = x_ref[0]
    xt = xt_ref[0]
    cent = jnp.dot(xb, m_ref[...], precision=_PREC)
    w = None
    for _ in range(3):
        xc = jnp.dot(xt, cent, precision=_PREC)
        c2 = jnp.sum(cent * cent, axis=0)[None, :]
        logits = 2.0 * xc - c2
        mx = jnp.max(logits, axis=1, keepdims=True)
        e = jnp.exp(logits - mx)
        w = e / jnp.sum(e, axis=1, keepdims=True)
        denom = jnp.sum(w, axis=0)[None, :] + 1e-8
        cent = jnp.dot(xb, w, precision=_PREC) / denom

    iota = lax.broadcasted_iota(jnp.int32, (_N, _NCENT), 1)
    avail = jnp.ones((_N, _NCENT), jnp.bool_)
    acc = None
    for _ in range(_TOPK):
        cur = jnp.where(avail, w, -1.0)
        mx = jnp.max(cur, axis=1, keepdims=True)
        ism = cur == mx
        minj = jnp.min(jnp.where(ism, iota, _NCENT), axis=1, keepdims=True)
        sel = iota == minj
        pick = lax.dot_general(sel.astype(jnp.float32), cent,
                               (((1,), (1,)), ((), ())), precision=_PREC)
        acc = pick if acc is None else jnp.maximum(acc, pick)
        avail = avail & jnp.logical_not(sel)

    o_ref[0] = acc


def _tc_conv_body(xt_ref, ye_ref, acc_ref, wxc_ref, we_ref, wc_ref, b_ref, o_ref):
    xt = xt_ref[0]
    ye = ye_ref[0].astype(jnp.float32)
    acc = acc_ref[0]
    out = lax.dot_general(xt, wxc_ref[...], (((1,), (1,)), ((), ())),
                          precision=_PREC)
    out = out + lax.dot_general(ye, we_ref[...], (((1,), (1,)), ((), ())),
                                precision=_PREC)
    out = out + lax.dot_general(acc, wc_ref[...], (((1,), (1,)), ((), ())),
                                precision=_PREC)
    out = out + b_ref[...]
    o_ref[0] = lax.transpose(jnp.maximum(out, 0.0), (1, 0))


def kernel(x, edge_index, W_conv, b_conv, H, W):
    xb = x[..., 0]
    xt = jnp.swapaxes(xb, 1, 2)
    x_rows = xt.reshape(_B * _N, _C).astype(jnp.bfloat16)
    ei = edge_index.astype(jnp.int32)
    e0 = ei[0].reshape(-1)
    e1 = ei[1].reshape(-1)
    y_edge = _sc_edge_max()(x_rows, e0, e1)
    ye = y_edge.reshape(_B, _N, _C)

    w3 = W_conv[:, :, 0, 0].reshape(_C, _C // _G, 3)
    gmask = jnp.asarray(_GMASK)

    def expand(ws):
        return jnp.tile(ws, (1, _G)) * gmask

    Wx = expand(w3[:, :, 0])
    We = expand(w3[:, :, 1])
    Wc = expand(w3[:, :, 2])
    Wxc = Wx - Wc
    b2 = b_conv.reshape(1, _C)

    acc = pl.pallas_call(
        _tc_centers_body,
        grid=(_B,),
        in_specs=[
            pl.BlockSpec((1, _C, _N), lambda b: (b, 0, 0)),
            pl.BlockSpec((1, _N, _C), lambda b: (b, 0, 0)),
            pl.BlockSpec((_N, _NCENT), lambda b: (0, 0)),
        ],
        out_specs=pl.BlockSpec((1, _N, _C), lambda b: (b, 0, 0)),
        out_shape=jax.ShapeDtypeStruct((_B, _N, _C), jnp.float32),
    )(xb, xt, jnp.asarray(_M_POOL))

    out = pl.pallas_call(
        _tc_conv_body,
        grid=(_B,),
        in_specs=[
            pl.BlockSpec((1, _N, _C), lambda b: (b, 0, 0)),
            pl.BlockSpec((1, _N, _C), lambda b: (b, 0, 0)),
            pl.BlockSpec((1, _N, _C), lambda b: (b, 0, 0)),
            pl.BlockSpec((_C, _C), lambda b: (0, 0)),
            pl.BlockSpec((_C, _C), lambda b: (0, 0)),
            pl.BlockSpec((_C, _C), lambda b: (0, 0)),
            pl.BlockSpec((1, _C), lambda b: (0, 0)),
        ],
        out_specs=pl.BlockSpec((1, _C, _N), lambda b: (b, 0, 0)),
        out_shape=jax.ShapeDtypeStruct((_B, _C, _N), jnp.float32),
    )(xt, ye, acc, Wxc, We, Wc, b2)
    return out[..., None]

# --- scband reference (transcript-rebuilt; emitter-appended) ---
"""Pipeline reference for scband-mrconv2d-26053271617656 (READ-ONLY COPY).

The authoritative reference and input builder live on the scoring server;
editing this copy changes nothing except your own understanding.
"""

import jax, jax.numpy as jnp
import numpy as np

B, C, N, K = 4, 96, 2304, 16
C_OUT = 96
GROUPS = 4
NUM_CENTROIDS = 50
TOPK_CENT = 12


def adaptive_avg_pool2d(x, out_h, out_w):
    _, _, H, W = x.shape
    rows = []
    for i in range(out_h):
        h0 = (i * H) // out_h
        h1 = -(-((i + 1) * H) // out_h)
        cols = []
        for j in range(out_w):
            w0 = (j * W) // out_w
            w1 = -(-((j + 1) * W) // out_w)
            cols.append(jnp.mean(x[:, :, h0:h1, w0:w1], axis=(2, 3)))
        rows.append(jnp.stack(cols, axis=-1))
    return jnp.stack(rows, axis=-2)


def batched_index_select(x, idx):
    # x: (B, C, M, 1), idx: (B, N, K) -> (B, C, N, K)
    b, c = x.shape[0], x.shape[1]
    x2 = x[..., 0]
    n, k = idx.shape[1], idx.shape[2]
    idx2 = jnp.broadcast_to(idx.reshape(b, 1, n * k), (b, c, n * k))
    out = jnp.take_along_axis(x2, idx2, axis=2)
    return out.reshape(b, c, n, k)


def soft_kmeans(x, cent, iters=3):
    # x: (B, C, N), cent: (B, C, Kc)
    w = None
    for _ in range(iters):
        x2 = jnp.sum(x * x, axis=1)[:, :, None]
        c2 = jnp.sum(cent * cent, axis=1)[:, None, :]
        xc = jnp.einsum('bcn,bck->bnk', x, cent)
        dist = x2 + c2 - 2.0 * xc
        w = jax.nn.softmax(-dist, axis=-1)
        denom = jnp.sum(w, axis=1)[:, None, :] + 1e-8
        cent = jnp.einsum('bcn,bnk->bck', x, w) / denom
    return cent, w[:, :, None, :]


def conv1x1_grouped(x, w, b, groups):
    bb, cin, n, one = x.shape
    cout = w.shape[0]
    xg = x.reshape(bb, groups, cin // groups, n * one)
    wg = w[:, :, 0, 0].reshape(groups, cout // groups, cin // groups)
    out = jnp.einsum('bgcn,goc->bgon', xg, wg)
    out = out.reshape(bb, cout, n, one) + b.reshape(1, cout, 1, 1)
    return out


def setup_inputs(seed: int = 0) -> dict:
    key = jax.random.key(seed)
    k1, k2, k3, k4 = jax.random.split(key, 4)
    x = jax.random.normal(k1, (B, C, N, 1), dtype=jnp.float32)
    edge_index = jax.random.randint(k2, (2, B, N, K), 0, N, dtype=jnp.int64)
    cin = C * 3
    W_conv = jax.random.normal(k3, (C_OUT, cin // GROUPS, 1, 1), dtype=jnp.float32) * (1.0 / np.sqrt(cin // GROUPS))
    b_conv = jax.random.normal(k4, (C_OUT,), dtype=jnp.float32) * 0.01
    return {"x": x, "edge_index": edge_index, "W_conv": W_conv, "b_conv": b_conv, "H": 48, "W": 48}


def reference(x, edge_index, W_conv, b_conv, H, W):
    b, c, n, _ = x.shape
    Hs = int(np.sqrt(n))
    Ws = n // Hs
    hw_zero = (jnp.asarray(H, dtype=x.dtype) + jnp.asarray(W, dtype=x.dtype)) * jnp.zeros((), dtype=x.dtype)
    x_copy = x.reshape(b, c, Hs, Ws) + hw_zero
    initial_centroids = adaptive_avg_pool2d(x_copy, 5, 10).reshape(b, c, -1)  # (B, C, 50)
    x_i = batched_index_select(x, edge_index[1])
    x_j = batched_index_select(x, edge_index[0])
    x_j = jnp.max(x_j - x_i, axis=-1, keepdims=True)  # (B, C, N, 1)
    centroid, weights = soft_kmeans(x[..., 0], initial_centroids)  # (B,C,50), (B,N,1,50)
    weights = jnp.squeeze(weights, axis=-2)  # (B, N, 50)
    _, nn_idx_centroid = jax.lax.top_k(weights, TOPK_CENT)  # (B, N, 12)
    center_idx = jnp.broadcast_to(jnp.arange(n)[None, :, None], (b, n, TOPK_CENT))
    x_j_center = batched_index_select(centroid[..., None], nn_idx_centroid)
    x_i_center = batched_index_select(x, center_idx)
    x_j_center = jnp.max(x_j_center - x_i_center, axis=-1, keepdims=True)
    feat = jnp.concatenate([x[:, :, None], x_j[:, :, None], x_j_center[:, :, None]], axis=2)
    feat = feat.reshape(b, 3 * c, n, -1)
    out = conv1x1_grouped(feat, W_conv, b_conv, GROUPS)
    return jax.nn.relu(out)

if __name__ == "__main__":
    import jax
    _d = setup_inputs()
    print(jax.jit(kernel)(*tuple(_d.values())))

</pallas_src>

<mosaic_0001>
#map = affine_map<(d0, d1) -> (0, 0)>
#map1 = affine_map<(d0, d1) -> (0)>
module attributes {stable_mosaic.version = 14 : i64} {
  func.func @_sc_edge_max_body(%arg0: i32, %arg1: i32, %arg2: memref<9216x96xbf16, #tpu.memory_space<hbm>>, %arg3: memref<147456xi32, #tpu.memory_space<hbm>>, %arg4: memref<147456xi32, #tpu.memory_space<hbm>>, %arg5: memref<884736xbf16, #tpu.memory_space<hbm>>, %arg6: memref<9216xi32, #tpu.memory_space<vmem>>, %arg7: memref<4608xi32, #tpu.memory_space<vmem>>, %arg8: memref<4608xi32, #tpu.memory_space<vmem>>, %arg9: memref<1024x96xbf16, #tpu.memory_space<vmem>>, %arg10: memref<3072xbf16, #tpu.memory_space<vmem>>, %arg11: memref<!tpu.dma_semaphore, #tpu.memory_space<semaphore_mem>>, %arg12: memref<!tpu.dma_semaphore, #tpu.memory_space<semaphore_mem>>, %arg13: memref<!tpu.dma_semaphore, #tpu.memory_space<semaphore_mem>>, %arg14: memref<!tpu.dma_semaphore, #tpu.memory_space<semaphore_mem>>) attributes {dimension_semantics = [#tpu.dimension_semantics<core_parallel>, #tpu.dimension_semantics<subcore_parallel>], iteration_bounds = array<i64: 2, 16>, scalar_prefetch = 0 : i64, scratch_operands = 9 : i64, tpu.core_type = #tpu.core_type<sc_vector_subcore>, window_params = [{transform_indices = #map}, {transform_indices = #map1}, {transform_indices = #map1}, {transform_indices = #map1}]} {
    %mul3A = arith.constant 2 : i32
    %mul3A_0 = arith.muli %arg1, %mul3A : i32
    %add3A = arith.addi %mul3A_0, %arg0 : i32
    %mul3A_1 = arith.constant 288 : i32
    %mul3A_2 = arith.muli %add3A, %mul3A_1 : i32
    %jit3A = arith.constant 2304 : i32
    %div3A = arith.divsi %mul3A_2, %jit3A : i32
    %sign3A = arith.constant 0 : i32
    %sign3A_3 = arith.cmpi sgt, %mul3A_2, %sign3A : i32
    %sign3A_4 = arith.extui %sign3A_3 : i1 to i32
    %sign3A_5 = arith.constant 0 : i32
    %sign3A_6 = arith.cmpi slt, %mul3A_2, %sign3A_5 : i32
    %sign3A_7 = arith.extui %sign3A_6 : i1 to i32
    %sign3A_8 = arith.subi %sign3A_4, %sign3A_7 : i32
    %sign3A_9 = arith.constant 0 : i32
    %sign3A_10 = arith.cmpi sgt, %jit3A, %sign3A_9 : i32
    %sign3A_11 = arith.extui %sign3A_10 : i1 to i32
    %sign3A_12 = arith.constant 0 : i32
    %sign3A_13 = arith.cmpi slt, %jit3A, %sign3A_12 : i32
    %sign3A_14 = arith.extui %sign3A_13 : i1 to i32
    %sign3A_15 = arith.subi %sign3A_11, %sign3A_14 : i32
    %ne3A = arith.cmpi ne, %sign3A_8, %sign3A_15 : i32
    %rem3A = arith.remsi %mul3A_2, %jit3A : i32
    %ne3A_16 = arith.constant 0 : i32
    %ne3A_17 = arith.cmpi ne, %rem3A, %ne3A_16 : i32
    %and3A = arith.andi %ne3A, %ne3A_17 : i1
    %sub3A = arith.constant 1 : i32
    %sub3A_18 = arith.subi %div3A, %sub3A : i32
    %select_n3A = arith.select %and3A, %sub3A_18, %div3A : i32
    %mul3A_19 = arith.constant 2304 : i32
    %mul3A_20 = arith.muli %select_n3A, %mul3A_19 : i32
    %mul3A_21 = arith.constant 16 : i32
    %mul3A_22 = arith.muli %mul3A_2, %mul3A_21 : i32
    "tpu.region"() ({
      %run_scoped3A = tpu.sem_alloc : memref<!tpu.dma_semaphore, #tpu.memory_space<semaphore_mem>>
      %dma_start3A_86 = tpu.memref_slice %arg3[%mul3A_22] : memref<147456xi32, #tpu.memory_space<hbm>> -> memref<4608xi32, #tpu.memory_space<hbm>>
      %dma_start3A_87 = tpu.memref_slice %arg3[%mul3A_22] : memref<147456xi32, #tpu.memory_space<hbm>> -> memref<4608xi32, #tpu.memory_space<hbm>>
      tpu.enqueue_dma source(%dma_start3A_87 : memref<4608xi32, #tpu.memory_space<hbm>>) target(%arg7 : memref<4608xi32, #tpu.memory_space<vmem>>) target_semaphore(%run_scoped3A : memref<!tpu.dma_semaphore, #tpu.memory_space<semaphore_mem>>)
      %dma_wait3A_88 = tpu.memref_slice %arg3[%mul3A_22] : memref<147456xi32, #tpu.memory_space<hbm>> -> memref<4608xi32, #tpu.memory_space<hbm>>
      %dma_wait3A_89 = tpu.memref_slice %arg3[%mul3A_22] : memref<147456xi32, #tpu.memory_space<hbm>> -> memref<4608xi32, #tpu.memory_space<hbm>>
      tpu.wait_dma2 semaphore(%run_scoped3A : memref<!tpu.dma_semaphore, #tpu.memory_space<semaphore_mem>>) src(%dma_wait3A_89 : memref<4608xi32, #tpu.memory_space<hbm>>) dst(%arg7 : memref<4608xi32, #tpu.memory_space<vmem>>)
      tpu.yield
    }) : () -> ()
    %mul3A_23 = arith.constant 16 : i32
    %mul3A_24 = arith.muli %mul3A_2, %mul3A_23 : i32
    "tpu.region"() ({
      %run_scoped3A = tpu.sem_alloc : memref<!tpu.dma_semaphore, #tpu.memory_space<semaphore_mem>>
      %dma_start3A_86 = tpu.memref_slice %arg4[%mul3A_24] : memref<147456xi32, #tpu.memory_space<hbm>> -> memref<4608xi32, #tpu.memory_space<hbm>>
      %dma_start3A_87 = tpu.memref_slice %arg4[%mul3A_24] : memref<147456xi32, #tpu.memory_space<hbm>> -> memref<4608xi32, #tpu.memory_space<hbm>>
      tpu.enqueue_dma source(%dma_start3A_87 : memref<4608xi32, #tpu.memory_space<hbm>>) target(%arg8 : memref<4608xi32, #tpu.memory_space<vmem>>) target_semaphore(%run_scoped3A : memref<!tpu.dma_semaphore, #tpu.memory_space<semaphore_mem>>)
      %dma_wait3A_88 = tpu.memref_slice %arg4[%mul3A_24] : memref<147456xi32, #tpu.memory_space<hbm>> -> memref<4608xi32, #tpu.memory_space<hbm>>
      %dma_wait3A_89 = tpu.memref_slice %arg4[%mul3A_24] : memref<147456xi32, #tpu.memory_space<hbm>> -> memref<4608xi32, #tpu.memory_space<hbm>>
      tpu.wait_dma2 semaphore(%run_scoped3A : memref<!tpu.dma_semaphore, #tpu.memory_space<semaphore_mem>>) src(%dma_wait3A_89 : memref<4608xi32, #tpu.memory_space<hbm>>) dst(%arg8 : memref<4608xi32, #tpu.memory_space<vmem>>)
      tpu.yield
    }) : () -> ()
    %scan3A = arith.constant 0 : i32
    %scan3A_25 = arith.constant 0 : i32
    %scan3A_26 = arith.constant 288 : i32
    %scan3A_27 = arith.addi %scan3A_25, %scan3A_26 : i32
    %scan3A_28 = arith.constant 1 : i32
    scf.for %scan3A_86 = %scan3A_25 to %scan3A_27 step %scan3A_28  : i32 {
      %mul3A_87 = arith.constant 16 : i32
      %mul3A_88 = arith.muli %scan3A_86, %mul3A_87 : i32
      %get3A = arith.index_cast %mul3A_88 : i32 to index
      %get3A_89 = tpu.vector_load %arg7[%get3A] {strides = array<i32>} : memref<4608xi32, #tpu.memory_space<vmem>>, vector<16xi32>,
      %get3A_90 = vector.shape_cast %get3A_89 : vector<16xi32> to vector<16xi32>
      %add3A_91 = vector.broadcast %mul3A_20 : i32 to vector<16xi32>
      %add3A_92 = arith.addi %get3A_90, %add3A_91 : vector<16xi32>
      %mul3A_93 = arith.constant 2 : i32
      %mul3A_94 = arith.muli %scan3A_86, %mul3A_93 : i32
      %mul3A_95 = arith.constant 16 : i32
      %mul3A_96 = arith.muli %mul3A_94, %mul3A_95 : i32
      %swap3A = arith.index_cast %mul3A_96 : i32 to index
      %swap3A_97 = tpu.vector_load %arg6[%swap3A] {strides = array<i32>} : memref<9216xi32, #tpu.memory_space<vmem>>, vector<16xi32>,
      %swap3A_98 = vector.shape_cast %swap3A_97 : vector<16xi32> to vector<16xi32>
      %swap3A_99 = vector.shape_cast %add3A_92 : vector<16xi32> to vector<16xi32>
      tpu.vector_store %arg6[%swap3A], %swap3A_99 {strides = array<i32>} : memref<9216xi32, #tpu.memory_space<vmem>>, vector<16xi32>,
      %get3A_100 = arith.index_cast %mul3A_88 : i32 to index
      %get3A_101 = tpu.vector_load %arg8[%get3A_100] {strides = array<i32>} : memref<4608xi32, #tpu.memory_space<vmem>>, vector<16xi32>,
      %get3A_102 = vector.shape_cast %get3A_101 : vector<16xi32> to vector<16xi32>
      %add3A_103 = vector.broadcast %mul3A_20 : i32 to vector<16xi32>
      %add3A_104 = arith.addi %get3A_102, %add3A_103 : vector<16xi32>
      %mul3A_105 = arith.constant 2 : i32
      %mul3A_106 = arith.muli %scan3A_86, %mul3A_105 : i32
      %mul3A_107 = arith.constant 16 : i32
      %mul3A_108 = arith.muli %mul3A_106, %mul3A_107 : i32
      %add3A_109 = arith.constant 16 : i32
      %add3A_110 = arith.addi %mul3A_108, %add3A_109 : i32
      %swap3A_111 = arith.index_cast %add3A_110 : i32 to index
      %swap3A_112 = tpu.vector_load %arg6[%swap3A_111] {strides = array<i32>} : memref<9216xi32, #tpu.memory_space<vmem>>, vector<16xi32>,
      %swap3A_113 = vector.shape_cast %swap3A_112 : vector<16xi32> to vector<16xi32>
      %swap3A_114 = vector.shape_cast %add3A_104 : vector<16xi32> to vector<16xi32>
      tpu.vector_store %arg6[%swap3A_111], %swap3A_114 {strides = array<i32>} : memref<9216xi32, #tpu.memory_space<vmem>>, vector<16xi32>,
    }
    %scan3A_29 = arith.constant 288 : i32
    %dma_start3A = arith.constant 0 : i32
    %dma_start3A_30 = arith.constant 0 : i32
    %dma_start3A_31 = tpu.memref_slice %arg9[%dma_start3A, %dma_start3A_30] : memref<1024x96xbf16, #tpu.memory_space<vmem>> -> memref<128x96xbf16, #tpu.memory_space<vmem>>
    %dma_start3A_32 = arith.constant 0 : i32
    %dma_start3A_33 = tpu.memref_slice %arg6[%dma_start3A_32] : memref<9216xi32, #tpu.memory_space<vmem>> -> memref<128xi32, #tpu.memory_space<vmem>>
    %dma_start3A_34 = arith.constant 0 : i32
    %dma_start3A_35 = arith.constant 0 : i32
    %dma_start3A_36 = tpu.memref_slice %arg2[%dma_start3A_34, %dma_start3A_35] : memref<9216x96xbf16, #tpu.memory_space<hbm>> -> memref<9216x96xbf16, #tpu.memory_space<hbm>>
    tpu.enqueue_indirect_dma source(%dma_start3A_36 : memref<9216x96xbf16, #tpu.memory_space<hbm>>) target(%dma_start3A_31 : memref<128x96xbf16, #tpu.memory_space<vmem>>) offsets(%dma_start3A_33 : memref<128xi32, #tpu.memory_space<vmem>>) semaphore(%arg11 : memref<!tpu.dma_semaphore, #tpu.memory_space<semaphore_mem>>)
    %dma_start3A_37 = arith.constant 128 : i32
    %dma_start3A_38 = arith.constant 0 : i32
    %dma_start3A_39 = tpu.memref_slice %arg9[%dma_start3A_37, %dma_start3A_38] : memref<1024x96xbf16, #tpu.memory_space<vmem>> -> memref<128x96xbf16, #tpu.memory_space<vmem>>
    %dma_start3A_40 = arith.constant 128 : i32
    %dma_start3A_41 = tpu.memref_slice %arg6[%dma_start3A_40] : memref<9216xi32, #tpu.memory_space<vmem>> -> memref<128xi32, #tpu.memory_space<vmem>>
    %dma_start3A_42 = arith.constant 0 : i32
    %dma_start3A_43 = arith.constant 0 : i32
    %dma_start3A_44 = tpu.memref_slice %arg2[%dma_start3A_42, %dma_start3A_43] : memref<9216x96xbf16, #tpu.memory_space<hbm>> -> memref<9216x96xbf16, #tpu.memory_space<hbm>>
    tpu.enqueue_indirect_dma source(%dma_start3A_44 : memref<9216x96xbf16, #tpu.memory_space<hbm>>) target(%dma_start3A_39 : memref<128x96xbf16, #tpu.memory_space<vmem>>) offsets(%dma_start3A_41 : memref<128xi32, #tpu.memory_space<vmem>>) semaphore(%arg11 : memref<!tpu.dma_semaphore, #tpu.memory_space<semaphore_mem>>)
    %dma_start3A_45 = arith.constant 256 : i32
    %dma_start3A_46 = arith.constant 0 : i32
    %dma_start3A_47 = tpu.memref_slice %arg9[%dma_start3A_45, %dma_start3A_46] : memref<1024x96xbf16, #tpu.memory_space<vmem>> -> memref<128x96xbf16, #tpu.memory_space<vmem>>
    %dma_start3A_48 = arith.constant 256 : i32
    %dma_start3A_49 = tpu.memref_slice %arg6[%dma_start3A_48] : memref<9216xi32, #tpu.memory_space<vmem>> -> memref<128xi32, #tpu.memory_space<vmem>>
    %dma_start3A_50 = arith.constant 0 : i32
    %dma_start3A_51 = arith.constant 0 : i32
    %dma_start3A_52 = tpu.memref_slice %arg2[%dma_start3A_50, %dma_start3A_51] : memref<9216x96xbf16, #tpu.memory_space<hbm>> -> memref<9216x96xbf16, #tpu.memory_space<hbm>>
    tpu.enqueue_indirect_dma source(%dma_start3A_52 : memref<9216x96xbf16, #tpu.memory_space<hbm>>) target(%dma_start3A_47 : memref<128x96xbf16, #tpu.memory_space<vmem>>) offsets(%dma_start3A_49 : memref<128xi32, #tpu.memory_space<vmem>>) semaphore(%arg11 : memref<!tpu.dma_semaphore, #tpu.memory_space<semaphore_mem>>)
    %dma_start3A_53 = arith.constant 384 : i32
    %dma_start3A_54 = arith.constant 0 : i32
    %dma_start3A_55 = tpu.memref_slice %arg9[%dma_start3A_53, %dma_start3A_54] : memref<1024x96xbf16, #tpu.memory_space<vmem>> -> memref<128x96xbf16, #tpu.memory_space<vmem>>
    %dma_start3A_56 = arith.constant 384 : i32
    %dma_start3A_57 = tpu.memref_slice %arg6[%dma_start3A_56] : memref<9216xi32, #tpu.memory_space<vmem>> -> memref<128xi32, #tpu.memory_space<vmem>>
    %dma_start3A_58 = arith.constant 0 : i32
    %dma_start3A_59 = arith.constant 0 : i32
    %dma_start3A_60 = tpu.memref_slice %arg2[%dma_start3A_58, %dma_start3A_59] : memref<9216x96xbf16, #tpu.memory_space<hbm>> -> memref<9216x96xbf16, #tpu.memory_space<hbm>>
    tpu.enqueue_indirect_dma source(%dma_start3A_60 : memref<9216x96xbf16, #tpu.memory_space<hbm>>) target(%dma_start3A_55 : memref<128x96xbf16, #tpu.memory_space<vmem>>) offsets(%dma_start3A_57 : memref<128xi32, #tpu.memory_space<vmem>>) semaphore(%arg11 : memref<!tpu.dma_semaphore, #tpu.memory_space<semaphore_mem>>)
    %scan3A_61 = arith.constant 0 : i32
    %scan3A_62 = arith.constant 0 : i32
    %scan3A_63 = arith.constant 9 : i32
    %scan3A_64 = arith.addi %scan3A_62, %scan3A_63 : i32
    %scan3A_65 = arith.constant 1 : i32
    scf.for %scan3A_86 = %scan3A_62 to %scan3A_64 step %scan3A_65  : i32 {
      %mul3A_87 = arith.constant 2 : i32
      %mul3A_88 = arith.muli %scan3A_86, %mul3A_87 : i32
      %add3A_89 = arith.constant 0 : i32
      %add3A_90 = arith.addi %mul3A_88, %add3A_89 : i32
      %add3A_91 = arith.constant 1 : i32
      %add3A_92 = arith.addi %add3A_90, %add3A_91 : i32
      %lt3A = arith.constant 18 : i32
      %lt3A_93 = arith.cmpi slt, %add3A_92, %lt3A : i32
      %convert_element_type3A = arith.extui %lt3A_93 : i1 to i32
      %cond3A = arith.constant 0 : i32
      %cond3A_94 = arith.cmpi ne, %convert_element_type3A, %cond3A : i32
      scf.if %cond3A_94 {
        %add3A_237 = arith.constant 1 : i32
        %add3A_238 = arith.addi %add3A_90, %add3A_237 : i32
        %mul3A_239 = arith.constant 512 : i32
        %mul3A_240 = arith.muli %add3A_238, %mul3A_239 : i32
        %add3A_241 = arith.constant 0 : i32
        %add3A_242 = arith.addi %mul3A_240, %add3A_241 : i32
        %dma_start3A_243 = arith.constant 512 : i32
        %dma_start3A_244 = arith.constant 0 : i32
        %dma_start3A_245 = tpu.memref_slice %arg9[%dma_start3A_243, %dma_start3A_244] : memref<1024x96xbf16, #tpu.memory_space<vmem>> -> memref<128x96xbf16, #tpu.memory_space<vmem>>
        %dma_start3A_246 = tpu.memref_slice %arg6[%add3A_242] : memref<9216xi32, #tpu.memory_space<vmem>> -> memref<128xi32, #tpu.memory_space<vmem>>
        %dma_start3A_247 = arith.constant 0 : i32
        %dma_start3A_248 = arith.constant 0 : i32
        %dma_start3A_249 = tpu.memref_slice %arg2[%dma_start3A_247, %dma_start3A_248] : memref<9216x96xbf16, #tpu.memory_space<hbm>> -> memref<9216x96xbf16, #tpu.memory_space<hbm>>
        tpu.enqueue_indirect_dma source(%dma_start3A_249 : memref<9216x96xbf16, #tpu.memory_space<hbm>>) target(%dma_start3A_245 : memref<128x96xbf16, #tpu.memory_space<vmem>>) offsets(%dma_start3A_246 : memref<128xi32, #tpu.memory_space<vmem>>) semaphore(%arg12 : memref<!tpu.dma_semaphore, #tpu.memory_space<semaphore_mem>>)
        %mul3A_250 = arith.constant 512 : i32
        %mul3A_251 = arith.muli %add3A_238, %mul3A_250 : i32
        %add3A_252 = arith.constant 128 : i32
        %add3A_253 = arith.addi %mul3A_251, %add3A_252 : i32
        %dma_start3A_254 = arith.constant 640 : i32
        %dma_start3A_255 = arith.constant 0 : i32
        %dma_start3A_256 = tpu.memref_slice %arg9[%dma_start3A_254, %dma_start3A_255] : memref<1024x96xbf16, #tpu.memory_space<vmem>> -> memref<128x96xbf16, #tpu.memory_space<vmem>>
        %dma_start3A_257 = tpu.memref_slice %arg6[%add3A_253] : memref<9216xi32, #tpu.memory_space<vmem>> -> memref<128xi32, #tpu.memory_space<vmem>>
        %dma_start3A_258 = arith.constant 0 : i32
        %dma_start3A_259 = arith.constant 0 : i32
        %dma_start3A_260 = tpu.memref_slice %arg2[%dma_start3A_258, %dma_start3A_259] : memref<9216x96xbf16, #tpu.memory_space<hbm>> -> memref<9216x96xbf16, #tpu.memory_space<hbm>>
        tpu.enqueue_indirect_dma source(%dma_start3A_260 : memref<9216x96xbf16, #tpu.memory_space<hbm>>) target(%dma_start3A_256 : memref<128x96xbf16, #tpu.memory_space<vmem>>) offsets(%dma_start3A_257 : memref<128xi32, #tpu.memory_space<vmem>>) semaphore(%arg12 : memref<!tpu.dma_semaphore, #tpu.memory_space<semaphore_mem>>)
        %mul3A_261 = arith.constant 512 : i32
        %mul3A_262 = arith.muli %add3A_238, %mul3A_261 : i32
        %add3A_263 = arith.constant 256 : i32
        %add3A_264 = arith.addi %mul3A_262, %add3A_263 : i32
        %dma_start3A_265 = arith.constant 768 : i32
        %dma_start3A_266 = arith.constant 0 : i32
        %dma_start3A_267 = tpu.memref_slice %arg9[%dma_start3A_265, %dma_start3A_266] : memref<1024x96xbf16, #tpu.memory_space<vmem>> -> memref<128x96xbf16, #tpu.memory_space<vmem>>
        %dma_start3A_268 = tpu.memref_slice %arg6[%add3A_264] : memref<9216xi32, #tpu.memory_space<vmem>> -> memref<128xi32, #tpu.memory_space<vmem>>
        %dma_start3A_269 = arith.constant 0 : i32
        %dma_start3A_270 = arith.constant 0 : i32
        %dma_start3A_271 = tpu.memref_slice %arg2[%dma_start3A_269, %dma_start3A_270] : memref<9216x96xbf16, #tpu.memory_space<hbm>> -> memref<9216x96xbf16, #tpu.memory_space<hbm>>
        tpu.enqueue_indirect_dma source(%dma_start3A_271 : memref<9216x96xbf16, #tpu.memory_space<hbm>>) target(%dma_start3A_267 : memref<128x96xbf16, #tpu.memory_space<vmem>>) offsets(%dma_start3A_268 : memref<128xi32, #tpu.memory_space<vmem>>) semaphore(%arg12 : memref<!tpu.dma_semaphore, #tpu.memory_space<semaphore_mem>>)
        %mul3A_272 = arith.constant 512 : i32
        %mul3A_273 = arith.muli %add3A_238, %mul3A_272 : i32
        %add3A_274 = arith.constant 384 : i32
        %add3A_275 = arith.addi %mul3A_273, %add3A_274 : i32
        %dma_start3A_276 = arith.constant 896 : i32
        %dma_start3A_277 = arith.constant 0 : i32
        %dma_start3A_278 = tpu.memref_slice %arg9[%dma_start3A_276, %dma_start3A_277] : memref<1024x96xbf16, #tpu.memory_space<vmem>> -> memref<128x96xbf16, #tpu.memory_space<vmem>>
        %dma_start3A_279 = tpu.memref_slice %arg6[%add3A_275] : memref<9216xi32, #tpu.memory_space<vmem>> -> memref<128xi32, #tpu.memory_space<vmem>>
        %dma_start3A_280 = arith.constant 0 : i32
        %dma_start3A_281 = arith.constant 0 : i32
        %dma_start3A_282 = tpu.memref_slice %arg2[%dma_start3A_280, %dma_start3A_281] : memref<9216x96xbf16, #tpu.memory_space<hbm>> -> memref<9216x96xbf16, #tpu.memory_space<hbm>>
        tpu.enqueue_indirect_dma source(%dma_start3A_282 : memref<9216x96xbf16, #tpu.memory_space<hbm>>) target(%dma_start3A_278 : memref<128x96xbf16, #tpu.memory_space<vmem>>) offsets(%dma_start3A_279 : memref<128xi32, #tpu.memory_space<vmem>>) semaphore(%arg12 : memref<!tpu.dma_semaphore, #tpu.memory_space<semaphore_mem>>)
      } else {
      }
      %mul3A_95 = arith.constant 512 : i32
      %mul3A_96 = arith.muli %add3A_90, %mul3A_95 : i32
      %add3A_97 = arith.constant 0 : i32
      %add3A_98 = arith.addi %mul3A_96, %add3A_97 : i32
      %dma_wait3A_99 = arith.constant 0 : i32
      %dma_wait3A_100 = arith.constant 0 : i32
      %dma_wait3A_101 = tpu.memref_slice %arg9[%dma_wait3A_99, %dma_wait3A_100] : memref<1024x96xbf16, #tpu.memory_space<vmem>> -> memref<128x96xbf16, #tpu.memory_space<vmem>>
      %dma_wait3A_102 = tpu.memref_slice %arg6[%add3A_98] : memref<9216xi32, #tpu.memory_space<vmem>> -> memref<128xi32, #tpu.memory_space<vmem>>
      %dma_wait3A_103 = arith.constant 0 : i32
      %dma_wait3A_104 = arith.constant 0 : i32
      %dma_wait3A_105 = tpu.memref_slice %arg2[%dma_wait3A_103, %dma_wait3A_104] : memref<9216x96xbf16, #tpu.memory_space<hbm>> -> memref<9216x96xbf16, #tpu.memory_space<hbm>>
      tpu.wait_indirect_dma semaphore(%arg11 : memref<!tpu.dma_semaphore, #tpu.memory_space<semaphore_mem>>) src(%dma_wait3A_105 : memref<9216x96xbf16, #tpu.memory_space<hbm>>) dst(%dma_wait3A_101 : memref<128x96xbf16, #tpu.memory_space<vmem>>)
      %mul3A_106 = arith.constant 512 : i32
      %mul3A_107 = arith.muli %add3A_90, %mul3A_106 : i32
      %add3A_108 = arith.constant 128 : i32
      %add3A_109 = arith.addi %mul3A_107, %add3A_108 : i32
      %dma_wait3A_110 = arith.constant 128 : i32
      %dma_wait3A_111 = arith.constant 0 : i32
      %dma_wait3A_112 = tpu.memref_slice %arg9[%dma_wait3A_110, %dma_wait3A_111] : memref<1024x96xbf16, #tpu.memory_space<vmem>> -> memref<128x96xbf16, #tpu.memory_space<vmem>>
      %dma_wait3A_113 = tpu.memref_slice %arg6[%add3A_109] : memref<9216xi32, #tpu.memory_space<vmem>> -> memref<128xi32, #tpu.memory_space<vmem>>
      %dma_wait3A_114 = arith.constant 0 : i32
      %dma_wait3A_115 = arith.constant 0 : i32
      %dma_wait3A_116 = tpu.memref_slice %arg2[%dma_wait3A_114, %dma_wait3A_115] : memref<9216x96xbf16, #tpu.memory_space<hbm>> -> memref<9216x96xbf16, #tpu.memory_space<hbm>>
      tpu.wait_indirect_dma semaphore(%arg11 : memref<!tpu.dma_semaphore, #tpu.memory_space<semaphore_mem>>) src(%dma_wait3A_116 : memref<9216x96xbf16, #tpu.memory_space<hbm>>) dst(%dma_wait3A_112 : memref<128x96xbf16, #tpu.memory_space<vmem>>)
      %mul3A_117 = arith.constant 512 : i32
      %mul3A_118 = arith.muli %add3A_90, %mul3A_117 : i32
      %add3A_119 = arith.constant 256 : i32
      %add3A_120 = arith.addi %mul3A_118, %add3A_119 : i32
      %dma_wait3A_121 = arith.constant 256 : i32
      %dma_wait3A_122 = arith.constant 0 : i32
      %dma_wait3A_123 = tpu.memref_slice %arg9[%dma_wait3A_121, %dma_wait3A_122] : memref<1024x96xbf16, #tpu.memory_space<vmem>> -> memref<128x96xbf16, #tpu.memory_space<vmem>>
      %dma_wait3A_124 = tpu.memref_slice %arg6[%add3A_120] : memref<9216xi32, #tpu.memory_space<vmem>> -> memref<128xi32, #tpu.memory_space<vmem>>
      %dma_wait3A_125 = arith.constant 0 : i32
      %dma_wait3A_126 = arith.constant 0 : i32
      %dma_wait3A_127 = tpu.memref_slice %arg2[%dma_wait3A_125, %dma_wait3A_126] : memref<9216x96xbf16, #tpu.memory_space<hbm>> -> memref<9216x96xbf16, #tpu.memory_space<hbm>>
      tpu.wait_indirect_dma semaphore(%arg11 : memref<!tpu.dma_semaphore, #tpu.memory_space<semaphore_mem>>) src(%dma_wait3A_127 : memref<9216x96xbf16, #tpu.memory_space<hbm>>) dst(%dma_wait3A_123 : memref<128x96xbf16, #tpu.memory_space<vmem>>)
      %mul3A_128 = arith.constant 512 : i32
      %mul3A_129 = arith.muli %add3A_90, %mul3A_128 : i32
      %add3A_130 = arith.constant 384 : i32
      %add3A_131 = arith.addi %mul3A_129, %add3A_130 : i32
      %dma_wait3A_132 = arith.constant 384 : i32
      %dma_wait3A_133 = arith.constant 0 : i32
      %dma_wait3A_134 = tpu.memref_slice %arg9[%dma_wait3A_132, %dma_wait3A_133] : memref<1024x96xbf16, #tpu.memory_space<vmem>> -> memref<128x96xbf16, #tpu.memory_space<vmem>>
      %dma_wait3A_135 = tpu.memref_slice %arg6[%add3A_131] : memref<9216xi32, #tpu.memory_space<vmem>> -> memref<128xi32, #tpu.memory_space<vmem>>
      %dma_wait3A_136 = arith.constant 0 : i32
      %dma_wait3A_137 = arith.constant 0 : i32
      %dma_wait3A_138 = tpu.memref_slice %arg2[%dma_wait3A_136, %dma_wait3A_137] : memref<9216x96xbf16, #tpu.memory_space<hbm>> -> memref<9216x96xbf16, #tpu.memory_space<hbm>>
      tpu.wait_indirect_dma semaphore(%arg11 : memref<!tpu.dma_semaphore, #tpu.memory_space<semaphore_mem>>) src(%dma_wait3A_138 : memref<9216x96xbf16, #tpu.memory_space<hbm>>) dst(%dma_wait3A_134 : memref<128x96xbf16, #tpu.memory_space<vmem>>)
      %ge3A = arith.constant 2 : i32
      %ge3A_139 = arith.cmpi sge, %add3A_90, %ge3A : i32
      %convert_element_type3A_140 = arith.extui %ge3A_139 : i1 to i32
      %cond3A_141 = arith.constant 0 : i32
      %cond3A_142 = arith.cmpi ne, %convert_element_type3A_140, %cond3A_141 : i32
      scf.if %cond3A_142 {
        %sub3A_237 = arith.constant 2 : i32
        %sub3A_238 = arith.subi %add3A_90, %sub3A_237 : i32
        %mul3A_239 = arith.constant 16 : i32
        %mul3A_240 = arith.muli %sub3A_238, %mul3A_239 : i32
        %add3A_241 = arith.addi %mul3A_2, %mul3A_240 : i32
        %mul3A_242 = arith.constant 96 : i32
        %mul3A_243 = arith.muli %add3A_241, %mul3A_242 : i32
        %dma_wait3A_244 = arith.constant 0 : i32
        %dma_wait3A_245 = tpu.memref_slice %arg10[%dma_wait3A_244] : memref<3072xbf16, #tpu.memory_space<vmem>> -> memref<1536xbf16, #tpu.memory_space<vmem>>
        %dma_wait3A_246 = tpu.memref_slice %arg5[%mul3A_243] : memref<884736xbf16, #tpu.memory_space<hbm>> -> memref<1536xbf16, #tpu.memory_space<hbm>>
        %dma_wait3A_247 = tpu.memref_slice %arg5[%mul3A_243] : memref<884736xbf16, #tpu.memory_space<hbm>> -> memref<1536xbf16, #tpu.memory_space<hbm>>
        %dma_wait3A_248 = arith.constant 0 : i32
        %dma_wait3A_249 = tpu.memref_slice %arg10[%dma_wait3A_248] : memref<3072xbf16, #tpu.memory_space<vmem>> -> memref<1536xbf16, #tpu.memory_space<vmem>>
        tpu.wait_dma2 semaphore(%arg13 : memref<!tpu.dma_semaphore, #tpu.memory_space<semaphore_mem>>) src(%dma_wait3A_249 : memref<1536xbf16, #tpu.memory_space<vmem>>) dst(%dma_wait3A_247 : memref<1536xbf16, #tpu.memory_space<hbm>>)
      } else {
      }
      %scan3A_143 = arith.constant 0 : i32
      %scan3A_144 = arith.constant 0 : i32
      %scan3A_145 = arith.constant 16 : i32
      %scan3A_146 = arith.addi %scan3A_144, %scan3A_145 : i32
      %scan3A_147 = arith.constant 1 : i32
      scf.for %scan3A_237 = %scan3A_144 to %scan3A_146 step %scan3A_147  : i32 {
        %mul3A_238 = arith.constant 2 : i32
        %mul3A_239 = arith.muli %scan3A_237, %mul3A_238 : i32
        %mul3A_240 = arith.constant 16 : i32
        %mul3A_241 = arith.muli %mul3A_239, %mul3A_240 : i32
        %add3A_242 = arith.constant 0 : i32
        %add3A_243 = arith.addi %add3A_242, %mul3A_241 : i32
        %get3A = arith.index_cast %add3A_243 : i32 to index
        %get3A_244 = arith.constant 0 : index
        %get3A_245 = tpu.vector_load %arg9[%get3A, %get3A_244] {strides = array<i32>} : memref<1024x96xbf16, #tpu.memory_space<vmem>>, vector<1x32xbf16>,
        %get3A_246 = vector.shape_cast %get3A_245 : vector<1x32xbf16> to vector<32xbf16>
        %add3A_247 = arith.constant 16 : i32
        %add3A_248 = arith.addi %add3A_243, %add3A_247 : i32
        %get3A_249 = arith.index_cast %add3A_248 : i32 to index
        %get3A_250 = arith.constant 0 : index
        %get3A_251 = tpu.vector_load %arg9[%get3A_249, %get3A_250] {strides = array<i32>} : memref<1024x96xbf16, #tpu.memory_space<vmem>>, vector<1x32xbf16>,
        %get3A_252 = vector.shape_cast %get3A_251 : vector<1x32xbf16> to vector<32xbf16>
        %sub3A_253 = arith.subf %get3A_246, %get3A_252 : vector<32xbf16>
        %add3A_254 = arith.constant 1 : i32
        %add3A_255 = arith.addi %add3A_243, %add3A_254 : i32
        %get3A_256 = arith.index_cast %add3A_255 : i32 to index
        %get3A_257 = arith.constant 0 : index
        %get3A_258 = tpu.vector_load %arg9[%get3A_256, %get3A_257] {strides = array<i32>} : memref<1024x96xbf16, #tpu.memory_space<vmem>>, vector<1x32xbf16>,
        %get3A_259 = vector.shape_cast %get3A_258 : vector<1x32xbf16> to vector<32xbf16>
        %add3A_260 = arith.constant 16 : i32
        %add3A_261 = arith.addi %add3A_243, %add3A_260 : i32
        %add3A_262 = arith.constant 1 : i32
        %add3A_263 = arith.addi %add3A_261, %add3A_262 : i32
        %get3A_264 = arith.index_cast %add3A_263 : i32 to index
        %get3A_265 = arith.constant 0 : index
        %get3A_266 = tpu.vector_load %arg9[%get3A_264, %get3A_265] {strides = array<i32>} : memref<1024x96xbf16, #tpu.memory_space<vmem>>, vector<1x32xbf16>,
        %get3A_267 = vector.shape_cast %get3A_266 : vector<1x32xbf16> to vector<32xbf16>
        %sub3A_268 = arith.subf %get3A_259, %get3A_267 : vector<32xbf16>
        %max3A = arith.maximumf %sub3A_253, %sub3A_268 : vector<32xbf16>
        %add3A_269 = arith.constant 2 : i32
        %add3A_270 = arith.addi %add3A_243, %add3A_269 : i32
        %get3A_271 = arith.index_cast %add3A_270 : i32 to index
        %get3A_272 = arith.constant 0 : index
        %get3A_273 = tpu.vector_load %arg9[%get3A_271, %get3A_272] {strides = array<i32>} : memref<1024x96xbf16, #tpu.memory_space<vmem>>, vector<1x32xbf16>,
        %get3A_274 = vector.shape_cast %get3A_273 : vector<1x32xbf16> to vector<32xbf16>
        %add3A_275 = arith.constant 16 : i32
        %add3A_276 = arith.addi %add3A_243, %add3A_275 : i32
        %add3A_277 = arith.constant 2 : i32
        %add3A_278 = arith.addi %add3A_276, %add3A_277 : i32
        %get3A_279 = arith.index_cast %add3A_278 : i32 to index
        %get3A_280 = arith.constant 0 : index
        %get3A_281 = tpu.vector_load %arg9[%get3A_279, %get3A_280] {strides = array<i32>} : memref<1024x96xbf16, #tpu.memory_space<vmem>>, vector<1x32xbf16>,
        %get3A_282 = vector.shape_cast %get3A_281 : vector<1x32xbf16> to vector<32xbf16>
        %sub3A_283 = arith.subf %get3A_274, %get3A_282 : vector<32xbf16>
        %max3A_284 = arith.maximumf %max3A, %sub3A_283 : vector<32xbf16>
        %add3A_285 = arith.constant 3 : i32
        %add3A_286 = arith.addi %add3A_243, %add3A_285 : i32
        %get3A_287 = arith.index_cast %add3A_286 : i32 to index
        %get3A_288 = arith.constant 0 : index
        %get3A_289 = tpu.vector_load %arg9[%get3A_287, %get3A_288] {strides = array<i32>} : memref<1024x96xbf16, #tpu.memory_space<vmem>>, vector<1x32xbf16>,
        %get3A_290 = vector.shape_cast %get3A_289 : vector<1x32xbf16> to vector<32xbf16>
        %add3A_291 = arith.constant 16 : i32
        %add3A_292 = arith.addi %add3A_243, %add3A_291 : i32
        %add3A_293 = arith.constant 3 : i32
        %add3A_294 = arith.addi %add3A_292, %add3A_293 : i32
        %get3A_295 = arith.index_cast %add3A_294 : i32 to index
        %get3A_296 = arith.constant 0 : index
        %get3A_297 = tpu.vector_load %arg9[%get3A_295, %get3A_296] {strides = array<i32>} : memref<1024x96xbf16, #tpu.memory_space<vmem>>, vector<1x32xbf16>,
        %get3A_298 = vector.shape_cast %get3A_297 : vector<1x32xbf16> to vector<32xbf16>
        %sub3A_299 = arith.subf %get3A_290, %get3A_298 : vector<32xbf16>
        %max3A_300 = arith.maximumf %max3A_284, %sub3A_299 : vector<32xbf16>
        %add3A_301 = arith.constant 4 : i32
        %add3A_302 = arith.addi %add3A_243, %add3A_301 : i32
        %get3A_303 = arith.index_cast %add3A_302 : i32 to index
        %get3A_304 = arith.constant 0 : index
        %get3A_305 = tpu.vector_load %arg9[%get3A_303, %get3A_304] {strides = array<i32>} : memref<1024x96xbf16, #tpu.memory_space<vmem>>, vector<1x32xbf16>,
        %get3A_306 = vector.shape_cast %get3A_305 : vector<1x32xbf16> to vector<32xbf16>
        %add3A_307 = arith.constant 16 : i32
        %add3A_308 = arith.addi %add3A_243, %add3A_307 : i32
        %add3A_309 = arith.constant 4 : i32
        %add3A_310 = arith.addi %add3A_308, %add3A_309 : i32
        %get3A_311 = arith.index_cast %add3A_310 : i32 to index
        %get3A_312 = arith.constant 0 : index
        %get3A_313 = tpu.vector_load %arg9[%get3A_311, %get3A_312] {strides = array<i32>} : memref<1024x96xbf16, #tpu.memory_space<vmem>>, vector<1x32xbf16>,
        %get3A_314 = vector.shape_cast %get3A_313 : vector<1x32xbf16> to vector<32xbf16>
        %sub3A_315 = arith.subf %get3A_306, %get3A_314 : vector<32xbf16>
        %max3A_316 = arith.maximumf %max3A_300, %sub3A_315 : vector<32xbf16>
        %add3A_317 = arith.constant 5 : i32
        %add3A_318 = arith.addi %add3A_243, %add3A_317 : i32
        %get3A_319 = arith.index_cast %add3A_318 : i32 to index
        %get3A_320 = arith.constant 0 : index
        %get3A_321 = tpu.vector_load %arg9[%get3A_319, %get3A_320] {strides = array<i32>} : memref<1024x96xbf16, #tpu.memory_space<vmem>>, vector<1x32xbf16>,
        %get3A_322 = vector.shape_cast %get3A_321 : vector<1x32xbf16> to vector<32xbf16>
        %add3A_323 = arith.constant 16 : i32
        %add3A_324 = arith.addi %add3A_243, %add3A_323 : i32
        %add3A_325 = arith.constant 5 : i32
        %add3A_326 = arith.addi %add3A_324, %add3A_325 : i32
        %get3A_327 = arith.index_cast %add3A_326 : i32 to index
        %get3A_328 = arith.constant 0 : index
        %get3A_329 = tpu.vector_load %arg9[%get3A_327, %get3A_328] {strides = array<i32>} : memref<1024x96xbf16, #tpu.memory_space<vmem>>, vector<1x32xbf16>,
        %get3A_330 = vector.shape_cast %get3A_329 : vector<1x32xbf16> to vector<32xbf16>
        %sub3A_331 = arith.subf %get3A_322, %get3A_330 : vector<32xbf16>
        %max3A_332 = arith.maximumf %max3A_316, %sub3A_331 : vector<32xbf16>
        %add3A_333 = arith.constant 6 : i32
        %add3A_334 = arith.addi %add3A_243, %add3A_333 : i32
        %get3A_335 = arith.index_cast %add3A_334 : i32 to index
        %get3A_336 = arith.constant 0 : index
        %get3A_337 = tpu.vector_load %arg9[%get3A_335, %get3A_336] {strides = array<i32>} : memref<1024x96xbf16, #tpu.memory_space<vmem>>, vector<1x32xbf16>,
        %get3A_338 = vector.shape_cast %get3A_337 : vector<1x32xbf16> to vector<32xbf16>
        %add3A_339 = arith.constant 16 : i32
        %add3A_340 = arith.addi %add3A_243, %add3A_339 : i32
        %add3A_341 = arith.constant 6 : i32
        %add3A_342 = arith.addi %add3A_340, %add3A_341 : i32
        %get3A_343 = arith.index_cast %add3A_342 : i32 to index
        %get3A_344 = arith.constant 0 : index
        %get3A_345 = tpu.vector_load %arg9[%get3A_343, %get3A_344] {strides = array<i32>} : memref<1024x96xbf16, #tpu.memory_space<vmem>>, vector<1x32xbf16>,
        %get3A_346 = vector.shape_cast %get3A_345 : vector<1x32xbf16> to vector<32xbf16>
        %sub3A_347 = arith.subf %get3A_338, %get3A_346 : vector<32xbf16>
        %max3A_348 = arith.maximumf %max3A_332, %sub3A_347 : vector<32xbf16>
        %add3A_349 = arith.constant 7 : i32
        %add3A_350 = arith.addi %add3A_243, %add3A_349 : i32
        %get3A_351 = arith.index_cast %add3A_350 : i32 to index
        %get3A_352 = arith.constant 0 : index
        %get3A_353 = tpu.vector_load %arg9[%get3A_351, %get3A_352] {strides = array<i32>} : memref<1024x96xbf16, #tpu.memory_space<vmem>>, vector<1x32xbf16>,
        %get3A_354 = vector.shape_cast %get3A_353 : vector<1x32xbf16> to vector<32xbf16>
        %add3A_355 = arith.constant 16 : i32
        %add3A_356 = arith.addi %add3A_243, %add3A_355 : i32
        %add3A_357 = arith.constant 7 : i32
        %add3A_358 = arith.addi %add3A_356, %add3A_357 : i32
        %get3A_359 = arith.index_cast %add3A_358 : i32 to index
        %get3A_360 = arith.constant 0 : index
        %get3A_361 = tpu.vector_load %arg9[%get3A_359, %get3A_360] {strides = array<i32>} : memref<1024x96xbf16, #tpu.memory_space<vmem>>, vector<1x32xbf16>,
        %get3A_362 = vector.shape_cast %get3A_361 : vector<1x32xbf16> to vector<32xbf16>
        %sub3A_363 = arith.subf %get3A_354, %get3A_362 : vector<32xbf16>
        %max3A_364 = arith.maximumf %max3A_348, %sub3A_363 : vector<32xbf16>
        %add3A_365 = arith.constant 8 : i32
        %add3A_366 = arith.addi %add3A_243, %add3A_365 : i32
        %get3A_367 = arith.index_cast %add3A_366 : i32 to index
        %get3A_368 = arith.constant 0 : index
        %get3A_369 = tpu.vector_load %arg9[%get3A_367, %get3A_368] {strides = array<i32>} : memref<1024x96xbf16, #tpu.memory_space<vmem>>, vector<1x32xbf16>,
        %get3A_370 = vector.shape_cast %get3A_369 : vector<1x32xbf16> to vector<32xbf16>
        %add3A_371 = arith.constant 16 : i32
        %add3A_372 = arith.addi %add3A_243, %add3A_371 : i32
        %add3A_373 = arith.constant 8 : i32
        %add3A_374 = arith.addi %add3A_372, %add3A_373 : i32
        %get3A_375 = arith.index_cast %add3A_374 : i32 to index
        %get3A_376 = arith.constant 0 : index
        %get3A_377 = tpu.vector_load %arg9[%get3A_375, %get3A_376] {strides = array<i32>} : memref<1024x96xbf16, #tpu.memory_space<vmem>>, vector<1x32xbf16>,
        %get3A_378 = vector.shape_cast %get3A_377 : vector<1x32xbf16> to vector<32xbf16>
        %sub3A_379 = arith.subf %get3A_370, %get3A_378 : vector<32xbf16>
        %max3A_380 = arith.maximumf %max3A_364, %sub3A_379 : vector<32xbf16>
        %add3A_381 = arith.constant 9 : i32
        %add3A_382 = arith.addi %add3A_243, %add3A_381 : i32
        %get3A_383 = arith.index_cast %add3A_382 : i32 to index
        %get3A_384 = arith.constant 0 : index
        %get3A_385 = tpu.vector_load %arg9[%get3A_383, %get3A_384] {strides = array<i32>} : memref<1024x96xbf16, #tpu.memory_space<vmem>>, vector<1x32xbf16>,
        %get3A_386 = vector.shape_cast %get3A_385 : vector<1x32xbf16> to vector<32xbf16>
        %add3A_387 = arith.constant 16 : i32
        %add3A_388 = arith.addi %add3A_243, %add3A_387 : i32
        %add3A_389 = arith.constant 9 : i32
        %add3A_390 = arith.addi %add3A_388, %add3A_389 : i32
        %get3A_391 = arith.index_cast %add3A_390 : i32 to index
        %get3A_392 = arith.constant 0 : index
        %get3A_393 = tpu.vector_load %arg9[%get3A_391, %get3A_392] {strides = array<i32>} : memref<1024x96xbf16, #tpu.memory_space<vmem>>, vector<1x32xbf16>,
        %get3A_394 = vector.shape_cast %get3A_393 : vector<1x32xbf16> to vector<32xbf16>
        %sub3A_395 = arith.subf %get3A_386, %get3A_394 : vector<32xbf16>
        %max3A_396 = arith.maximumf %max3A_380, %sub3A_395 : vector<32xbf16>
        %add3A_397 = arith.constant 10 : i32
        %add3A_398 = arith.addi %add3A_243, %add3A_397 : i32
        %get3A_399 = arith.index_cast %add3A_398 : i32 to index
        %get3A_400 = arith.constant 0 : index
        %get3A_401 = tpu.vector_load %arg9[%get3A_399, %get3A_400] {strides = array<i32>} : memref<1024x96xbf16, #tpu.memory_space<vmem>>, vector<1x32xbf16>,
        %get3A_402 = vector.shape_cast %get3A_401 : vector<1x32xbf16> to vector<32xbf16>
        %add3A_403 = arith.constant 16 : i32
        %add3A_404 = arith.addi %add3A_243, %add3A_403 : i32
        %add3A_405 = arith.constant 10 : i32
        %add3A_406 = arith.addi %add3A_404, %add3A_405 : i32
        %get3A_407 = arith.index_cast %add3A_406 : i32 to index
        %get3A_408 = arith.constant 0 : index
        %get3A_409 = tpu.vector_load %arg9[%get3A_407, %get3A_408] {strides = array<i32>} : memref<1024x96xbf16, #tpu.memory_space<vmem>>, vector<1x32xbf16>,
        %get3A_410 = vector.shape_cast %get3A_409 : vector<1x32xbf16> to vector<32xbf16>
        %sub3A_411 = arith.subf %get3A_402, %get3A_410 : vector<32xbf16>
        %max3A_412 = arith.maximumf %max3A_396, %sub3A_411 : vector<32xbf16>
        %add3A_413 = arith.constant 11 : i32
        %add3A_414 = arith.addi %add3A_243, %add3A_413 : i32
        %get3A_415 = arith.index_cast %add3A_414 : i32 to index
        %get3A_416 = arith.constant 0 : index
        %get3A_417 = tpu.vector_load %arg9[%get3A_415, %get3A_416] {strides = array<i32>} : memref<1024x96xbf16, #tpu.memory_space<vmem>>, vector<1x32xbf16>,
        %get3A_418 = vector.shape_cast %get3A_417 : vector<1x32xbf16> to vector<32xbf16>
        %add3A_419 = arith.constant 16 : i32
        %add3A_420 = arith.addi %add3A_243, %add3A_419 : i32
        %add3A_421 = arith.constant 11 : i32
        %add3A_422 = arith.addi %add3A_420, %add3A_421 : i32
        %get3A_423 = arith.index_cast %add3A_422 : i32 to index
        %get3A_424 = arith.constant 0 : index
        %get3A_425 = tpu.vector_load %arg9[%get3A_423, %get3A_424] {strides = array<i32>} : memref<1024x96xbf16, #tpu.memory_space<vmem>>, vector<1x32xbf16>,
        %get3A_426 = vector.shape_cast %get3A_425 : vector<1x32xbf16> to vector<32xbf16>
        %sub3A_427 = arith.subf %get3A_418, %get3A_426 : vector<32xbf16>
        %max3A_428 = arith.maximumf %max3A_412, %sub3A_427 : vector<32xbf16>
        %add3A_429 = arith.constant 12 : i32
        %add3A_430 = arith.addi %add3A_243, %add3A_429 : i32
        %get3A_431 = arith.index_cast %add3A_430 : i32 to index
        %get3A_432 = arith.constant 0 : index
        %get3A_433 = tpu.vector_load %arg9[%get3A_431, %get3A_432] {strides = array<i32>} : memref<1024x96xbf16, #tpu.memory_space<vmem>>, vector<1x32xbf16>,
        %get3A_434 = vector.shape_cast %get3A_433 : vector<1x32xbf16> to vector<32xbf16>
        %add3A_435 = arith.constant 16 : i32
        %add3A_436 = arith.addi %add3A_243, %add3A_435 : i32
        %add3A_437 = arith.constant 12 : i32
        %add3A_438 = arith.addi %add3A_436, %add3A_437 : i32
        %get3A_439 = arith.index_cast %add3A_438 : i32 to index
        %get3A_440 = arith.constant 0 : index
        %get3A_441 = tpu.vector_load %arg9[%get3A_439, %get3A_440] {strides = array<i32>} : memref<1024x96xbf16, #tpu.memory_space<vmem>>, vector<1x32xbf16>,
        %get3A_442 = vector.shape_cast %get3A_441 : vector<1x32xbf16> to vector<32xbf16>
        %sub3A_443 = arith.subf %get3A_434, %get3A_442 : vector<32xbf16>
        %max3A_444 = arith.maximumf %max3A_428, %sub3A_443 : vector<32xbf16>
        %add3A_445 = arith.constant 13 : i32
        %add3A_446 = arith.addi %add3A_243, %add3A_445 : i32
        %get3A_447 = arith.index_cast %add3A_446 : i32 to index
        %get3A_448 = arith.constant 0 : index
        %get3A_449 = tpu.vector_load %arg9[%get3A_447, %get3A_448] {strides = array<i32>} : memref<1024x96xbf16, #tpu.memory_space<vmem>>, vector<1x32xbf16>,
        %get3A_450 = vector.shape_cast %get3A_449 : vector<1x32xbf16> to vector<32xbf16>
        %add3A_451 = arith.constant 16 : i32
        %add3A_452 = arith.addi %add3A_243, %add3A_451 : i32
        %add3A_453 = arith.constant 13 : i32
        %add3A_454 = arith.addi %add3A_452, %add3A_453 : i32
        %get3A_455 = arith.index_cast %add3A_454 : i32 to index
        %get3A_456 = arith.constant 0 : index
        %get3A_457 = tpu.vector_load %arg9[%get3A_455, %get3A_456] {strides = array<i32>} : memref<1024x96xbf16, #tpu.memory_space<vmem>>, vector<1x32xbf16>,
        %get3A_458 = vector.shape_cast %get3A_457 : vector<1x32xbf16> to vector<32xbf16>
        %sub3A_459 = arith.subf %get3A_450, %get3A_458 : vector<32xbf16>
        %max3A_460 = arith.maximumf %max3A_444, %sub3A_459 : vector<32xbf16>
        %add3A_461 = arith.constant 14 : i32
        %add3A_462 = arith.addi %add3A_243, %add3A_461 : i32
        %get3A_463 = arith.index_cast %add3A_462 : i32 to index
        %get3A_464 = arith.constant 0 : index
        %get3A_465 = tpu.vector_load %arg9[%get3A_463, %get3A_464] {strides = array<i32>} : memref<1024x96xbf16, #tpu.memory_space<vmem>>, vector<1x32xbf16>,
        %get3A_466 = vector.shape_cast %get3A_465 : vector<1x32xbf16> to vector<32xbf16>
        %add3A_467 = arith.constant 16 : i32
        %add3A_468 = arith.addi %add3A_243, %add3A_467 : i32
        %add3A_469 = arith.constant 14 : i32
        %add3A_470 = arith.addi %add3A_468, %add3A_469 : i32
        %get3A_471 = arith.index_cast %add3A_470 : i32 to index
        %get3A_472 = arith.constant 0 : index
        %get3A_473 = tpu.vector_load %arg9[%get3A_471, %get3A_472] {strides = array<i32>} : memref<1024x96xbf16, #tpu.memory_space<vmem>>, vector<1x32xbf16>,
        %get3A_474 = vector.shape_cast %get3A_473 : vector<1x32xbf16> to vector<32xbf16>
        %sub3A_475 = arith.subf %get3A_466, %get3A_474 : vector<32xbf16>
        %max3A_476 = arith.maximumf %max3A_460, %sub3A_475 : vector<32xbf16>
        %add3A_477 = arith.constant 15 : i32
        %add3A_478 = arith.addi %add3A_243, %add3A_477 : i32
        %get3A_479 = arith.index_cast %add3A_478 : i32 to index
        %get3A_480 = arith.constant 0 : index
        %get3A_481 = tpu.vector_load %arg9[%get3A_479, %get3A_480] {strides = array<i32>} : memref<1024x96xbf16, #tpu.memory_space<vmem>>, vector<1x32xbf16>,
        %get3A_482 = vector.shape_cast %get3A_481 : vector<1x32xbf16> to vector<32xbf16>
        %add3A_483 = arith.constant 16 : i32
        %add3A_484 = arith.addi %add3A_243, %add3A_483 : i32
        %add3A_485 = arith.constant 15 : i32
        %add3A_486 = arith.addi %add3A_484, %add3A_485 : i32
        %get3A_487 = arith.index_cast %add3A_486 : i32 to index
        %get3A_488 = arith.constant 0 : index
        %get3A_489 = tpu.vector_load %arg9[%get3A_487, %get3A_488] {strides = array<i32>} : memref<1024x96xbf16, #tpu.memory_space<vmem>>, vector<1x32xbf16>,
        %get3A_490 = vector.shape_cast %get3A_489 : vector<1x32xbf16> to vector<32xbf16>
        %sub3A_491 = arith.subf %get3A_482, %get3A_490 : vector<32xbf16>
        %max3A_492 = arith.maximumf %max3A_476, %sub3A_491 : vector<32xbf16>
        %mul3A_493 = arith.constant 96 : i32
        %mul3A_494 = arith.muli %scan3A_237, %mul3A_493 : i32
        %add3A_495 = arith.constant 0 : i32
        %add3A_496 = arith.addi %add3A_495, %mul3A_494 : i32
        %add3A_497 = arith.constant 0 : i32
        %add3A_498 = arith.addi %add3A_496, %add3A_497 : i32
        %swap3A = arith.index_cast %add3A_498 : i32 to index
        %swap3A_499 = tpu.vector_load %arg10[%swap3A] {strides = array<i32>} : memref<3072xbf16, #tpu.memory_space<vmem>>, vector<32xbf16>,
        %swap3A_500 = vector.shape_cast %swap3A_499 : vector<32xbf16> to vector<32xbf16>
        %swap3A_501 = vector.shape_cast %max3A_492 : vector<32xbf16> to vector<32xbf16>
        tpu.vector_store %arg10[%swap3A], %swap3A_501 {strides = array<i32>} : memref<3072xbf16, #tpu.memory_space<vmem>>, vector<32xbf16>,
        %get3A_502 = arith.index_cast %add3A_243 : i32 to index
        %get3A_503 = arith.constant 32 : index
        %get3A_504 = tpu.vector_load %arg9[%get3A_502, %get3A_503] {strides = array<i32>} : memref<1024x96xbf16, #tpu.memory_space<vmem>>, vector<1x32xbf16>,
        %get3A_505 = vector.shape_cast %get3A_504 : vector<1x32xbf16> to vector<32xbf16>
        %add3A_506 = arith.constant 16 : i32
        %add3A_507 = arith.addi %add3A_243, %add3A_506 : i32
        %get3A_508 = arith.index_cast %add3A_507 : i32 to index
        %get3A_509 = arith.constant 32 : index
        %get3A_510 = tpu.vector_load %arg9[%get3A_508, %get3A_509] {strides = array<i32>} : memref<1024x96xbf16, #tpu.memory_space<vmem>>, vector<1x32xbf16>,
        %get3A_511 = vector.shape_cast %get3A_510 : vector<1x32xbf16> to vector<32xbf16>
        %sub3A_512 = arith.subf %get3A_505, %get3A_511 : vector<32xbf16>
        %add3A_513 = arith.constant 1 : i32
        %add3A_514 = arith.addi %add3A_243, %add3A_513 : i32
        %get3A_515 = arith.index_cast %add3A_514 : i32 to index
        %get3A_516 = arith.constant 32 : index
        %get3A_517 = tpu.vector_load %arg9[%get3A_515, %get3A_516] {strides = array<i32>} : memref<1024x96xbf16, #tpu.memory_space<vmem>>, vector<1x32xbf16>,
        %get3A_518 = vector.shape_cast %get3A_517 : vector<1x32xbf16> to vector<32xbf16>
        %add3A_519 = arith.constant 16 : i32
        %add3A_520 = arith.addi %add3A_243, %add3A_519 : i32
        %add3A_521 = arith.constant 1 : i32
        %add3A_522 = arith.addi %add3A_520, %add3A_521 : i32
        %get3A_523 = arith.index_cast %add3A_522 : i32 to index
        %get3A_524 = arith.constant 32 : index
        %get3A_525 = tpu.vector_load %arg9[%get3A_523, %get3A_524] {strides = array<i32>} : memref<1024x96xbf16, #tpu.memory_space<vmem>>, vector<1x32xbf16>,
        %get3A_526 = vector.shape_cast %get3A_525 : vector<1x32xbf16> to vector<32xbf16>
        %sub3A_527 = arith.subf %get3A_518, %get3A_526 : vector<32xbf16>
        %max3A_528 = arith.maximumf %sub3A_512, %sub3A_527 : vector<32xbf16>
        %add3A_529 = arith.constant 2 : i32
        %add3A_530 = arith.addi %add3A_243, %add3A_529 : i32
        %get3A_531 = arith.index_cast %add3A_530 : i32 to index
        %get3A_532 = arith.constant 32 : index
        %get3A_533 = tpu.vector_load %arg9[%get3A_531, %get3A_532] {strides = array<i32>} : memref<1024x96xbf16, #tpu.memory_space<vmem>>, vector<1x32xbf16>,
        %get3A_534 = vector.shape_cast %get3A_533 : vector<1x32xbf16> to vector<32xbf16>
        %add3A_535 = arith.constant 16 : i32
        %add3A_536 = arith.addi %add3A_243, %add3A_535 : i32
        %add3A_537 = arith.constant 2 : i32
        %add3A_538 = arith.addi %add3A_536, %add3A_537 : i32
        %get3A_539 = arith.index_cast %add3A_538 : i32 to index
        %get3A_540 = arith.constant 32 : index
        %get3A_541 = tpu.vector_load %arg9[%get3A_539, %get3A_540] {strides = array<i32>} : memref<1024x96xbf16, #tpu.memory_space<vmem>>, vector<1x32xbf16>,
        %get3A_542 = vector.shape_cast %get3A_541 : vector<1x32xbf16> to vector<32xbf16>
        %sub3A_543 = arith.subf %get3A_534, %get3A_542 : vector<32xbf16>
        %max3A_544 = arith.maximumf %max3A_528, %sub3A_543 : vector<32xbf16>
        %add3A_545 = arith.constant 3 : i32
        %add3A_546 = arith.addi %add3A_243, %add3A_545 : i32
        %get3A_547 = arith.index_cast %add3A_546 : i32 to index
        %get3A_548 = arith.constant 32 : index
        %get3A_549 = tpu.vector_load %arg9[%get3A_547, %get3A_548] {strides = array<i32>} : memref<1024x96xbf16, #tpu.memory_space<vmem>>, vector<1x32xbf16>,
        %get3A_550 = vector.shape_cast %get3A_549 : vector<1x32xbf16> to vector<32xbf16>
        %add3A_551 = arith.constant 16 : i32
        %add3A_552 = arith.addi %add3A_243, %add3A_551 : i32
        %add3A_553 = arith.constant 3 : i32
        %add3A_554 = arith.addi %add3A_552, %add3A_553 : i32
        %get3A_555 = arith.index_cast %add3A_554 : i32 to index
        %get3A_556 = arith.constant 32 : index
        %get3A_557 = tpu.vector_load %arg9[%get3A_555, %get3A_556] {strides = array<i32>} : memref<1024x96xbf16, #tpu.memory_space<vmem>>, vector<1x32xbf16>,
        %get3A_558 = vector.shape_cast %get3A_557 : vector<1x32xbf16> to vector<32xbf16>
        %sub3A_559 = arith.subf %get3A_550, %get3A_558 : vector<32xbf16>
        %max3A_560 = arith.maximumf %max3A_544, %sub3A_559 : vector<32xbf16>
        %add3A_561 = arith.constant 4 : i32
        %add3A_562 = arith.addi %add3A_243, %add3A_561 : i32
        %get3A_563 = arith.index_cast %add3A_562 : i32 to index
        %get3A_564 = arith.constant 32 : index
        %get3A_565 = tpu.vector_load %arg9[%get3A_563, %get3A_564] {strides = array<i32>} : memref<1024x96xbf16, #tpu.memory_space<vmem>>, vector<1x32xbf16>,
        %get3A_566 = vector.shape_cast %get3A_565 : vector<1x32xbf16> to vector<32xbf16>
        %add3A_567 = arith.constant 16 : i32
        %add3A_568 = arith.addi %add3A_243, %add3A_567 : i32
        %add3A_569 = arith.constant 4 : i32
        %add3A_570 = arith.addi %add3A_568, %add3A_569 : i32
        %get3A_571 = arith.index_cast %add3A_570 : i32 to index
        %get3A_572 = arith.constant 32 : index
        %get3A_573 = tpu.vector_load %arg9[%get3A_571, %get3A_572] {strides = array<i32>} : memref<1024x96xbf16, #tpu.memory_space<vmem>>, vector<1x32xbf16>,
        %get3A_574 = vector.shape_cast %get3A_573 : vector<1x32xbf16> to vector<32xbf16>
        %sub3A_575 = arith.subf %get3A_566, %get3A_574 : vector<32xbf16>
        %max3A_576 = arith.maximumf %max3A_560, %sub3A_575 : vector<32xbf16>
        %add3A_577 = arith.constant 5 : i32
        %add3A_578 = arith.addi %add3A_243, %add3A_577 : i32
        %get3A_579 = arith.index_cast %add3A_578 : i32 to index
        %get3A_580 = arith.constant 32 : index
        %get3A_581 = tpu.vector_load %arg9[%get3A_579, %get3A_580] {strides = array<i32>} : memref<1024x96xbf16, #tpu.memory_space<vmem>>, vector<1x32xbf16>,
        %get3A_582 = vector.shape_cast %get3A_581 : vector<1x32xbf16> to vector<32xbf16>
        %add3A_583 = arith.constant 16 : i32
        %add3A_584 = arith.addi %add3A_243, %add3A_583 : i32
        %add3A_585 = arith.constant 5 : i32
        %add3A_586 = arith.addi %add3A_584, %add3A_585 : i32
        %get3A_587 = arith.index_cast %add3A_586 : i32 to index
        %get3A_588 = arith.constant 32 : index
        %get3A_589 = tpu.vector_load %arg9[%get3A_587, %get3A_588] {strides = array<i32>} : memref<1024x96xbf16, #tpu.memory_space<vmem>>, vector<1x32xbf16>,
        %get3A_590 = vector.shape_cast %get3A_589 : vector<1x32xbf16> to vector<32xbf16>
        %sub3A_591 = arith.subf %get3A_582, %get3A_590 : vector<32xbf16>
        %max3A_592 = arith.maximumf %max3A_576, %sub3A_591 : vector<32xbf16>
        %add3A_593 = arith.constant 6 : i32
        %add3A_594 = arith.addi %add3A_243, %add3A_593 : i32
        %get3A_595 = arith.index_cast %add3A_594 : i32 to index
        %get3A_596 = arith.constant 32 : index
        %get3A_597 = tpu.vector_load %arg9[%get3A_595, %get3A_596] {strides = array<i32>} : memref<1024x96xbf16, #tpu.memory_space<vmem>>, vector<1x32xbf16>,
        %get3A_598 = vector.shape_cast %get3A_597 : vector<1x32xbf16> to vector<32xbf16>
        %add3A_599 = arith.constant 16 : i32
        %add3A_600 = arith.addi %add3A_243, %add3A_599 : i32
        %add3A_601 = arith.constant 6 : i32
        %add3A_602 = arith.addi %add3A_600, %add3A_601 : i32
        %get3A_603 = arith.index_cast %add3A_602 : i32 to index
        %get3A_604 = arith.constant 32 : index
        %get3A_605 = tpu.vector_load %arg9[%get3A_603, %get3A_604] {strides = array<i32>} : memref<1024x96xbf16, #tpu.memory_space<vmem>>, vector<1x32xbf16>,
        %get3A_606 = vector.shape_cast %get3A_605 : vector<1x32xbf16> to vector<32xbf16>
        %sub3A_607 = arith.subf %get3A_598, %get3A_606 : vector<32xbf16>
        %max3A_608 = arith.maximumf %max3A_592, %sub3A_607 : vector<32xbf16>
        %add3A_609 = arith.constant 7 : i32
        %add3A_610 = arith.addi %add3A_243, %add3A_609 : i32
        %get3A_611 = arith.index_cast %add3A_610 : i32 to index
        %get3A_612 = arith.constant 32 : index
        %get3A_613 = tpu.vector_load %arg9[%get3A_611, %get3A_612] {strides = array<i32>} : memref<1024x96xbf16, #tpu.memory_space<vmem>>, vector<1x32xbf16>,
        %get3A_614 = vector.shape_cast %get3A_613 : vector<1x32xbf16> to vector<32xbf16>
        %add3A_615 = arith.constant 16 : i32
        %add3A_616 = arith.addi %add3A_243, %add3A_615 : i32
        %add3A_617 = arith.constant 7 : i32
        %add3A_618 = arith.addi %add3A_616, %add3A_617 : i32
        %get3A_619 = arith.index_cast %add3A_618 : i32 to index
        %get3A_620 = arith.constant 32 : index
        %get3A_621 = tpu.vector_load %arg9[%get3A_619, %get3A_620] {strides = array<i32>} : memref<1024x96xbf16, #tpu.memory_space<vmem>>, vector<1x32xbf16>,
        %get3A_622 = vector.shape_cast %get3A_621 : vector<1x32xbf16> to vector<32xbf16>
        %sub3A_623 = arith.subf %get3A_614, %get3A_622 : vector<32xbf16>
        %max3A_624 = arith.maximumf %max3A_608, %sub3A_623 : vector<32xbf16>
        %add3A_625 = arith.constant 8 : i32
        %add3A_626 = arith.addi %add3A_243, %add3A_625 : i32
        %get3A_627 = arith.index_cast %add3A_626 : i32 to index
        %get3A_628 = arith.constant 32 : index
        %get3A_629 = tpu.vector_load %arg9[%get3A_627, %get3A_628] {strides = array<i32>} : memref<1024x96xbf16, #tpu.memory_space<vmem>>, vector<1x32xbf16>,
        %get3A_630 = vector.shape_cast %get3A_629 : vector<1x32xbf16> to vector<32xbf16>
        %add3A_631 = arith.constant 16 : i32
        %add3A_632 = arith.addi %add3A_243, %add3A_631 : i32
        %add3A_633 = arith.constant 8 : i32
        %add3A_634 = arith.addi %add3A_632, %add3A_633 : i32
        %get3A_635 = arith.index_cast %add3A_634 : i32 to index
        %get3A_636 = arith.constant 32 : index
        %get3A_637 = tpu.vector_load %arg9[%get3A_635, %get3A_636] {strides = array<i32>} : memref<1024x96xbf16, #tpu.memory_space<vmem>>, vector<1x32xbf16>,
        %get3A_638 = vector.shape_cast %get3A_637 : vector<1x32xbf16> to vector<32xbf16>
        %sub3A_639 = arith.subf %get3A_630, %get3A_638 : vector<32xbf16>
        %max3A_640 = arith.maximumf %max3A_624, %sub3A_639 : vector<32xbf16>
        %add3A_641 = arith.constant 9 : i32
        %add3A_642 = arith.addi %add3A_243, %add3A_641 : i32
        %get3A_643 = arith.index_cast %add3A_642 : i32 to index
        %get3A_644 = arith.constant 32 : index
        %get3A_645 = tpu.vector_load %arg9[%get3A_643, %get3A_644] {strides = array<i32>} : memref<1024x96xbf16, #tpu.memory_space<vmem>>, vector<1x32xbf16>,
        %get3A_646 = vector.shape_cast %get3A_645 : vector<1x32xbf16> to vector<32xbf16>
        %add3A_647 = arith.constant 16 : i32
        %add3A_648 = arith.addi %add3A_243, %add3A_647 : i32
        %add3A_649 = arith.constant 9 : i32
        %add3A_650 = arith.addi %add3A_648, %add3A_649 : i32
        %get3A_651 = arith.index_cast %add3A_650 : i32 to index
        %get3A_652 = arith.constant 32 : index
        %get3A_653 = tpu.vector_load %arg9[%get3A_651, %get3A_652] {strides = array<i32>} : memref<1024x96xbf16, #tpu.memory_space<vmem>>, vector<1x32xbf16>,
        %get3A_654 = vector.shape_cast %get3A_653 : vector<1x32xbf16> to vector<32xbf16>
        %sub3A_655 = arith.subf %get3A_646, %get3A_654 : vector<32xbf16>
        %max3A_656 = arith.maximumf %max3A_640, %sub3A_655 : vector<32xbf16>
        %add3A_657 = arith.constant 10 : i32
        %add3A_658 = arith.addi %add3A_243, %add3A_657 : i32
        %get3A_659 = arith.index_cast %add3A_658 : i32 to index
        %get3A_660 = arith.constant 32 : index
        %get3A_661 = tpu.vector_load %arg9[%get3A_659, %get3A_660] {strides = array<i32>} : memref<1024x96xbf16, #tpu.memory_space<vmem>>, vector<1x32xbf16>,
        %get3A_662 = vector.shape_cast %get3A_661 : vector<1x32xbf16> to vector<32xbf16>
        %add3A_663 = arith.constant 16 : i32
        %add3A_664 = arith.addi %add3A_243, %add3A_663 : i32
        %add3A_665 = arith.constant 10 : i32
        %add3A_666 = arith.addi %add3A_664, %add3A_665 : i32
        %get3A_667 = arith.index_cast %add3A_666 : i32 to index
        %get3A_668 = arith.constant 32 : index
        %get3A_669 = tpu.vector_load %arg9[%get3A_667, %get3A_668] {strides = array<i32>} : memref<1024x96xbf16, #tpu.memory_space<vmem>>, vector<1x32xbf16>,
        %get3A_670 = vector.shape_cast %get3A_669 : vector<1x32xbf16> to vector<32xbf16>
        %sub3A_671 = arith.subf %get3A_662, %get3A_670 : vector<32xbf16>
        %max3A_672 = arith.maximumf %max3A_656, %sub3A_671 : vector<32xbf16>
        %add3A_673 = arith.constant 11 : i32
        %add3A_674 = arith.addi %add3A_243, %add3A_673 : i32
        %get3A_675 = arith.index_cast %add3A_674 : i32 to index
        %get3A_676 = arith.constant 32 : index
        %get3A_677 = tpu.vector_load %arg9[%get3A_675, %get3A_676] {strides = array<i32>} : memref<1024x96xbf16, #tpu.memory_space<vmem>>, vector<1x32xbf16>,
        %get3A_678 = vector.shape_cast %get3A_677 : vector<1x32xbf16> to vector<32xbf16>
        %add3A_679 = arith.constant 16 : i32
        %add3A_680 = arith.addi %add3A_243, %add3A_679 : i32
        %add3A_681 = arith.constant 11 : i32
        %add3A_682 = arith.addi %add3A_680, %add3A_681 : i32
        %get3A_683 = arith.index_cast %add3A_682 : i32 to index
        %get3A_684 = arith.constant 32 : index
        %get3A_685 = tpu.vector_load %arg9[%get3A_683, %get3A_684] {strides = array<i32>} : memref<1024x96xbf16, #tpu.memory_space<vmem>>, vector<1x32xbf16>,
        %get3A_686 = vector.shape_cast %get3A_685 : vector<1x32xbf16> to vector<32xbf16>
        %sub3A_687 = arith.subf %get3A_678, %get3A_686 : vector<32xbf16>
        %max3A_688 = arith.maximumf %max3A_672, %sub3A_687 : vector<32xbf16>
        %add3A_689 = arith.constant 12 : i32
        %add3A_690 = arith.addi %add3A_243, %add3A_689 : i32
        %get3A_691 = arith.index_cast %add3A_690 : i32 to index
        %get3A_692 = arith.constant 32 : index
        %get3A_693 = tpu.vector_load %arg9[%get3A_691, %get3A_692] {strides = array<i32>} : memref<1024x96xbf16, #tpu.memory_space<vmem>>, vector<1x32xbf16>,
        %get3A_694 = vector.shape_cast %get3A_693 : vector<1x32xbf16> to vector<32xbf16>
        %add3A_695 = arith.constant 16 : i32
        %add3A_696 = arith.addi %add3A_243, %add3A_695 : i32
        %add3A_697 = arith.constant 12 : i32
        %add3A_698 = arith.addi %add3A_696, %add3A_697 : i32
        %get3A_699 = arith.index_cast %add3A_698 : i32 to index
        %get3A_700 = arith.constant 32 : index
        %get3A_701 = tpu.vector_load %arg9[%get3A_699, %get3A_700] {strides = array<i32>} : memref<1024x96xbf16, #tpu.memory_space<vmem>>, vector<1x32xbf16>,
        %get3A_702 = vector.shape_cast %get3A_701 : vector<1x32xbf16> to vector<32xbf16>
        %sub3A_703 = arith.subf %get3A_694, %get3A_702 : vector<32xbf16>
        %max3A_704 = arith.maximumf %max3A_688, %sub3A_703 : vector<32xbf16>
        %add3A_705 = arith.constant 13 : i32
        %add3A_706 = arith.addi %add3A_243, %add3A_705 : i32
        %get3A_707 = arith.index_cast %add3A_706 : i32 to index
        %get3A_708 = arith.constant 32 : index
        %get3A_709 = tpu.vector_load %arg9[%get3A_707, %get3A_708] {strides = array<i32>} : memref<1024x96xbf16, #tpu.memory_space<vmem>>, vector<1x32xbf16>,
        %get3A_710 = vector.shape_cast %get3A_709 : vector<1x32xbf16> to vector<32xbf16>
        %add3A_711 = arith.constant 16 : i32
        %add3A_712 = arith.addi %add3A_243, %add3A_711 : i32
        %add3A_713 = arith.constant 13 : i32
        %add3A_714 = arith.addi %add3A_712, %add3A_713 : i32
        %get3A_715 = arith.index_cast %add3A_714 : i32 to index
        %get3A_716 = arith.constant 32 : index
        %get3A_717 = tpu.vector_load %arg9[%get3A_715, %get3A_716] {strides = array<i32>} : memref<1024x96xbf16, #tpu.memory_space<vmem>>, vector<1x32xbf16>,
        %get3A_718 = vector.shape_cast %get3A_717 : vector<1x32xbf16> to vector<32xbf16>
        %sub3A_719 = arith.subf %get3A_710, %get3A_718 : vector<32xbf16>
        %max3A_720 = arith.maximumf %max3A_704, %sub3A_719 : vector<32xbf16>
        %add3A_721 = arith.constant 14 : i32
        %add3A_722 = arith.addi %add3A_243, %add3A_721 : i32
        %get3A_723 = arith.index_cast %add3A_722 : i32 to index
        %get3A_724 = arith.constant 32 : index
        %get3A_725 = tpu.vector_load %arg9[%get3A_723, %get3A_724] {strides = array<i32>} : memref<1024x96xbf16, #tpu.memory_space<vmem>>, vector<1x32xbf16>,
        %get3A_726 = vector.shape_cast %get3A_725 : vector<1x32xbf16> to vector<32xbf16>
        %add3A_727 = arith.constant 16 : i32
        %add3A_728 = arith.addi %add3A_243, %add3A_727 : i32
        %add3A_729 = arith.constant 14 : i32
        %add3A_730 = arith.addi %add3A_728, %add3A_729 : i32
        %get3A_731 = arith.index_cast %add3A_730 : i32 to index
        %get3A_732 = arith.constant 32 : index
        %get3A_733 = tpu.vector_load %arg9[%get3A_731, %get3A_732] {strides = array<i32>} : memref<1024x96xbf16, #tpu.memory_space<vmem>>, vector<1x32xbf16>,
        %get3A_734 = vector.shape_cast %get3A_733 : vector<1x32xbf16> to vector<32xbf16>
        %sub3A_735 = arith.subf %get3A_726, %get3A_734 : vector<32xbf16>
        %max3A_736 = arith.maximumf %max3A_720, %sub3A_735 : vector<32xbf16>
        %add3A_737 = arith.constant 15 : i32
        %add3A_738 = arith.addi %add3A_243, %add3A_737 : i32
        %get3A_739 = arith.index_cast %add3A_738 : i32 to index
        %get3A_740 = arith.constant 32 : index
        %get3A_741 = tpu.vector_load %arg9[%get3A_739, %get3A_740] {strides = array<i32>} : memref<1024x96xbf16, #tpu.memory_space<vmem>>, vector<1x32xbf16>,
        %get3A_742 = vector.shape_cast %get3A_741 : vector<1x32xbf16> to vector<32xbf16>
        %add3A_743 = arith.constant 16 : i32
        %add3A_744 = arith.addi %add3A_243, %add3A_743 : i32
        %add3A_745 = arith.constant 15 : i32
        %add3A_746 = arith.addi %add3A_744, %add3A_745 : i32
        %get3A_747 = arith.index_cast %add3A_746 : i32 to index
        %get3A_748 = arith.constant 32 : index
        %get3A_749 = tpu.vector_load %arg9[%get3A_747, %get3A_748] {strides = array<i32>} : memref<1024x96xbf16, #tpu.memory_space<vmem>>, vector<1x32xbf16>,
        %get3A_750 = vector.shape_cast %get3A_749 : vector<1x32xbf16> to vector<32xbf16>
        %sub3A_751 = arith.subf %get3A_742, %get3A_750 : vector<32xbf16>
        %max3A_752 = arith.maximumf %max3A_736, %sub3A_751 : vector<32xbf16>
        %mul3A_753 = arith.constant 96 : i32
        %mul3A_754 = arith.muli %scan3A_237, %mul3A_753 : i32
        %add3A_755 = arith.constant 0 : i32
        %add3A_756 = arith.addi %add3A_755, %mul3A_754 : i32
        %add3A_757 = arith.constant 32 : i32
        %add3A_758 = arith.addi %add3A_756, %add3A_757 : i32
        %swap3A_759 = arith.index_cast %add3A_758 : i32 to index
        %swap3A_760 = tpu.vector_load %arg10[%swap3A_759] {strides = array<i32>} : memref<3072xbf16, #tpu.memory_space<vmem>>, vector<32xbf16>,
        %swap3A_761 = vector.shape_cast %swap3A_760 : vector<32xbf16> to vector<32xbf16>
        %swap3A_762 = vector.shape_cast %max3A_752 : vector<32xbf16> to vector<32xbf16>
        tpu.vector_store %arg10[%swap3A_759], %swap3A_762 {strides = array<i32>} : memref<3072xbf16, #tpu.memory_space<vmem>>, vector<32xbf16>,
        %get3A_763 = arith.index_cast %add3A_243 : i32 to index
        %get3A_764 = arith.constant 64 : index
        %get3A_765 = tpu.vector_load %arg9[%get3A_763, %get3A_764] {strides = array<i32>} : memref<1024x96xbf16, #tpu.memory_space<vmem>>, vector<1x32xbf16>,
        %get3A_766 = vector.shape_cast %get3A_765 : vector<1x32xbf16> to vector<32xbf16>
        %add3A_767 = arith.constant 16 : i32
        %add3A_768 = arith.addi %add3A_243, %add3A_767 : i32
        %get3A_769 = arith.index_cast %add3A_768 : i32 to index
        %get3A_770 = arith.constant 64 : index
        %get3A_771 = tpu.vector_load %arg9[%get3A_769, %get3A_770] {strides = array<i32>} : memref<1024x96xbf16, #tpu.memory_space<vmem>>, vector<1x32xbf16>,
        %get3A_772 = vector.shape_cast %get3A_771 : vector<1x32xbf16> to vector<32xbf16>
        %sub3A_773 = arith.subf %get3A_766, %get3A_772 : vector<32xbf16>
        %add3A_774 = arith.constant 1 : i32
        %add3A_775 = arith.addi %add3A_243, %add3A_774 : i32
        %get3A_776 = arith.index_cast %add3A_775 : i32 to index
        %get3A_777 = arith.constant 64 : index
        %get3A_778 = tpu.vector_load %arg9[%get3A_776, %get3A_777] {strides = array<i32>} : memref<1024x96xbf16, #tpu.memory_space<vmem>>, vector<1x32xbf16>,
        %get3A_779 = vector.shape_cast %get3A_778 : vector<1x32xbf16> to vector<32xbf16>
        %add3A_780 = arith.constant 16 : i32
        %add3A_781 = arith.addi %add3A_243, %add3A_780 : i32
        %add3A_782 = arith.constant 1 : i32
        %add3A_783 = arith.addi %add3A_781, %add3A_782 : i32
        %get3A_784 = arith.index_cast %add3A_783 : i32 to index
        %get3A_785 = arith.constant 64 : index
        %get3A_786 = tpu.vector_load %arg9[%get3A_784, %get3A_785] {strides = array<i32>} : memref<1024x96xbf16, #tpu.memory_space<vmem>>, vector<1x32xbf16>,
        %get3A_787 = vector.shape_cast %get3A_786 : vector<1x32xbf16> to vector<32xbf16>
        %sub3A_788 = arith.subf %get3A_779, %get3A_787 : vector<32xbf16>
        %max3A_789 = arith.maximumf %sub3A_773, %sub3A_788 : vector<32xbf16>
        %add3A_790 = arith.constant 2 : i32
        %add3A_791 = arith.addi %add3A_243, %add3A_790 : i32
        %get3A_792 = arith.index_cast %add3A_791 : i32 to index
        %get3A_793 = arith.constant 64 : index
        %get3A_794 = tpu.vector_load %arg9[%get3A_792, %get3A_793] {strides = array<i32>} : memref<1024x96xbf16, #tpu.memory_space<vmem>>, vector<1x32xbf16>,
        %get3A_795 = vector.shape_cast %get3A_794 : vector<1x32xbf16> to vector<32xbf16>
        %add3A_796 = arith.constant 16 : i32
        %add3A_797 = arith.addi %add3A_243, %add3A_796 : i32
        %add3A_798 = arith.constant 2 : i32
        %add3A_799 = arith.addi %add3A_797, %add3A_798 : i32
        %get3A_800 = arith.index_cast %add3A_799 : i32 to index
        %get3A_801 = arith.constant 64 : index
        %get3A_802 = tpu.vector_load %arg9[%get3A_800, %get3A_801] {strides = array<i32>} : memref<1024x96xbf16, #tpu.memory_space<vmem>>, vector<1x32xbf16>,
        %get3A_803 = vector.shape_cast %get3A_802 : vector<1x32xbf16> to vector<32xbf16>
        %sub3A_804 = arith.subf %get3A_795, %get3A_803 : vector<32xbf16>
        %max3A_805 = arith.maximumf %max3A_789, %sub3A_804 : vector<32xbf16>
        %add3A_806 = arith.constant 3 : i32
        %add3A_807 = arith.addi %add3A_243, %add3A_806 : i32
        %get3A_808 = arith.index_cast %add3A_807 : i32 to index
        %get3A_809 = arith.constant 64 : index
        %get3A_810 = tpu.vector_load %arg9[%get3A_808, %get3A_809] {strides = array<i32>} : memref<1024x96xbf16, #tpu.memory_space<vmem>>, vector<1x32xbf16>,
        %get3A_811 = vector.shape_cast %get3A_810 : vector<1x32xbf16> to vector<32xbf16>
        %add3A_812 = arith.constant 16 : i32
        %add3A_813 = arith.addi %add3A_243, %add3A_812 : i32
        %add3A_814 = arith.constant 3 : i32
        %add3A_815 = arith.addi %add3A_813, %add3A_814 : i32
        %get3A_816 = arith.index_cast %add3A_815 : i32 to index
        %get3A_817 = arith.constant 64 : index
        %get3A_818 = tpu.vector_load %arg9[%get3A_816, %get3A_817] {strides = array<i32>} : memref<1024x96xbf16, #tpu.memory_space<vmem>>, vector<1x32xbf16>,
        %get3A_819 = vector.shape_cast %get3A_818 : vector<1x32xbf16> to vector<32xbf16>
        %sub3A_820 = arith.subf %get3A_811, %get3A_819 : vector<32xbf16>
        %max3A_821 = arith.maximumf %max3A_805, %sub3A_820 : vector<32xbf16>
        %add3A_822 = arith.constant 4 : i32
        %add3A_823 = arith.addi %add3A_243, %add3A_822 : i32
        %get3A_824 = arith.index_cast %add3A_823 : i32 to index
        %get3A_825 = arith.constant 64 : index
        %get3A_826 = tpu.vector_load %arg9[%get3A_824, %get3A_825] {strides = array<i32>} : memref<1024x96xbf16, #tpu.memory_space<vmem>>, vector<1x32xbf16>,
        %get3A_827 = vector.shape_cast %get3A_826 : vector<1x32xbf16> to vector<32xbf16>
        %add3A_828 = arith.constant 16 : i32
        %add3A_829 = arith.addi %add3A_243, %add3A_828 : i32
        %add3A_830 = arith.constant 4 : i32
        %add3A_831 = arith.addi %add3A_829, %add3A_830 : i32
        %get3A_832 = arith.index_cast %add3A_831 : i32 to index
        %get3A_833 = arith.constant 64 : index
        %get3A_834 = tpu.vector_load %arg9[%get3A_832, %get3A_833] {strides = array<i32>} : memref<1024x96xbf16, #tpu.memory_space<vmem>>, vector<1x32xbf16>,
        %get3A_835 = vector.shape_cast %get3A_834 : vector<1x32xbf16> to vector<32xbf16>
        %sub3A_836 = arith.subf %get3A_827, %get3A_835 : vector<32xbf16>
        %max3A_837 = arith.maximumf %max3A_821, %sub3A_836 : vector<32xbf16>
        %add3A_838 = arith.constant 5 : i32
        %add3A_839 = arith.addi %add3A_243, %add3A_838 : i32
        %get3A_840 = arith.index_cast %add3A_839 : i32 to index
        %get3A_841 = arith.constant 64 : index
        %get3A_842 = tpu.vector_load %arg9[%get3A_840, %get3A_841] {strides = array<i32>} : memref<1024x96xbf16, #tpu.memory_space<vmem>>, vector<1x32xbf16>,
        %get3A_843 = vector.shape_cast %get3A_842 : vector<1x32xbf16> to vector<32xbf16>
        %add3A_844 = arith.constant 16 : i32
        %add3A_845 = arith.addi %add3A_243, %add3A_844 : i32
        %add3A_846 = arith.constant 5 : i32
        %add3A_847 = arith.addi %add3A_845, %add3A_846 : i32
        %get3A_848 = arith.index_cast %add3A_847 : i32 to index
        %get3A_849 = arith.constant 64 : index
        %get3A_850 = tpu.vector_load %arg9[%get3A_848, %get3A_849] {strides = array<i32>} : memref<1024x96xbf16, #tpu.memory_space<vmem>>, vector<1x32xbf16>,
        %get3A_851 = vector.shape_cast %get3A_850 : vector<1x32xbf16> to vector<32xbf16>
        %sub3A_852 = arith.subf %get3A_843, %get3A_851 : vector<32xbf16>
        %max3A_853 = arith.maximumf %max3A_837, %sub3A_852 : vector<32xbf16>
        %add3A_854 = arith.constant 6 : i32
        %add3A_855 = arith.addi %add3A_243, %add3A_854 : i32
        %get3A_856 = arith.index_cast %add3A_855 : i32 to index
        %get3A_857 = arith.constant 64 : index
        %get3A_858 = tpu.vector_load %arg9[%get3A_856, %get3A_857] {strides = array<i32>} : memref<1024x96xbf16, #tpu.memory_space<vmem>>, vector<1x32xbf16>,
        %get3A_859 = vector.shape_cast %get3A_858 : vector<1x32xbf16> to vector<32xbf16>
        %add3A_860 = arith.constant 16 : i32
        %add3A_861 = arith.addi %add3A_243, %add3A_860 : i32
        %add3A_862 = arith.constant 6 : i32
        %add3A_863 = arith.addi %add3A_861, %add3A_862 : i32
        %get3A_864 = arith.index_cast %add3A_863 : i32 to index
        %get3A_865 = arith.constant 64 : index
        %get3A_866 = tpu.vector_load %arg9[%get3A_864, %get3A_865] {strides = array<i32>} : memref<1024x96xbf16, #tpu.memory_space<vmem>>, vector<1x32xbf16>,
        %get3A_867 = vector.shape_cast %get3A_866 : vector<1x32xbf16> to vector<32xbf16>
        %sub3A_868 = arith.subf %get3A_859, %get3A_867 : vector<32xbf16>
        %max3A_869 = arith.maximumf %max3A_853, %sub3A_868 : vector<32xbf16>
        %add3A_870 = arith.constant 7 : i32
        %add3A_871 = arith.addi %add3A_243, %add3A_870 : i32
        %get3A_872 = arith.index_cast %add3A_871 : i32 to index
        %get3A_873 = arith.constant 64 : index
        %get3A_874 = tpu.vector_load %arg9[%get3A_872, %get3A_873] {strides = array<i32>} : memref<1024x96xbf16, #tpu.memory_space<vmem>>, vector<1x32xbf16>,
        %get3A_875 = vector.shape_cast %get3A_874 : vector<1x32xbf16> to vector<32xbf16>
        %add3A_876 = arith.constant 16 : i32
        %add3A_877 = arith.addi %add3A_243, %add3A_876 : i32
        %add3A_878 = arith.constant 7 : i32
        %add3A_879 = arith.addi %add3A_877, %add3A_878 : i32
        %get3A_880 = arith.index_cast %add3A_879 : i32 to index
        %get3A_881 = arith.constant 64 : index
        %get3A_882 = tpu.vector_load %arg9[%get3A_880, %get3A_881] {strides = array<i32>} : memref<1024x96xbf16, #tpu.memory_space<vmem>>, vector<1x32xbf16>,
        %get3A_883 = vector.shape_cast %get3A_882 : vector<1x32xbf16> to vector<32xbf16>
        %sub3A_884 = arith.subf %get3A_875, %get3A_883 : vector<32xbf16>
        %max3A_885 = arith.maximumf %max3A_869, %sub3A_884 : vector<32xbf16>
        %add3A_886 = arith.constant 8 : i32
        %add3A_887 = arith.addi %add3A_243, %add3A_886 : i32
        %get3A_888 = arith.index_cast %add3A_887 : i32 to index
        %get3A_889 = arith.constant 64 : index
        %get3A_890 = tpu.vector_load %arg9[%get3A_888, %get3A_889] {strides = array<i32>} : memref<1024x96xbf16, #tpu.memory_space<vmem>>, vector<1x32xbf16>,
        %get3A_891 = vector.shape_cast %get3A_890 : vector<1x32xbf16> to vector<32xbf16>
        %add3A_892 = arith.constant 16 : i32
        %add3A_893 = arith.addi %add3A_243, %add3A_892 : i32
        %add3A_894 = arith.constant 8 : i32
        %add3A_895 = arith.addi %add3A_893, %add3A_894 : i32
        %get3A_896 = arith.index_cast %add3A_895 : i32 to index
        %get3A_897 = arith.constant 64 : index
        %get3A_898 = tpu.vector_load %arg9[%get3A_896, %get3A_897] {strides = array<i32>} : memref<1024x96xbf16, #tpu.memory_space<vmem>>, vector<1x32xbf16>,
        %get3A_899 = vector.shape_cast %get3A_898 : vector<1x32xbf16> to vector<32xbf16>
        %sub3A_900 = arith.subf %get3A_891, %get3A_899 : vector<32xbf16>
        %max3A_901 = arith.maximumf %max3A_885, %sub3A_900 : vector<32xbf16>
        %add3A_902 = arith.constant 9 : i32
        %add3A_903 = arith.addi %add3A_243, %add3A_902 : i32
        %get3A_904 = arith.index_cast %add3A_903 : i32 to index
        %get3A_905 = arith.constant 64 : index
        %get3A_906 = tpu.vector_load %arg9[%get3A_904, %get3A_905] {strides = array<i32>} : memref<1024x96xbf16, #tpu.memory_space<vmem>>, vector<1x32xbf16>,
        %get3A_907 = vector.shape_cast %get3A_906 : vector<1x32xbf16> to vector<32xbf16>
        %add3A_908 = arith.constant 16 : i32
        %add3A_909 = arith.addi %add3A_243, %add3A_908 : i32
        %add3A_910 = arith.constant 9 : i32
        %add3A_911 = arith.addi %add3A_909, %add3A_910 : i32
        %get3A_912 = arith.index_cast %add3A_911 : i32 to index
        %get3A_913 = arith.constant 64 : index
        %get3A_914 = tpu.vector_load %arg9[%get3A_912, %get3A_913] {strides = array<i32>} : memref<1024x96xbf16, #tpu.memory_space<vmem>>, vector<1x32xbf16>,
        %get3A_915 = vector.shape_cast %get3A_914 : vector<1x32xbf16> to vector<32xbf16>
        %sub3A_916 = arith.subf %get3A_907, %get3A_915 : vector<32xbf16>
        %max3A_917 = arith.maximumf %max3A_901, %sub3A_916 : vector<32xbf16>
        %add3A_918 = arith.constant 10 : i32
        %add3A_919 = arith.addi %add3A_243, %add3A_918 : i32
        %get3A_920 = arith.index_cast %add3A_919 : i32 to index
        %get3A_921 = arith.constant 64 : index
        %get3A_922 = tpu.vector_load %arg9[%get3A_920, %get3A_921] {strides = array<i32>} : memref<1024x96xbf16, #tpu.memory_space<vmem>>, vector<1x32xbf16>,
        %get3A_923 = vector.shape_cast %get3A_922 : vector<1x32xbf16> to vector<32xbf16>
        %add3A_924 = arith.constant 16 : i32
        %add3A_925 = arith.addi %add3A_243, %add3A_924 : i32
        %add3A_926 = arith.constant 10 : i32
        %add3A_927 = arith.addi %add3A_925, %add3A_926 : i32
        %get3A_928 = arith.index_cast %add3A_927 : i32 to index
        %get3A_929 = arith.constant 64 : index
        %get3A_930 = tpu.vector_load %arg9[%get3A_928, %get3A_929] {strides = array<i32>} : memref<1024x96xbf16, #tpu.memory_space<vmem>>, vector<1x32xbf16>,
        %get3A_931 = vector.shape_cast %get3A_930 : vector<1x32xbf16> to vector<32xbf16>
        %sub3A_932 = arith.subf %get3A_923, %get3A_931 : vector<32xbf16>
        %max3A_933 = arith.maximumf %max3A_917, %sub3A_932 : vector<32xbf16>
        %add3A_934 = arith.constant 11 : i32
        %add3A_935 = arith.addi %add3A_243, %add3A_934 : i32
        %get3A_936 = arith.index_cast %add3A_935 : i32 to index
        %get3A_937 = arith.constant 64 : index
        %get3A_938 = tpu.vector_load %arg9[%get3A_936, %get3A_937] {strides = array<i32>} : memref<1024x96xbf16, #tpu.memory_space<vmem>>, vector<1x32xbf16>,
        %get3A_939 = vector.shape_cast %get3A_938 : vector<1x32xbf16> to vector<32xbf16>
        %add3A_940 = arith.constant 16 : i32
        %add3A_941 = arith.addi %add3A_243, %add3A_940 : i32
        %add3A_942 = arith.constant 11 : i32
        %add3A_943 = arith.addi %add3A_941, %add3A_942 : i32
        %get3A_944 = arith.index_cast %add3A_943 : i32 to index
        %get3A_945 = arith.constant 64 : index
        %get3A_946 = tpu.vector_load %arg9[%get3A_944, %get3A_945] {strides = array<i32>} : memref<1024x96xbf16, #tpu.memory_space<vmem>>, vector<1x32xbf16>,
        %get3A_947 = vector.shape_cast %get3A_946 : vector<1x32xbf16> to vector<32xbf16>
        %sub3A_948 = arith.subf %get3A_939, %get3A_947 : vector<32xbf16>
        %max3A_949 = arith.maximumf %max3A_933, %sub3A_948 : vector<32xbf16>
        %add3A_950 = arith.constant 12 : i32
        %add3A_951 = arith.addi %add3A_243, %add3A_950 : i32
        %get3A_952 = arith.index_cast %add3A_951 : i32 to index
        %get3A_953 = arith.constant 64 : index
        %get3A_954 = tpu.vector_load %arg9[%get3A_952, %get3A_953] {strides = array<i32>} : memref<1024x96xbf16, #tpu.memory_space<vmem>>, vector<1x32xbf16>,
        %get3A_955 = vector.shape_cast %get3A_954 : vector<1x32xbf16> to vector<32xbf16>
        %add3A_956 = arith.constant 16 : i32
        %add3A_957 = arith.addi %add3A_243, %add3A_956 : i32
        %add3A_958 = arith.constant 12 : i32
        %add3A_959 = arith.addi %add3A_957, %add3A_958 : i32
        %get3A_960 = arith.index_cast %add3A_959 : i32 to index
        %get3A_961 = arith.constant 64 : index
        %get3A_962 = tpu.vector_load %arg9[%get3A_960, %get3A_961] {strides = array<i32>} : memref<1024x96xbf16, #tpu.memory_space<vmem>>, vector<1x32xbf16>,
        %get3A_963 = vector.shape_cast %get3A_962 : vector<1x32xbf16> to vector<32xbf16>
        %sub3A_964 = arith.subf %get3A_955, %get3A_963 : vector<32xbf16>
        %max3A_965 = arith.maximumf %max3A_949, %sub3A_964 : vector<32xbf16>
        %add3A_966 = arith.constant 13 : i32
        %add3A_967 = arith.addi %add3A_243, %add3A_966 : i32
        %get3A_968 = arith.index_cast %add3A_967 : i32 to index
        %get3A_969 = arith.constant 64 : index
        %get3A_970 = tpu.vector_load %arg9[%get3A_968, %get3A_969] {strides = array<i32>} : memref<1024x96xbf16, #tpu.memory_space<vmem>>, vector<1x32xbf16>,
        %get3A_971 = vector.shape_cast %get3A_970 : vector<1x32xbf16> to vector<32xbf16>
        %add3A_972 = arith.constant 16 : i32
        %add3A_973 = arith.addi %add3A_243, %add3A_972 : i32
        %add3A_974 = arith.constant 13 : i32
        %add3A_975 = arith.addi %add3A_973, %add3A_974 : i32
        %get3A_976 = arith.index_cast %add3A_975 : i32 to index
        %get3A_977 = arith.constant 64 : index
        %get3A_978 = tpu.vector_load %arg9[%get3A_976, %get3A_977] {strides = array<i32>} : memref<1024x96xbf16, #tpu.memory_space<vmem>>, vector<1x32xbf16>,
        %get3A_979 = vector.shape_cast %get3A_978 : vector<1x32xbf16> to vector<32xbf16>
        %sub3A_980 = arith.subf %get3A_971, %get3A_979 : vector<32xbf16>
        %max3A_981 = arith.maximumf %max3A_965, %sub3A_980 : vector<32xbf16>
        %add3A_982 = arith.constant 14 : i32
        %add3A_983 = arith.addi %add3A_243, %add3A_982 : i32
        %get3A_984 = arith.index_cast %add3A_983 : i32 to index
        %get3A_985 = arith.constant 64 : index
        %get3A_986 = tpu.vector_load %arg9[%get3A_984, %get3A_985] {strides = array<i32>} : memref<1024x96xbf16, #tpu.memory_space<vmem>>, vector<1x32xbf16>,
        %get3A_987 = vector.shape_cast %get3A_986 : vector<1x32xbf16> to vector<32xbf16>
        %add3A_988 = arith.constant 16 : i32
        %add3A_989 = arith.addi %add3A_243, %add3A_988 : i32
        %add3A_990 = arith.constant 14 : i32
        %add3A_991 = arith.addi %add3A_989, %add3A_990 : i32
        %get3A_992 = arith.index_cast %add3A_991 : i32 to index
        %get3A_993 = arith.constant 64 : index
        %get3A_994 = tpu.vector_load %arg9[%get3A_992, %get3A_993] {strides = array<i32>} : memref<1024x96xbf16, #tpu.memory_space<vmem>>, vector<1x32xbf16>,
        %get3A_995 = vector.shape_cast %get3A_994 : vector<1x32xbf16> to vector<32xbf16>
        %sub3A_996 = arith.subf %get3A_987, %get3A_995 : vector<32xbf16>
        %max3A_997 = arith.maximumf %max3A_981, %sub3A_996 : vector<32xbf16>
        %add3A_998 = arith.constant 15 : i32
        %add3A_999 = arith.addi %add3A_243, %add3A_998 : i32
        %get3A_1000 = arith.index_cast %add3A_999 : i32 to index
        %get3A_1001 = arith.constant 64 : index
        %get3A_1002 = tpu.vector_load %arg9[%get3A_1000, %get3A_1001] {strides = array<i32>} : memref<1024x96xbf16, #tpu.memory_space<vmem>>, vector<1x32xbf16>,
        %get3A_1003 = vector.shape_cast %get3A_1002 : vector<1x32xbf16> to vector<32xbf16>
        %add3A_1004 = arith.constant 16 : i32
        %add3A_1005 = arith.addi %add3A_243, %add3A_1004 : i32
        %add3A_1006 = arith.constant 15 : i32
        %add3A_1007 = arith.addi %add3A_1005, %add3A_1006 : i32
        %get3A_1008 = arith.index_cast %add3A_1007 : i32 to index
        %get3A_1009 = arith.constant 64 : index
        %get3A_1010 = tpu.vector_load %arg9[%get3A_1008, %get3A_1009] {strides = array<i32>} : memref<1024x96xbf16, #tpu.memory_space<vmem>>, vector<1x32xbf16>,
        %get3A_1011 = vector.shape_cast %get3A_1010 : vector<1x32xbf16> to vector<32xbf16>
        %sub3A_1012 = arith.subf %get3A_1003, %get3A_1011 : vector<32xbf16>
        %max3A_1013 = arith.maximumf %max3A_997, %sub3A_1012 : vector<32xbf16>
        %mul3A_1014 = arith.constant 96 : i32
        %mul3A_1015 = arith.muli %scan3A_237, %mul3A_1014 : i32
        %add3A_1016 = arith.constant 0 : i32
        %add3A_1017 = arith.addi %add3A_1016, %mul3A_1015 : i32
        %add3A_1018 = arith.constant 64 : i32
        %add3A_1019 = arith.addi %add3A_1017, %add3A_1018 : i32
        %swap3A_1020 = arith.index_cast %add3A_1019 : i32 to index
        %swap3A_1021 = tpu.vector_load %arg10[%swap3A_1020] {strides = array<i32>} : memref<3072xbf16, #tpu.memory_space<vmem>>, vector<32xbf16>,
        %swap3A_1022 = vector.shape_cast %swap3A_1021 : vector<32xbf16> to vector<32xbf16>
        %swap3A_1023 = vector.shape_cast %max3A_1013 : vector<32xbf16> to vector<32xbf16>
        tpu.vector_store %arg10[%swap3A_1020], %swap3A_1023 {strides = array<i32>} : memref<3072xbf16, #tpu.memory_space<vmem>>, vector<32xbf16>,
      }
      %scan3A_148 = arith.constant 16 : i32
      %mul3A_149 = arith.constant 16 : i32
      %mul3A_150 = arith.muli %add3A_90, %mul3A_149 : i32
      %add3A_151 = arith.addi %mul3A_2, %mul3A_150 : i32
      %mul3A_152 = arith.constant 96 : i32
      %mul3A_153 = arith.muli %add3A_151, %mul3A_152 : i32
      %dma_start3A_154 = arith.constant 0 : i32
      %dma_start3A_155 = tpu.memref_slice %arg10[%dma_start3A_154] : memref<3072xbf16, #tpu.memory_space<vmem>> -> memref<1536xbf16, #tpu.memory_space<vmem>>
      %dma_start3A_156 = tpu.memref_slice %arg5[%mul3A_153] : memref<884736xbf16, #tpu.memory_space<hbm>> -> memref<1536xbf16, #tpu.memory_space<hbm>>
      %dma_start3A_157 = tpu.memref_slice %arg5[%mul3A_153] : memref<884736xbf16, #tpu.memory_space<hbm>> -> memref<1536xbf16, #tpu.memory_space<hbm>>
      %dma_start3A_158 = arith.constant 0 : i32
      %dma_start3A_159 = tpu.memref_slice %arg10[%dma_start3A_158] : memref<3072xbf16, #tpu.memory_space<vmem>> -> memref<1536xbf16, #tpu.memory_space<vmem>>
      tpu.enqueue_dma source(%dma_start3A_159 : memref<1536xbf16, #tpu.memory_space<vmem>>) target(%dma_start3A_157 : memref<1536xbf16, #tpu.memory_space<hbm>>) target_semaphore(%arg13 : memref<!tpu.dma_semaphore, #tpu.memory_space<semaphore_mem>>)
      %mul3A_160 = arith.constant 2 : i32
      %mul3A_161 = arith.muli %scan3A_86, %mul3A_160 : i32
      %add3A_162 = arith.constant 1 : i32
      %add3A_163 = arith.addi %mul3A_161, %add3A_162 : i32
      %add3A_164 = arith.constant 1 : i32
      %add3A_165 = arith.addi %add3A_163, %add3A_164 : i32
      %lt3A_166 = arith.constant 18 : i32
      %lt3A_167 = arith.cmpi slt, %add3A_165, %lt3A_166 : i32
      %convert_element_type3A_168 = arith.extui %lt3A_167 : i1 to i32
      %cond3A_169 = arith.constant 0 : i32
      %cond3A_170 = arith.cmpi ne, %convert_element_type3A_168, %cond3A_169 : i32
      scf.if %cond3A_170 {
        %add3A_237 = arith.constant 1 : i32
        %add3A_238 = arith.addi %add3A_163, %add3A_237 : i32
        %mul3A_239 = arith.constant 512 : i32
        %mul3A_240 = arith.muli %add3A_238, %mul3A_239 : i32
        %add3A_241 = arith.constant 0 : i32
        %add3A_242 = arith.addi %mul3A_240, %add3A_241 : i32
        %dma_start3A_243 = arith.constant 0 : i32
        %dma_start3A_244 = arith.constant 0 : i32
        %dma_start3A_245 = tpu.memref_slice %arg9[%dma_start3A_243, %dma_start3A_244] : memref<1024x96xbf16, #tpu.memory_space<vmem>> -> memref<128x96xbf16, #tpu.memory_space<vmem>>
        %dma_start3A_246 = tpu.memref_slice %arg6[%add3A_242] : memref<9216xi32, #tpu.memory_space<vmem>> -> memref<128xi32, #tpu.memory_space<vmem>>
        %dma_start3A_247 = arith.constant 0 : i32
        %dma_start3A_248 = arith.constant 0 : i32
        %dma_start3A_249 = tpu.memref_slice %arg2[%dma_start3A_247, %dma_start3A_248] : memref<9216x96xbf16, #tpu.memory_space<hbm>> -> memref<9216x96xbf16, #tpu.memory_space<hbm>>
        tpu.enqueue_indirect_dma source(%dma_start3A_249 : memref<9216x96xbf16, #tpu.memory_space<hbm>>) target(%dma_start3A_245 : memref<128x96xbf16, #tpu.memory_space<vmem>>) offsets(%dma_start3A_246 : memref<128xi32, #tpu.memory_space<vmem>>) semaphore(%arg11 : memref<!tpu.dma_semaphore, #tpu.memory_space<semaphore_mem>>)
        %mul3A_250 = arith.constant 512 : i32
        %mul3A_251 = arith.muli %add3A_238, %mul3A_250 : i32
        %add3A_252 = arith.constant 128 : i32
        %add3A_253 = arith.addi %mul3A_251, %add3A_252 : i32
        %dma_start3A_254 = arith.constant 128 : i32
        %dma_start3A_255 = arith.constant 0 : i32
        %dma_start3A_256 = tpu.memref_slice %arg9[%dma_start3A_254, %dma_start3A_255] : memref<1024x96xbf16, #tpu.memory_space<vmem>> -> memref<128x96xbf16, #tpu.memory_space<vmem>>
        %dma_start3A_257 = tpu.memref_slice %arg6[%add3A_253] : memref<9216xi32, #tpu.memory_space<vmem>> -> memref<128xi32, #tpu.memory_space<vmem>>
        %dma_start3A_258 = arith.constant 0 : i32
        %dma_start3A_259 = arith.constant 0 : i32
        %dma_start3A_260 = tpu.memref_slice %arg2[%dma_start3A_258, %dma_start3A_259] : memref<9216x96xbf16, #tpu.memory_space<hbm>> -> memref<9216x96xbf16, #tpu.memory_space<hbm>>
        tpu.enqueue_indirect_dma source(%dma_start3A_260 : memref<9216x96xbf16, #tpu.memory_space<hbm>>) target(%dma_start3A_256 : memref<128x96xbf16, #tpu.memory_space<vmem>>) offsets(%dma_start3A_257 : memref<128xi32, #tpu.memory_space<vmem>>) semaphore(%arg11 : memref<!tpu.dma_semaphore, #tpu.memory_space<semaphore_mem>>)
        %mul3A_261 = arith.constant 512 : i32
        %mul3A_262 = arith.muli %add3A_238, %mul3A_261 : i32
        %add3A_263 = arith.constant 256 : i32
        %add3A_264 = arith.addi %mul3A_262, %add3A_263 : i32
        %dma_start3A_265 = arith.constant 256 : i32
        %dma_start3A_266 = arith.constant 0 : i32
        %dma_start3A_267 = tpu.memref_slice %arg9[%dma_start3A_265, %dma_start3A_266] : memref<1024x96xbf16, #tpu.memory_space<vmem>> -> memref<128x96xbf16, #tpu.memory_space<vmem>>
        %dma_start3A_268 = tpu.memref_slice %arg6[%add3A_264] : memref<9216xi32, #tpu.memory_space<vmem>> -> memref<128xi32, #tpu.memory_space<vmem>>
        %dma_start3A_269 = arith.constant 0 : i32
        %dma_start3A_270 = arith.constant 0 : i32
        %dma_start3A_271 = tpu.memref_slice %arg2[%dma_start3A_269, %dma_start3A_270] : memref<9216x96xbf16, #tpu.memory_space<hbm>> -> memref<9216x96xbf16, #tpu.memory_space<hbm>>
        tpu.enqueue_indirect_dma source(%dma_start3A_271 : memref<9216x96xbf16, #tpu.memory_space<hbm>>) target(%dma_start3A_267 : memref<128x96xbf16, #tpu.memory_space<vmem>>) offsets(%dma_start3A_268 : memref<128xi32, #tpu.memory_space<vmem>>) semaphore(%arg11 : memref<!tpu.dma_semaphore, #tpu.memory_space<semaphore_mem>>)
        %mul3A_272 = arith.constant 512 : i32
        %mul3A_273 = arith.muli %add3A_238, %mul3A_272 : i32
        %add3A_274 = arith.constant 384 : i32
        %add3A_275 = arith.addi %mul3A_273, %add3A_274 : i32
        %dma_start3A_276 = arith.constant 384 : i32
        %dma_start3A_277 = arith.constant 0 : i32
        %dma_start3A_278 = tpu.memref_slice %arg9[%dma_start3A_276, %dma_start3A_277] : memref<1024x96xbf16, #tpu.memory_space<vmem>> -> memref<128x96xbf16, #tpu.memory_space<vmem>>
        %dma_start3A_279 = tpu.memref_slice %arg6[%add3A_275] : memref<9216xi32, #tpu.memory_space<vmem>> -> memref<128xi32, #tpu.memory_space<vmem>>
        %dma_start3A_280 = arith.constant 0 : i32
        %dma_start3A_281 = arith.constant 0 : i32
        %dma_start3A_282 = tpu.memref_slice %arg2[%dma_start3A_280, %dma_start3A_281] : memref<9216x96xbf16, #tpu.memory_space<hbm>> -> memref<9216x96xbf16, #tpu.memory_space<hbm>>
        tpu.enqueue_indirect_dma source(%dma_start3A_282 : memref<9216x96xbf16, #tpu.memory_space<hbm>>) target(%dma_start3A_278 : memref<128x96xbf16, #tpu.memory_space<vmem>>) offsets(%dma_start3A_279 : memref<128xi32, #tpu.memory_space<vmem>>) semaphore(%arg11 : memref<!tpu.dma_semaphore, #tpu.memory_space<semaphore_mem>>)
      } else {
      }
      %mul3A_171 = arith.constant 512 : i32
      %mul3A_172 = arith.muli %add3A_163, %mul3A_171 : i32
      %add3A_173 = arith.constant 0 : i32
      %add3A_174 = arith.addi %mul3A_172, %add3A_173 : i32
      %dma_wait3A_175 = arith.constant 512 : i32
      %dma_wait3A_176 = arith.constant 0 : i32
      %dma_wait3A_177 = tpu.memref_slice %arg9[%dma_wait3A_175, %dma_wait3A_176] : memref<1024x96xbf16, #tpu.memory_space<vmem>> -> memref<128x96xbf16, #tpu.memory_space<vmem>>
      %dma_wait3A_178 = tpu.memref_slice %arg6[%add3A_174] : memref<9216xi32, #tpu.memory_space<vmem>> -> memref<128xi32, #tpu.memory_space<vmem>>
      %dma_wait3A_179 = arith.constant 0 : i32
      %dma_wait3A_180 = arith.constant 0 : i32
      %dma_wait3A_181 = tpu.memref_slice %arg2[%dma_wait3A_179, %dma_wait3A_180] : memref<9216x96xbf16, #tpu.memory_space<hbm>> -> memref<9216x96xbf16, #tpu.memory_space<hbm>>
      tpu.wait_indirect_dma semaphore(%arg12 : memref<!tpu.dma_semaphore, #tpu.memory_space<semaphore_mem>>) src(%dma_wait3A_181 : memref<9216x96xbf16, #tpu.memory_space<hbm>>) dst(%dma_wait3A_177 : memref<128x96xbf16, #tpu.memory_space<vmem>>)
      %mul3A_182 = arith.constant 512 : i32
      %mul3A_183 = arith.muli %add3A_163, %mul3A_182 : i32
      %add3A_184 = arith.constant 128 : i32
      %add3A_185 = arith.addi %mul3A_183, %add3A_184 : i32
      %dma_wait3A_186 = arith.constant 640 : i32
      %dma_wait3A_187 = arith.constant 0 : i32
      %dma_wait3A_188 = tpu.memref_slice %arg9[%dma_wait3A_186, %dma_wait3A_187] : memref<1024x96xbf16, #tpu.memory_space<vmem>> -> memref<128x96xbf16, #tpu.memory_space<vmem>>
      %dma_wait3A_189 = tpu.memref_slice %arg6[%add3A_185] : memref<9216xi32, #tpu.memory_space<vmem>> -> memref<128xi32, #tpu.memory_space<vmem>>
      %dma_wait3A_190 = arith.constant 0 : i32
      %dma_wait3A_191 = arith.constant 0 : i32
      %dma_wait3A_192 = tpu.memref_slice %arg2[%dma_wait3A_190, %dma_wait3A_191] : memref<9216x96xbf16, #tpu.memory_space<hbm>> -> memref<9216x96xbf16, #tpu.memory_space<hbm>>
      tpu.wait_indirect_dma semaphore(%arg12 : memref<!tpu.dma_semaphore, #tpu.memory_space<semaphore_mem>>) src(%dma_wait3A_192 : memref<9216x96xbf16, #tpu.memory_space<hbm>>) dst(%dma_wait3A_188 : memref<128x96xbf16, #tpu.memory_space<vmem>>)
      %mul3A_193 = arith.constant 512 : i32
      %mul3A_194 = arith.muli %add3A_163, %mul3A_193 : i32
      %add3A_195 = arith.constant 256 : i32
      %add3A_196 = arith.addi %mul3A_194, %add3A_195 : i32
      %dma_wait3A_197 = arith.constant 768 : i32
      %dma_wait3A_198 = arith.constant 0 : i32
      %dma_wait3A_199 = tpu.memref_slice %arg9[%dma_wait3A_197, %dma_wait3A_198] : memref<1024x96xbf16, #tpu.memory_space<vmem>> -> memref<128x96xbf16, #tpu.memory_space<vmem>>
      %dma_wait3A_200 = tpu.memref_slice %arg6[%add3A_196] : memref<9216xi32, #tpu.memory_space<vmem>> -> memref<128xi32, #tpu.memory_space<vmem>>
      %dma_wait3A_201 = arith.constant 0 : i32
      %dma_wait3A_202 = arith.constant 0 : i32
      %dma_wait3A_203 = tpu.memref_slice %arg2[%dma_wait3A_201, %dma_wait3A_202] : memref<9216x96xbf16, #tpu.memory_space<hbm>> -> memref<9216x96xbf16, #tpu.memory_space<hbm>>
      tpu.wait_indirect_dma semaphore(%arg12 : memref<!tpu.dma_semaphore, #tpu.memory_space<semaphore_mem>>) src(%dma_wait3A_203 : memref<9216x96xbf16, #tpu.memory_space<hbm>>) dst(%dma_wait3A_199 : memref<128x96xbf16, #tpu.memory_space<vmem>>)
      %mul3A_204 = arith.constant 512 : i32
      %mul3A_205 = arith.muli %add3A_163, %mul3A_204 : i32
      %add3A_206 = arith.constant 384 : i32
      %add3A_207 = arith.addi %mul3A_205, %add3A_206 : i32
      %dma_wait3A_208 = arith.constant 896 : i32
      %dma_wait3A_209 = arith.constant 0 : i32
      %dma_wait3A_210 = tpu.memref_slice %arg9[%dma_wait3A_208, %dma_wait3A_209] : memref<1024x96xbf16, #tpu.memory_space<vmem>> -> memref<128x96xbf16, #tpu.memory_space<vmem>>
      %dma_wait3A_211 = tpu.memref_slice %arg6[%add3A_207] : memref<9216xi32, #tpu.memory_space<vmem>> -> memref<128xi32, #tpu.memory_space<vmem>>
      %dma_wait3A_212 = arith.constant 0 : i32
      %dma_wait3A_213 = arith.constant 0 : i32
      %dma_wait3A_214 = tpu.memref_slice %arg2[%dma_wait3A_212, %dma_wait3A_213] : memref<9216x96xbf16, #tpu.memory_space<hbm>> -> memref<9216x96xbf16, #tpu.memory_space<hbm>>
      tpu.wait_indirect_dma semaphore(%arg12 : memref<!tpu.dma_semaphore, #tpu.memory_space<semaphore_mem>>) src(%dma_wait3A_214 : memref<9216x96xbf16, #tpu.memory_space<hbm>>) dst(%dma_wait3A_210 : memref<128x96xbf16, #tpu.memory_space<vmem>>)
      %ge3A_215 = arith.constant 2 : i32
      %ge3A_216 = arith.cmpi sge, %add3A_163, %ge3A_215 : i32
      %convert_element_type3A_217 = arith.extui %ge3A_216 : i1 to i32
      %cond3A_218 = arith.constant 0 : i32
      %cond3A_219 = arith.cmpi ne, %convert_element_type3A_217, %cond3A_218 : i32
      scf.if %cond3A_219 {
        %sub3A_237 = arith.constant 2 : i32
        %sub3A_238 = arith.subi %add3A_163, %sub3A_237 : i32
        %mul3A_239 = arith.constant 16 : i32
        %mul3A_240 = arith.muli %sub3A_238, %mul3A_239 : i32
        %add3A_241 = arith.addi %mul3A_2, %mul3A_240 : i32
        %mul3A_242 = arith.constant 96 : i32
        %mul3A_243 = arith.muli %add3A_241, %mul3A_242 : i32
        %dma_wait3A_244 = arith.constant 1536 : i32
        %dma_wait3A_245 = tpu.memref_slice %arg10[%dma_wait3A_244] : memref<3072xbf16, #tpu.memory_space<vmem>> -> memref<1536xbf16, #tpu.memory_space<vmem>>
        %dma_wait3A_246 = tpu.memref_slice %arg5[%mul3A_243] : memref<884736xbf16, #tpu.memory_space<hbm>> -> memref<1536xbf16, #tpu.memory_space<hbm>>
        %dma_wait3A_247 = tpu.memref_slice %arg5[%mul3A_243] : memref<884736xbf16, #tpu.memory_space<hbm>> -> memref<1536xbf16, #tpu.memory_space<hbm>>
        %dma_wait3A_248 = arith.constant 1536 : i32
        %dma_wait3A_249 = tpu.memref_slice %arg10[%dma_wait3A_248] : memref<3072xbf16, #tpu.memory_space<vmem>> -> memref<1536xbf16, #tpu.memory_space<vmem>>
        tpu.wait_dma2 semaphore(%arg14 : memref<!tpu.dma_semaphore, #tpu.memory_space<semaphore_mem>>) src(%dma_wait3A_249 : memref<1536xbf16, #tpu.memory_space<vmem>>) dst(%dma_wait3A_247 : memref<1536xbf16, #tpu.memory_space<hbm>>)
      } else {
      }
      %scan3A_220 = arith.constant 0 : i32
      %scan3A_221 = arith.constant 0 : i32
      %scan3A_222 = arith.constant 16 : i32
      %scan3A_223 = arith.addi %scan3A_221, %scan3A_222 : i32
      %scan3A_224 = arith.constant 1 : i32
      scf.for %scan3A_237 = %scan3A_221 to %scan3A_223 step %scan3A_224  : i32 {
        %mul3A_238 = arith.constant 2 : i32
        %mul3A_239 = arith.muli %scan3A_237, %mul3A_238 : i32
        %mul3A_240 = arith.constant 16 : i32
        %mul3A_241 = arith.muli %mul3A_239, %mul3A_240 : i32
        %add3A_242 = arith.constant 512 : i32
        %add3A_243 = arith.addi %add3A_242, %mul3A_241 : i32
        %get3A = arith.index_cast %add3A_243 : i32 to index
        %get3A_244 = arith.constant 0 : index
        %get3A_245 = tpu.vector_load %arg9[%get3A, %get3A_244] {strides = array<i32>} : memref<1024x96xbf16, #tpu.memory_space<vmem>>, vector<1x32xbf16>,
        %get3A_246 = vector.shape_cast %get3A_245 : vector<1x32xbf16> to vector<32xbf16>
        %add3A_247 = arith.constant 16 : i32
        %add3A_248 = arith.addi %add3A_243, %add3A_247 : i32
        %get3A_249 = arith.index_cast %add3A_248 : i32 to index
        %get3A_250 = arith.constant 0 : index
        %get3A_251 = tpu.vector_load %arg9[%get3A_249, %get3A_250] {strides = array<i32>} : memref<1024x96xbf16, #tpu.memory_space<vmem>>, vector<1x32xbf16>,
        %get3A_252 = vector.shape_cast %get3A_251 : vector<1x32xbf16> to vector<32xbf16>
        %sub3A_253 = arith.subf %get3A_246, %get3A_252 : vector<32xbf16>
        %add3A_254 = arith.constant 1 : i32
        %add3A_255 = arith.addi %add3A_243, %add3A_254 : i32
        %get3A_256 = arith.index_cast %add3A_255 : i32 to index
        %get3A_257 = arith.constant 0 : index
        %get3A_258 = tpu.vector_load %arg9[%get3A_256, %get3A_257] {strides = array<i32>} : memref<1024x96xbf16, #tpu.memory_space<vmem>>, vector<1x32xbf16>,
        %get3A_259 = vector.shape_cast %get3A_258 : vector<1x32xbf16> to vector<32xbf16>
        %add3A_260 = arith.constant 16 : i32
        %add3A_261 = arith.addi %add3A_243, %add3A_260 : i32
        %add3A_262 = arith.constant 1 : i32
        %add3A_263 = arith.addi %add3A_261, %add3A_262 : i32
        %get3A_264 = arith.index_cast %add3A_263 : i32 to index
        %get3A_265 = arith.constant 0 : index
        %get3A_266 = tpu.vector_load %arg9[%get3A_264, %get3A_265] {strides = array<i32>} : memref<1024x96xbf16, #tpu.memory_space<vmem>>, vector<1x32xbf16>,
        %get3A_267 = vector.shape_cast %get3A_266 : vector<1x32xbf16> to vector<32xbf16>
        %sub3A_268 = arith.subf %get3A_259, %get3A_267 : vector<32xbf16>
        %max3A = arith.maximumf %sub3A_253, %sub3A_268 : vector<32xbf16>
        %add3A_269 = arith.constant 2 : i32
        %add3A_270 = arith.addi %add3A_243, %add3A_269 : i32
        %get3A_271 = arith.index_cast %add3A_270 : i32 to index
        %get3A_272 = arith.constant 0 : index
        %get3A_273 = tpu.vector_load %arg9[%get3A_271, %get3A_272] {strides = array<i32>} : memref<1024x96xbf16, #tpu.memory_space<vmem>>, vector<1x32xbf16>,
        %get3A_274 = vector.shape_cast %get3A_273 : vector<1x32xbf16> to vector<32xbf16>
        %add3A_275 = arith.constant 16 : i32
        %add3A_276 = arith.addi %add3A_243, %add3A_275 : i32
        %add3A_277 = arith.constant 2 : i32
        %add3A_278 = arith.addi %add3A_276, %add3A_277 : i32
        %get3A_279 = arith.index_cast %add3A_278 : i32 to index
        %get3A_280 = arith.constant 0 : index
        %get3A_281 = tpu.vector_load %arg9[%get3A_279, %get3A_280] {strides = array<i32>} : memref<1024x96xbf16, #tpu.memory_space<vmem>>, vector<1x32xbf16>,
        %get3A_282 = vector.shape_cast %get3A_281 : vector<1x32xbf16> to vector<32xbf16>
        %sub3A_283 = arith.subf %get3A_274, %get3A_282 : vector<32xbf16>
        %max3A_284 = arith.maximumf %max3A, %sub3A_283 : vector<32xbf16>
        %add3A_285 = arith.constant 3 : i32
        %add3A_286 = arith.addi %add3A_243, %add3A_285 : i32
        %get3A_287 = arith.index_cast %add3A_286 : i32 to index
        %get3A_288 = arith.constant 0 : index
        %get3A_289 = tpu.vector_load %arg9[%get3A_287, %get3A_288] {strides = array<i32>} : memref<1024x96xbf16, #tpu.memory_space<vmem>>, vector<1x32xbf16>,
        %get3A_290 = vector.shape_cast %get3A_289 : vector<1x32xbf16> to vector<32xbf16>
        %add3A_291 = arith.constant 16 : i32
        %add3A_292 = arith.addi %add3A_243, %add3A_291 : i32
        %add3A_293 = arith.constant 3 : i32
        %add3A_294 = arith.addi %add3A_292, %add3A_293 : i32
        %get3A_295 = arith.index_cast %add3A_294 : i32 to index
        %get3A_296 = arith.constant 0 : index
        %get3A_297 = tpu.vector_load %arg9[%get3A_295, %get3A_296] {strides = array<i32>} : memref<1024x96xbf16, #tpu.memory_space<vmem>>, vector<1x32xbf16>,
        %get3A_298 = vector.shape_cast %get3A_297 : vector<1x32xbf16> to vector<32xbf16>
        %sub3A_299 = arith.subf %get3A_290, %get3A_298 : vector<32xbf16>
        %max3A_300 = arith.maximumf %max3A_284, %sub3A_299 : vector<32xbf16>
        %add3A_301 = arith.constant 4 : i32
        %add3A_302 = arith.addi %add3A_243, %add3A_301 : i32
        %get3A_303 = arith.index_cast %add3A_302 : i32 to index
        %get3A_304 = arith.constant 0 : index
        %get3A_305 = tpu.vector_load %arg9[%get3A_303, %get3A_304] {strides = array<i32>} : memref<1024x96xbf16, #tpu.memory_space<vmem>>, vector<1x32xbf16>,
        %get3A_306 = vector.shape_cast %get3A_305 : vector<1x32xbf16> to vector<32xbf16>
        %add3A_307 = arith.constant 16 : i32
        %add3A_308 = arith.addi %add3A_243, %add3A_307 : i32
        %add3A_309 = arith.constant 4 : i32
        %add3A_310 = arith.addi %add3A_308, %add3A_309 : i32
        %get3A_311 = arith.index_cast %add3A_310 : i32 to index
        %get3A_312 = arith.constant 0 : index
        %get3A_313 = tpu.vector_load %arg9[%get3A_311, %get3A_312] {strides = array<i32>} : memref<1024x96xbf16, #tpu.memory_space<vmem>>, vector<1x32xbf16>,
        %get3A_314 = vector.shape_cast %get3A_313 : vector<1x32xbf16> to vector<32xbf16>
        %sub3A_315 = arith.subf %get3A_306, %get3A_314 : vector<32xbf16>
        %max3A_316 = arith.maximumf %max3A_300, %sub3A_315 : vector<32xbf16>
        %add3A_317 = arith.constant 5 : i32
        %add3A_318 = arith.addi %add3A_243, %add3A_317 : i32
        %get3A_319 = arith.index_cast %add3A_318 : i32 to index
        %get3A_320 = arith.constant 0 : index
        %get3A_321 = tpu.vector_load %arg9[%get3A_319, %get3A_320] {strides = array<i32>} : memref<1024x96xbf16, #tpu.memory_space<vmem>>, vector<1x32xbf16>,
        %get3A_322 = vector.shape_cast %get3A_321 : vector<1x32xbf16> to vector<32xbf16>
        %add3A_323 = arith.constant 16 : i32
        %add3A_324 = arith.addi %add3A_243, %add3A_323 : i32
        %add3A_325 = arith.constant 5 : i32
        %add3A_326 = arith.addi %add3A_324, %add3A_325 : i32
        %get3A_327 = arith.index_cast %add3A_326 : i32 to index
        %get3A_328 = arith.constant 0 : index
        %get3A_329 = tpu.vector_load %arg9[%get3A_327, %get3A_328] {strides = array<i32>} : memref<1024x96xbf16, #tpu.memory_space<vmem>>, vector<1x32xbf16>,
        %get3A_330 = vector.shape_cast %get3A_329 : vector<1x32xbf16> to vector<32xbf16>
        %sub3A_331 = arith.subf %get3A_322, %get3A_330 : vector<32xbf16>
        %max3A_332 = arith.maximumf %max3A_316, %sub3A_331 : vector<32xbf16>
        %add3A_333 = arith.constant 6 : i32
        %add3A_334 = arith.addi %add3A_243, %add3A_333 : i32
        %get3A_335 = arith.index_cast %add3A_334 : i32 to index
        %get3A_336 = arith.constant 0 : index
        %get3A_337 = tpu.vector_load %arg9[%get3A_335, %get3A_336] {strides = array<i32>} : memref<1024x96xbf16, #tpu.memory_space<vmem>>, vector<1x32xbf16>,
        %get3A_338 = vector.shape_cast %get3A_337 : vector<1x32xbf16> to vector<32xbf16>
        %add3A_339 = arith.constant 16 : i32
        %add3A_340 = arith.addi %add3A_243, %add3A_339 : i32
        %add3A_341 = arith.constant 6 : i32
        %add3A_342 = arith.addi %add3A_340, %add3A_341 : i32
        %get3A_343 = arith.index_cast %add3A_342 : i32 to index
        %get3A_344 = arith.constant 0 : index
        %get3A_345 = tpu.vector_load %arg9[%get3A_343, %get3A_344] {strides = array<i32>} : memref<1024x96xbf16, #tpu.memory_space<vmem>>, vector<1x32xbf16>,
        %get3A_346 = vector.shape_cast %get3A_345 : vector<1x32xbf16> to vector<32xbf16>
        %sub3A_347 = arith.subf %get3A_338, %get3A_346 : vector<32xbf16>
        %max3A_348 = arith.maximumf %max3A_332, %sub3A_347 : vector<32xbf16>
        %add3A_349 = arith.constant 7 : i32
        %add3A_350 = arith.addi %add3A_243, %add3A_349 : i32
        %get3A_351 = arith.index_cast %add3A_350 : i32 to index
        %get3A_352 = arith.constant 0 : index
        %get3A_353 = tpu.vector_load %arg9[%get3A_351, %get3A_352] {strides = array<i32>} : memref<1024x96xbf16, #tpu.memory_space<vmem>>, vector<1x32xbf16>,
        %get3A_354 = vector.shape_cast %get3A_353 : vector<1x32xbf16> to vector<32xbf16>
        %add3A_355 = arith.constant 16 : i32
        %add3A_356 = arith.addi %add3A_243, %add3A_355 : i32
        %add3A_357 = arith.constant 7 : i32
        %add3A_358 = arith.addi %add3A_356, %add3A_357 : i32
        %get3A_359 = arith.index_cast %add3A_358 : i32 to index
        %get3A_360 = arith.constant 0 : index
        %get3A_361 = tpu.vector_load %arg9[%get3A_359, %get3A_360] {strides = array<i32>} : memref<1024x96xbf16, #tpu.memory_space<vmem>>, vector<1x32xbf16>,
        %get3A_362 = vector.shape_cast %get3A_361 : vector<1x32xbf16> to vector<32xbf16>
        %sub3A_363 = arith.subf %get3A_354, %get3A_362 : vector<32xbf16>
        %max3A_364 = arith.maximumf %max3A_348, %sub3A_363 : vector<32xbf16>
        %add3A_365 = arith.constant 8 : i32
        %add3A_366 = arith.addi %add3A_243, %add3A_365 : i32
        %get3A_367 = arith.index_cast %add3A_366 : i32 to index
        %get3A_368 = arith.constant 0 : index
        %get3A_369 = tpu.vector_load %arg9[%get3A_367, %get3A_368] {strides = array<i32>} : memref<1024x96xbf16, #tpu.memory_space<vmem>>, vector<1x32xbf16>,
        %get3A_370 = vector.shape_cast %get3A_369 : vector<1x32xbf16> to vector<32xbf16>
        %add3A_371 = arith.constant 16 : i32
        %add3A_372 = arith.addi %add3A_243, %add3A_371 : i32
        %add3A_373 = arith.constant 8 : i32
        %add3A_374 = arith.addi %add3A_372, %add3A_373 : i32
        %get3A_375 = arith.index_cast %add3A_374 : i32 to index
        %get3A_376 = arith.constant 0 : index
        %get3A_377 = tpu.vector_load %arg9[%get3A_375, %get3A_376] {strides = array<i32>} : memref<1024x96xbf16, #tpu.memory_space<vmem>>, vector<1x32xbf16>,
        %get3A_378 = vector.shape_cast %get3A_377 : vector<1x32xbf16> to vector<32xbf16>
        %sub3A_379 = arith.subf %get3A_370, %get3A_378 : vector<32xbf16>
        %max3A_380 = arith.maximumf %max3A_364, %sub3A_379 : vector<32xbf16>
        %add3A_381 = arith.constant 9 : i32
        %add3A_382 = arith.addi %add3A_243, %add3A_381 : i32
        %get3A_383 = arith.index_cast %add3A_382 : i32 to index
        %get3A_384 = arith.constant 0 : index
        %get3A_385 = tpu.vector_load %arg9[%get3A_383, %get3A_384] {strides = array<i32>} : memref<1024x96xbf16, #tpu.memory_space<vmem>>, vector<1x32xbf16>,
        %get3A_386 = vector.shape_cast %get3A_385 : vector<1x32xbf16> to vector<32xbf16>
        %add3A_387 = arith.constant 16 : i32
        %add3A_388 = arith.addi %add3A_243, %add3A_387 : i32
        %add3A_389 = arith.constant 9 : i32
        %add3A_390 = arith.addi %add3A_388, %add3A_389 : i32
        %get3A_391 = arith.index_cast %add3A_390 : i32 to index
        %get3A_392 = arith.constant 0 : index
        %get3A_393 = tpu.vector_load %arg9[%get3A_391, %get3A_392] {strides = array<i32>} : memref<1024x96xbf16, #tpu.memory_space<vmem>>, vector<1x32xbf16>,
        %get3A_394 = vector.shape_cast %get3A_393 : vector<1x32xbf16> to vector<32xbf16>
        %sub3A_395 = arith.subf %get3A_386, %get3A_394 : vector<32xbf16>
        %max3A_396 = arith.maximumf %max3A_380, %sub3A_395 : vector<32xbf16>
        %add3A_397 = arith.constant 10 : i32
        %add3A_398 = arith.addi %add3A_243, %add3A_397 : i32
        %get3A_399 = arith.index_cast %add3A_398 : i32 to index
        %get3A_400 = arith.constant 0 : index
        %get3A_401 = tpu.vector_load %arg9[%get3A_399, %get3A_400] {strides = array<i32>} : memref<1024x96xbf16, #tpu.memory_space<vmem>>, vector<1x32xbf16>,
        %get3A_402 = vector.shape_cast %get3A_401 : vector<1x32xbf16> to vector<32xbf16>
        %add3A_403 = arith.constant 16 : i32
        %add3A_404 = arith.addi %add3A_243, %add3A_403 : i32
        %add3A_405 = arith.constant 10 : i32
        %add3A_406 = arith.addi %add3A_404, %add3A_405 : i32
        %get3A_407 = arith.index_cast %add3A_406 : i32 to index
        %get3A_408 = arith.constant 0 : index
        %get3A_409 = tpu.vector_load %arg9[%get3A_407, %get3A_408] {strides = array<i32>} : memref<1024x96xbf16, #tpu.memory_space<vmem>>, vector<1x32xbf16>,
        %get3A_410 = vector.shape_cast %get3A_409 : vector<1x32xbf16> to vector<32xbf16>
        %sub3A_411 = arith.subf %get3A_402, %get3A_410 : vector<32xbf16>
        %max3A_412 = arith.maximumf %max3A_396, %sub3A_411 : vector<32xbf16>
        %add3A_413 = arith.constant 11 : i32
        %add3A_414 = arith.addi %add3A_243, %add3A_413 : i32
        %get3A_415 = arith.index_cast %add3A_414 : i32 to index
        %get3A_416 = arith.constant 0 : index
        %get3A_417 = tpu.vector_load %arg9[%get3A_415, %get3A_416] {strides = array<i32>} : memref<1024x96xbf16, #tpu.memory_space<vmem>>, vector<1x32xbf16>,
        %get3A_418 = vector.shape_cast %get3A_417 : vector<1x32xbf16> to vector<32xbf16>
        %add3A_419 = arith.constant 16 : i32
        %add3A_420 = arith.addi %add3A_243, %add3A_419 : i32
        %add3A_421 = arith.constant 11 : i32
        %add3A_422 = arith.addi %add3A_420, %add3A_421 : i32
        %get3A_423 = arith.index_cast %add3A_422 : i32 to index
        %get3A_424 = arith.constant 0 : index
        %get3A_425 = tpu.vector_load %arg9[%get3A_423, %get3A_424] {strides = array<i32>} : memref<1024x96xbf16, #tpu.memory_space<vmem>>, vector<1x32xbf16>,
        %get3A_426 = vector.shape_cast %get3A_425 : vector<1x32xbf16> to vector<32xbf16>
        %sub3A_427 = arith.subf %get3A_418, %get3A_426 : vector<32xbf16>
        %max3A_428 = arith.maximumf %max3A_412, %sub3A_427 : vector<32xbf16>
        %add3A_429 = arith.constant 12 : i32
        %add3A_430 = arith.addi %add3A_243, %add3A_429 : i32
        %get3A_431 = arith.index_cast %add3A_430 : i32 to index
        %get3A_432 = arith.constant 0 : index
        %get3A_433 = tpu.vector_load %arg9[%get3A_431, %get3A_432] {strides = array<i32>} : memref<1024x96xbf16, #tpu.memory_space<vmem>>, vector<1x32xbf16>,
        %get3A_434 = vector.shape_cast %get3A_433 : vector<1x32xbf16> to vector<32xbf16>
        %add3A_435 = arith.constant 16 : i32
        %add3A_436 = arith.addi %add3A_243, %add3A_435 : i32
        %add3A_437 = arith.constant 12 : i32
        %add3A_438 = arith.addi %add3A_436, %add3A_437 : i32
        %get3A_439 = arith.index_cast %add3A_438 : i32 to index
        %get3A_440 = arith.constant 0 : index
        %get3A_441 = tpu.vector_load %arg9[%get3A_439, %get3A_440] {strides = array<i32>} : memref<1024x96xbf16, #tpu.memory_space<vmem>>, vector<1x32xbf16>,
        %get3A_442 = vector.shape_cast %get3A_441 : vector<1x32xbf16> to vector<32xbf16>
        %sub3A_443 = arith.subf %get3A_434, %get3A_442 : vector<32xbf16>
        %max3A_444 = arith.maximumf %max3A_428, %sub3A_443 : vector<32xbf16>
        %add3A_445 = arith.constant 13 : i32
        %add3A_446 = arith.addi %add3A_243, %add3A_445 : i32
        %get3A_447 = arith.index_cast %add3A_446 : i32 to index
        %get3A_448 = arith.constant 0 : index
        %get3A_449 = tpu.vector_load %arg9[%get3A_447, %get3A_448] {strides = array<i32>} : memref<1024x96xbf16, #tpu.memory_space<vmem>>, vector<1x32xbf16>,
        %get3A_450 = vector.shape_cast %get3A_449 : vector<1x32xbf16> to vector<32xbf16>
        %add3A_451 = arith.constant 16 : i32
        %add3A_452 = arith.addi %add3A_243, %add3A_451 : i32
        %add3A_453 = arith.constant 13 : i32
        %add3A_454 = arith.addi %add3A_452, %add3A_453 : i32
        %get3A_455 = arith.index_cast %add3A_454 : i32 to index
        %get3A_456 = arith.constant 0 : index
        %get3A_457 = tpu.vector_load %arg9[%get3A_455, %get3A_456] {strides = array<i32>} : memref<1024x96xbf16, #tpu.memory_space<vmem>>, vector<1x32xbf16>,
        %get3A_458 = vector.shape_cast %get3A_457 : vector<1x32xbf16> to vector<32xbf16>
        %sub3A_459 = arith.subf %get3A_450, %get3A_458 : vector<32xbf16>
        %max3A_460 = arith.maximumf %max3A_444, %sub3A_459 : vector<32xbf16>
        %add3A_461 = arith.constant 14 : i32
        %add3A_462 = arith.addi %add3A_243, %add3A_461 : i32
        %get3A_463 = arith.index_cast %add3A_462 : i32 to index
        %get3A_464 = arith.constant 0 : index
        %get3A_465 = tpu.vector_load %arg9[%get3A_463, %get3A_464] {strides = array<i32>} : memref<1024x96xbf16, #tpu.memory_space<vmem>>, vector<1x32xbf16>,
        %get3A_466 = vector.shape_cast %get3A_465 : vector<1x32xbf16> to vector<32xbf16>
        %add3A_467 = arith.constant 16 : i32
        %add3A_468 = arith.addi %add3A_243, %add3A_467 : i32
        %add3A_469 = arith.constant 14 : i32
        %add3A_470 = arith.addi %add3A_468, %add3A_469 : i32
        %get3A_471 = arith.index_cast %add3A_470 : i32 to index
        %get3A_472 = arith.constant 0 : index
        %get3A_473 = tpu.vector_load %arg9[%get3A_471, %get3A_472] {strides = array<i32>} : memref<1024x96xbf16, #tpu.memory_space<vmem>>, vector<1x32xbf16>,
        %get3A_474 = vector.shape_cast %get3A_473 : vector<1x32xbf16> to vector<32xbf16>
        %sub3A_475 = arith.subf %get3A_466, %get3A_474 : vector<32xbf16>
        %max3A_476 = arith.maximumf %max3A_460, %sub3A_475 : vector<32xbf16>
        %add3A_477 = arith.constant 15 : i32
        %add3A_478 = arith.addi %add3A_243, %add3A_477 : i32
        %get3A_479 = arith.index_cast %add3A_478 : i32 to index
        %get3A_480 = arith.constant 0 : index
        %get3A_481 = tpu.vector_load %arg9[%get3A_479, %get3A_480] {strides = array<i32>} : memref<1024x96xbf16, #tpu.memory_space<vmem>>, vector<1x32xbf16>,
        %get3A_482 = vector.shape_cast %get3A_481 : vector<1x32xbf16> to vector<32xbf16>
        %add3A_483 = arith.constant 16 : i32
        %add3A_484 = arith.addi %add3A_243, %add3A_483 : i32
        %add3A_485 = arith.constant 15 : i32
        %add3A_486 = arith.addi %add3A_484, %add3A_485 : i32
        %get3A_487 = arith.index_cast %add3A_486 : i32 to index
        %get3A_488 = arith.constant 0 : index
        %get3A_489 = tpu.vector_load %arg9[%get3A_487, %get3A_488] {strides = array<i32>} : memref<1024x96xbf16, #tpu.memory_space<vmem>>, vector<1x32xbf16>,
        %get3A_490 = vector.shape_cast %get3A_489 : vector<1x32xbf16> to vector<32xbf16>
        %sub3A_491 = arith.subf %get3A_482, %get3A_490 : vector<32xbf16>
        %max3A_492 = arith.maximumf %max3A_476, %sub3A_491 : vector<32xbf16>
        %mul3A_493 = arith.constant 96 : i32
        %mul3A_494 = arith.muli %scan3A_237, %mul3A_493 : i32
        %add3A_495 = arith.constant 1536 : i32
        %add3A_496 = arith.addi %add3A_495, %mul3A_494 : i32
        %add3A_497 = arith.constant 0 : i32
        %add3A_498 = arith.addi %add3A_496, %add3A_497 : i32
        %swap3A = arith.index_cast %add3A_498 : i32 to index
        %swap3A_499 = tpu.vector_load %arg10[%swap3A] {strides = array<i32>} : memref<3072xbf16, #tpu.memory_space<vmem>>, vector<32xbf16>,
        %swap3A_500 = vector.shape_cast %swap3A_499 : vector<32xbf16> to vector<32xbf16>
        %swap3A_501 = vector.shape_cast %max3A_492 : vector<32xbf16> to vector<32xbf16>
        tpu.vector_store %arg10[%swap3A], %swap3A_501 {strides = array<i32>} : memref<3072xbf16, #tpu.memory_space<vmem>>, vector<32xbf16>,
        %get3A_502 = arith.index_cast %add3A_243 : i32 to index
        %get3A_503 = arith.constant 32 : index
        %get3A_504 = tpu.vector_load %arg9[%get3A_502, %get3A_503] {strides = array<i32>} : memref<1024x96xbf16, #tpu.memory_space<vmem>>, vector<1x32xbf16>,
        %get3A_505 = vector.shape_cast %get3A_504 : vector<1x32xbf16> to vector<32xbf16>
        %add3A_506 = arith.constant 16 : i32
        %add3A_507 = arith.addi %add3A_243, %add3A_506 : i32
        %get3A_508 = arith.index_cast %add3A_507 : i32 to index
        %get3A_509 = arith.constant 32 : index
        %get3A_510 = tpu.vector_load %arg9[%get3A_508, %get3A_509] {strides = array<i32>} : memref<1024x96xbf16, #tpu.memory_space<vmem>>, vector<1x32xbf16>,
        %get3A_511 = vector.shape_cast %get3A_510 : vector<1x32xbf16> to vector<32xbf16>
        %sub3A_512 = arith.subf %get3A_505, %get3A_511 : vector<32xbf16>
        %add3A_513 = arith.constant 1 : i32
        %add3A_514 = arith.addi %add3A_243, %add3A_513 : i32
        %get3A_515 = arith.index_cast %add3A_514 : i32 to index
        %get3A_516 = arith.constant 32 : index
        %get3A_517 = tpu.vector_load %arg9[%get3A_515, %get3A_516] {strides = array<i32>} : memref<1024x96xbf16, #tpu.memory_space<vmem>>, vector<1x32xbf16>,
        %get3A_518 = vector.shape_cast %get3A_517 : vector<1x32xbf16> to vector<32xbf16>
        %add3A_519 = arith.constant 16 : i32
        %add3A_520 = arith.addi %add3A_243, %add3A_519 : i32
        %add3A_521 = arith.constant 1 : i32
        %add3A_522 = arith.addi %add3A_520, %add3A_521 : i32
        %get3A_523 = arith.index_cast %add3A_522 : i32 to index
        %get3A_524 = arith.constant 32 : index
        %get3A_525 = tpu.vector_load %arg9[%get3A_523, %get3A_524] {strides = array<i32>} : memref<1024x96xbf16, #tpu.memory_space<vmem>>, vector<1x32xbf16>,
        %get3A_526 = vector.shape_cast %get3A_525 : vector<1x32xbf16> to vector<32xbf16>
        %sub3A_527 = arith.subf %get3A_518, %get3A_526 : vector<32xbf16>
        %max3A_528 = arith.maximumf %sub3A_512, %sub3A_527 : vector<32xbf16>
        %add3A_529 = arith.constant 2 : i32
        %add3A_530 = arith.addi %add3A_243, %add3A_529 : i32
        %get3A_531 = arith.index_cast %add3A_530 : i32 to index
        %get3A_532 = arith.constant 32 : index
        %get3A_533 = tpu.vector_load %arg9[%get3A_531, %get3A_532] {strides = array<i32>} : memref<1024x96xbf16, #tpu.memory_space<vmem>>, vector<1x32xbf16>,
        %get3A_534 = vector.shape_cast %get3A_533 : vector<1x32xbf16> to vector<32xbf16>
        %add3A_535 = arith.constant 16 : i32
        %add3A_536 = arith.addi %add3A_243, %add3A_535 : i32
        %add3A_537 = arith.constant 2 : i32
        %add3A_538 = arith.addi %add3A_536, %add3A_537 : i32
        %get3A_539 = arith.index_cast %add3A_538 : i32 to index
        %get3A_540 = arith.constant 32 : index
        %get3A_541 = tpu.vector_load %arg9[%get3A_539, %get3A_540] {strides = array<i32>} : memref<1024x96xbf16, #tpu.memory_space<vmem>>, vector<1x32xbf16>,
        %get3A_542 = vector.shape_cast %get3A_541 : vector<1x32xbf16> to vector<32xbf16>
        %sub3A_543 = arith.subf %get3A_534, %get3A_542 : vector<32xbf16>
        %max3A_544 = arith.maximumf %max3A_528, %sub3A_543 : vector<32xbf16>
        %add3A_545 = arith.constant 3 : i32
        %add3A_546 = arith.addi %add3A_243, %add3A_545 : i32
        %get3A_547 = arith.index_cast %add3A_546 : i32 to index
        %get3A_548 = arith.constant 32 : index
        %get3A_549 = tpu.vector_load %arg9[%get3A_547, %get3A_548] {strides = array<i32>} : memref<1024x96xbf16, #tpu.memory_space<vmem>>, vector<1x32xbf16>,
        %get3A_550 = vector.shape_cast %get3A_549 : vector<1x32xbf16> to vector<32xbf16>
        %add3A_551 = arith.constant 16 : i32
        %add3A_552 = arith.addi %add3A_243, %add3A_551 : i32
        %add3A_553 = arith.constant 3 : i32
        %add3A_554 = arith.addi %add3A_552, %add3A_553 : i32
        %get3A_555 = arith.index_cast %add3A_554 : i32 to index
        %get3A_556 = arith.constant 32 : index
        %get3A_557 = tpu.vector_load %arg9[%get3A_555, %get3A_556] {strides = array<i32>} : memref<1024x96xbf16, #tpu.memory_space<vmem>>, vector<1x32xbf16>,
        %get3A_558 = vector.shape_cast %get3A_557 : vector<1x32xbf16> to vector<32xbf16>
        %sub3A_559 = arith.subf %get3A_550, %get3A_558 : vector<32xbf16>
        %max3A_560 = arith.maximumf %max3A_544, %sub3A_559 : vector<32xbf16>
        %add3A_561 = arith.constant 4 : i32
        %add3A_562 = arith.addi %add3A_243, %add3A_561 : i32
        %get3A_563 = arith.index_cast %add3A_562 : i32 to index
        %get3A_564 = arith.constant 32 : index
        %get3A_565 = tpu.vector_load %arg9[%get3A_563, %get3A_564] {strides = array<i32>} : memref<1024x96xbf16, #tpu.memory_space<vmem>>, vector<1x32xbf16>,
        %get3A_566 = vector.shape_cast %get3A_565 : vector<1x32xbf16> to vector<32xbf16>
        %add3A_567 = arith.constant 16 : i32
        %add3A_568 = arith.addi %add3A_243, %add3A_567 : i32
        %add3A_569 = arith.constant 4 : i32
        %add3A_570 = arith.addi %add3A_568, %add3A_569 : i32
        %get3A_571 = arith.index_cast %add3A_570 : i32 to index
        %get3A_572 = arith.constant 32 : index
        %get3A_573 = tpu.vector_load %arg9[%get3A_571, %get3A_572] {strides = array<i32>} : memref<1024x96xbf16, #tpu.memory_space<vmem>>, vector<1x32xbf16>,
        %get3A_574 = vector.shape_cast %get3A_573 : vector<1x32xbf16> to vector<32xbf16>
        %sub3A_575 = arith.subf %get3A_566, %get3A_574 : vector<32xbf16>
        %max3A_576 = arith.maximumf %max3A_560, %sub3A_575 : vector<32xbf16>
        %add3A_577 = arith.constant 5 : i32
        %add3A_578 = arith.addi %add3A_243, %add3A_577 : i32
        %get3A_579 = arith.index_cast %add3A_578 : i32 to index
        %get3A_580 = arith.constant 32 : index
        %get3A_581 = tpu.vector_load %arg9[%get3A_579, %get3A_580] {strides = array<i32>} : memref<1024x96xbf16, #tpu.memory_space<vmem>>, vector<1x32xbf16>,
        %get3A_582 = vector.shape_cast %get3A_581 : vector<1x32xbf16> to vector<32xbf16>
        %add3A_583 = arith.constant 16 : i32
        %add3A_584 = arith.addi %add3A_243, %add3A_583 : i32
        %add3A_585 = arith.constant 5 : i32
        %add3A_586 = arith.addi %add3A_584, %add3A_585 : i32
        %get3A_587 = arith.index_cast %add3A_586 : i32 to index
        %get3A_588 = arith.constant 32 : index
        %get3A_589 = tpu.vector_load %arg9[%get3A_587, %get3A_588] {strides = array<i32>} : memref<1024x96xbf16, #tpu.memory_space<vmem>>, vector<1x32xbf16>,
        %get3A_590 = vector.shape_cast %get3A_589 : vector<1x32xbf16> to vector<32xbf16>
        %sub3A_591 = arith.subf %get3A_582, %get3A_590 : vector<32xbf16>
        %max3A_592 = arith.maximumf %max3A_576, %sub3A_591 : vector<32xbf16>
        %add3A_593 = arith.constant 6 : i32
        %add3A_594 = arith.addi %add3A_243, %add3A_593 : i32
        %get3A_595 = arith.index_cast %add3A_594 : i32 to index
        %get3A_596 = arith.constant 32 : index
        %get3A_597 = tpu.vector_load %arg9[%get3A_595, %get3A_596] {strides = array<i32>} : memref<1024x96xbf16, #tpu.memory_space<vmem>>, vector<1x32xbf16>,
        %get3A_598 = vector.shape_cast %get3A_597 : vector<1x32xbf16> to vector<32xbf16>
        %add3A_599 = arith.constant 16 : i32
        %add3A_600 = arith.addi %add3A_243, %add3A_599 : i32
        %add3A_601 = arith.constant 6 : i32
        %add3A_602 = arith.addi %add3A_600, %add3A_601 : i32
        %get3A_603 = arith.index_cast %add3A_602 : i32 to index
        %get3A_604 = arith.constant 32 : index
        %get3A_605 = tpu.vector_load %arg9[%get3A_603, %get3A_604] {strides = array<i32>} : memref<1024x96xbf16, #tpu.memory_space<vmem>>, vector<1x32xbf16>,
        %get3A_606 = vector.shape_cast %get3A_605 : vector<1x32xbf16> to vector<32xbf16>
        %sub3A_607 = arith.subf %get3A_598, %get3A_606 : vector<32xbf16>
        %max3A_608 = arith.maximumf %max3A_592, %sub3A_607 : vector<32xbf16>
        %add3A_609 = arith.constant 7 : i32
        %add3A_610 = arith.addi %add3A_243, %add3A_609 : i32
        %get3A_611 = arith.index_cast %add3A_610 : i32 to index
        %get3A_612 = arith.constant 32 : index
        %get3A_613 = tpu.vector_load %arg9[%get3A_611, %get3A_612] {strides = array<i32>} : memref<1024x96xbf16, #tpu.memory_space<vmem>>, vector<1x32xbf16>,
        %get3A_614 = vector.shape_cast %get3A_613 : vector<1x32xbf16> to vector<32xbf16>
        %add3A_615 = arith.constant 16 : i32
        %add3A_616 = arith.addi %add3A_243, %add3A_615 : i32
        %add3A_617 = arith.constant 7 : i32
        %add3A_618 = arith.addi %add3A_616, %add3A_617 : i32
        %get3A_619 = arith.index_cast %add3A_618 : i32 to index
        %get3A_620 = arith.constant 32 : index
        %get3A_621 = tpu.vector_load %arg9[%get3A_619, %get3A_620] {strides = array<i32>} : memref<1024x96xbf16, #tpu.memory_space<vmem>>, vector<1x32xbf16>,
        %get3A_622 = vector.shape_cast %get3A_621 : vector<1x32xbf16> to vector<32xbf16>
        %sub3A_623 = arith.subf %get3A_614, %get3A_622 : vector<32xbf16>
        %max3A_624 = arith.maximumf %max3A_608, %sub3A_623 : vector<32xbf16>
        %add3A_625 = arith.constant 8 : i32
        %add3A_626 = arith.addi %add3A_243, %add3A_625 : i32
        %get3A_627 = arith.index_cast %add3A_626 : i32 to index
        %get3A_628 = arith.constant 32 : index
        %get3A_629 = tpu.vector_load %arg9[%get3A_627, %get3A_628] {strides = array<i32>} : memref<1024x96xbf16, #tpu.memory_space<vmem>>, vector<1x32xbf16>,
        %get3A_630 = vector.shape_cast %get3A_629 : vector<1x32xbf16> to vector<32xbf16>
        %add3A_631 = arith.constant 16 : i32
        %add3A_632 = arith.addi %add3A_243, %add3A_631 : i32
        %add3A_633 = arith.constant 8 : i32
        %add3A_634 = arith.addi %add3A_632, %add3A_633 : i32
        %get3A_635 = arith.index_cast %add3A_634 : i32 to index
        %get3A_636 = arith.constant 32 : index
        %get3A_637 = tpu.vector_load %arg9[%get3A_635, %get3A_636] {strides = array<i32>} : memref<1024x96xbf16, #tpu.memory_space<vmem>>, vector<1x32xbf16>,
        %get3A_638 = vector.shape_cast %get3A_637 : vector<1x32xbf16> to vector<32xbf16>
        %sub3A_639 = arith.subf %get3A_630, %get3A_638 : vector<32xbf16>
        %max3A_640 = arith.maximumf %max3A_624, %sub3A_639 : vector<32xbf16>
        %add3A_641 = arith.constant 9 : i32
        %add3A_642 = arith.addi %add3A_243, %add3A_641 : i32
        %get3A_643 = arith.index_cast %add3A_642 : i32 to index
        %get3A_644 = arith.constant 32 : index
        %get3A_645 = tpu.vector_load %arg9[%get3A_643, %get3A_644] {strides = array<i32>} : memref<1024x96xbf16, #tpu.memory_space<vmem>>, vector<1x32xbf16>,
        %get3A_646 = vector.shape_cast %get3A_645 : vector<1x32xbf16> to vector<32xbf16>
        %add3A_647 = arith.constant 16 : i32
        %add3A_648 = arith.addi %add3A_243, %add3A_647 : i32
        %add3A_649 = arith.constant 9 : i32
        %add3A_650 = arith.addi %add3A_648, %add3A_649 : i32
        %get3A_651 = arith.index_cast %add3A_650 : i32 to index
        %get3A_652 = arith.constant 32 : index
        %get3A_653 = tpu.vector_load %arg9[%get3A_651, %get3A_652] {strides = array<i32>} : memref<1024x96xbf16, #tpu.memory_space<vmem>>, vector<1x32xbf16>,
        %get3A_654 = vector.shape_cast %get3A_653 : vector<1x32xbf16> to vector<32xbf16>
        %sub3A_655 = arith.subf %get3A_646, %get3A_654 : vector<32xbf16>
        %max3A_656 = arith.maximumf %max3A_640, %sub3A_655 : vector<32xbf16>
        %add3A_657 = arith.constant 10 : i32
        %add3A_658 = arith.addi %add3A_243, %add3A_657 : i32
        %get3A_659 = arith.index_cast %add3A_658 : i32 to index
        %get3A_660 = arith.constant 32 : index
        %get3A_661 = tpu.vector_load %arg9[%get3A_659, %get3A_660] {strides = array<i32>} : memref<1024x96xbf16, #tpu.memory_space<vmem>>, vector<1x32xbf16>,
        %get3A_662 = vector.shape_cast %get3A_661 : vector<1x32xbf16> to vector<32xbf16>
        %add3A_663 = arith.constant 16 : i32
        %add3A_664 = arith.addi %add3A_243, %add3A_663 : i32
        %add3A_665 = arith.constant 10 : i32
        %add3A_666 = arith.addi %add3A_664, %add3A_665 : i32
        %get3A_667 = arith.index_cast %add3A_666 : i32 to index
        %get3A_668 = arith.constant 32 : index
        %get3A_669 = tpu.vector_load %arg9[%get3A_667, %get3A_668] {strides = array<i32>} : memref<1024x96xbf16, #tpu.memory_space<vmem>>, vector<1x32xbf16>,
        %get3A_670 = vector.shape_cast %get3A_669 : vector<1x32xbf16> to vector<32xbf16>
        %sub3A_671 = arith.subf %get3A_662, %get3A_670 : vector<32xbf16>
        %max3A_672 = arith.maximumf %max3A_656, %sub3A_671 : vector<32xbf16>
        %add3A_673 = arith.constant 11 : i32
        %add3A_674 = arith.addi %add3A_243, %add3A_673 : i32
        %get3A_675 = arith.index_cast %add3A_674 : i32 to index
        %get3A_676 = arith.constant 32 : index
        %get3A_677 = tpu.vector_load %arg9[%get3A_675, %get3A_676] {strides = array<i32>} : memref<1024x96xbf16, #tpu.memory_space<vmem>>, vector<1x32xbf16>,
        %get3A_678 = vector.shape_cast %get3A_677 : vector<1x32xbf16> to vector<32xbf16>
        %add3A_679 = arith.constant 16 : i32
        %add3A_680 = arith.addi %add3A_243, %add3A_679 : i32
        %add3A_681 = arith.constant 11 : i32
        %add3A_682 = arith.addi %add3A_680, %add3A_681 : i32
        %get3A_683 = arith.index_cast %add3A_682 : i32 to index
        %get3A_684 = arith.constant 32 : index
        %get3A_685 = tpu.vector_load %arg9[%get3A_683, %get3A_684] {strides = array<i32>} : memref<1024x96xbf16, #tpu.memory_space<vmem>>, vector<1x32xbf16>,
        %get3A_686 = vector.shape_cast %get3A_685 : vector<1x32xbf16> to vector<32xbf16>
        %sub3A_687 = arith.subf %get3A_678, %get3A_686 : vector<32xbf16>
        %max3A_688 = arith.maximumf %max3A_672, %sub3A_687 : vector<32xbf16>
        %add3A_689 = arith.constant 12 : i32
        %add3A_690 = arith.addi %add3A_243, %add3A_689 : i32
        %get3A_691 = arith.index_cast %add3A_690 : i32 to index
        %get3A_692 = arith.constant 32 : index
        %get3A_693 = tpu.vector_load %arg9[%get3A_691, %get3A_692] {strides = array<i32>} : memref<1024x96xbf16, #tpu.memory_space<vmem>>, vector<1x32xbf16>,
        %get3A_694 = vector.shape_cast %get3A_693 : vector<1x32xbf16> to vector<32xbf16>
        %add3A_695 = arith.constant 16 : i32
        %add3A_696 = arith.addi %add3A_243, %add3A_695 : i32
        %add3A_697 = arith.constant 12 : i32
        %add3A_698 = arith.addi %add3A_696, %add3A_697 : i32
        %get3A_699 = arith.index_cast %add3A_698 : i32 to index
        %get3A_700 = arith.constant 32 : index
        %get3A_701 = tpu.vector_load %arg9[%get3A_699, %get3A_700] {strides = array<i32>} : memref<1024x96xbf16, #tpu.memory_space<vmem>>, vector<1x32xbf16>,
        %get3A_702 = vector.shape_cast %get3A_701 : vector<1x32xbf16> to vector<32xbf16>
        %sub3A_703 = arith.subf %get3A_694, %get3A_702 : vector<32xbf16>
        %max3A_704 = arith.maximumf %max3A_688, %sub3A_703 : vector<32xbf16>
        %add3A_705 = arith.constant 13 : i32
        %add3A_706 = arith.addi %add3A_243, %add3A_705 : i32
        %get3A_707 = arith.index_cast %add3A_706 : i32 to index
        %get3A_708 = arith.constant 32 : index
        %get3A_709 = tpu.vector_load %arg9[%get3A_707, %get3A_708] {strides = array<i32>} : memref<1024x96xbf16, #tpu.memory_space<vmem>>, vector<1x32xbf16>,
        %get3A_710 = vector.shape_cast %get3A_709 : vector<1x32xbf16> to vector<32xbf16>
        %add3A_711 = arith.constant 16 : i32
        %add3A_712 = arith.addi %add3A_243, %add3A_711 : i32
        %add3A_713 = arith.constant 13 : i32
        %add3A_714 = arith.addi %add3A_712, %add3A_713 : i32
        %get3A_715 = arith.index_cast %add3A_714 : i32 to index
        %get3A_716 = arith.constant 32 : index
        %get3A_717 = tpu.vector_load %arg9[%get3A_715, %get3A_716] {strides = array<i32>} : memref<1024x96xbf16, #tpu.memory_space<vmem>>, vector<1x32xbf16>,
        %get3A_718 = vector.shape_cast %get3A_717 : vector<1x32xbf16> to vector<32xbf16>
        %sub3A_719 = arith.subf %get3A_710, %get3A_718 : vector<32xbf16>
        %max3A_720 = arith.maximumf %max3A_704, %sub3A_719 : vector<32xbf16>
        %add3A_721 = arith.constant 14 : i32
        %add3A_722 = arith.addi %add3A_243, %add3A_721 : i32
        %get3A_723 = arith.index_cast %add3A_722 : i32 to index
        %get3A_724 = arith.constant 32 : index
        %get3A_725 = tpu.vector_load %arg9[%get3A_723, %get3A_724] {strides = array<i32>} : memref<1024x96xbf16, #tpu.memory_space<vmem>>, vector<1x32xbf16>,
        %get3A_726 = vector.shape_cast %get3A_725 : vector<1x32xbf16> to vector<32xbf16>
        %add3A_727 = arith.constant 16 : i32
        %add3A_728 = arith.addi %add3A_243, %add3A_727 : i32
        %add3A_729 = arith.constant 14 : i32
        %add3A_730 = arith.addi %add3A_728, %add3A_729 : i32
        %get3A_731 = arith.index_cast %add3A_730 : i32 to index
        %get3A_732 = arith.constant 32 : index
        %get3A_733 = tpu.vector_load %arg9[%get3A_731, %get3A_732] {strides = array<i32>} : memref<1024x96xbf16, #tpu.memory_space<vmem>>, vector<1x32xbf16>,
        %get3A_734 = vector.shape_cast %get3A_733 : vector<1x32xbf16> to vector<32xbf16>
        %sub3A_735 = arith.subf %get3A_726, %get3A_734 : vector<32xbf16>
        %max3A_736 = arith.maximumf %max3A_720, %sub3A_735 : vector<32xbf16>
        %add3A_737 = arith.constant 15 : i32
        %add3A_738 = arith.addi %add3A_243, %add3A_737 : i32
        %get3A_739 = arith.index_cast %add3A_738 : i32 to index
        %get3A_740 = arith.constant 32 : index
        %get3A_741 = tpu.vector_load %arg9[%get3A_739, %get3A_740] {strides = array<i32>} : memref<1024x96xbf16, #tpu.memory_space<vmem>>, vector<1x32xbf16>,
        %get3A_742 = vector.shape_cast %get3A_741 : vector<1x32xbf16> to vector<32xbf16>
        %add3A_743 = arith.constant 16 : i32
        %add3A_744 = arith.addi %add3A_243, %add3A_743 : i32
        %add3A_745 = arith.constant 15 : i32
        %add3A_746 = arith.addi %add3A_744, %add3A_745 : i32
        %get3A_747 = arith.index_cast %add3A_746 : i32 to index
        %get3A_748 = arith.constant 32 : index
        %get3A_749 = tpu.vector_load %arg9[%get3A_747, %get3A_748] {strides = array<i32>} : memref<1024x96xbf16, #tpu.memory_space<vmem>>, vector<1x32xbf16>,
        %get3A_750 = vector.shape_cast %get3A_749 : vector<1x32xbf16> to vector<32xbf16>
        %sub3A_751 = arith.subf %get3A_742, %get3A_750 : vector<32xbf16>
        %max3A_752 = arith.maximumf %max3A_736, %sub3A_751 : vector<32xbf16>
        %mul3A_753 = arith.constant 96 : i32
        %mul3A_754 = arith.muli %scan3A_237, %mul3A_753 : i32
        %add3A_755 = arith.constant 1536 : i32
        %add3A_756 = arith.addi %add3A_755, %mul3A_754 : i32
        %add3A_757 = arith.constant 32 : i32
        %add3A_758 = arith.addi %add3A_756, %add3A_757 : i32
        %swap3A_759 = arith.index_cast %add3A_758 : i32 to index
        %swap3A_760 = tpu.vector_load %arg10[%swap3A_759] {strides = array<i32>} : memref<3072xbf16, #tpu.memory_space<vmem>>, vector<32xbf16>,
        %swap3A_761 = vector.shape_cast %swap3A_760 : vector<32xbf16> to vector<32xbf16>
        %swap3A_762 = vector.shape_cast %max3A_752 : vector<32xbf16> to vector<32xbf16>
        tpu.vector_store %arg10[%swap3A_759], %swap3A_762 {strides = array<i32>} : memref<3072xbf16, #tpu.memory_space<vmem>>, vector<32xbf16>,
        %get3A_763 = arith.index_cast %add3A_243 : i32 to index
        %get3A_764 = arith.constant 64 : index
        %get3A_765 = tpu.vector_load %arg9[%get3A_763, %get3A_764] {strides = array<i32>} : memref<1024x96xbf16, #tpu.memory_space<vmem>>, vector<1x32xbf16>,
        %get3A_766 = vector.shape_cast %get3A_765 : vector<1x32xbf16> to vector<32xbf16>
        %add3A_767 = arith.constant 16 : i32
        %add3A_768 = arith.addi %add3A_243, %add3A_767 : i32
        %get3A_769 = arith.index_cast %add3A_768 : i32 to index
        %get3A_770 = arith.constant 64 : index
        %get3A_771 = tpu.vector_load %arg9[%get3A_769, %get3A_770] {strides = array<i32>} : memref<1024x96xbf16, #tpu.memory_space<vmem>>, vector<1x32xbf16>,
        %get3A_772 = vector.shape_cast %get3A_771 : vector<1x32xbf16> to vector<32xbf16>
        %sub3A_773 = arith.subf %get3A_766, %get3A_772 : vector<32xbf16>
        %add3A_774 = arith.constant 1 : i32
        %add3A_775 = arith.addi %add3A_243, %add3A_774 : i32
        %get3A_776 = arith.index_cast %add3A_775 : i32 to index
        %get3A_777 = arith.constant 64 : index
        %get3A_778 = tpu.vector_load %arg9[%get3A_776, %get3A_777] {strides = array<i32>} : memref<1024x96xbf16, #tpu.memory_space<vmem>>, vector<1x32xbf16>,
        %get3A_779 = vector.shape_cast %get3A_778 : vector<1x32xbf16> to vector<32xbf16>
        %add3A_780 = arith.constant 16 : i32
        %add3A_781 = arith.addi %add3A_243, %add3A_780 : i32
        %add3A_782 = arith.constant 1 : i32
        %add3A_783 = arith.addi %add3A_781, %add3A_782 : i32
        %get3A_784 = arith.index_cast %add3A_783 : i32 to index
        %get3A_785 = arith.constant 64 : index
        %get3A_786 = tpu.vector_load %arg9[%get3A_784, %get3A_785] {strides = array<i32>} : memref<1024x96xbf16, #tpu.memory_space<vmem>>, vector<1x32xbf16>,
        %get3A_787 = vector.shape_cast %get3A_786 : vector<1x32xbf16> to vector<32xbf16>
        %sub3A_788 = arith.subf %get3A_779, %get3A_787 : vector<32xbf16>
        %max3A_789 = arith.maximumf %sub3A_773, %sub3A_788 : vector<32xbf16>
        %add3A_790 = arith.constant 2 : i32
        %add3A_791 = arith.addi %add3A_243, %add3A_790 : i32
        %get3A_792 = arith.index_cast %add3A_791 : i32 to index
        %get3A_793 = arith.constant 64 : index
        %get3A_794 = tpu.vector_load %arg9[%get3A_792, %get3A_793] {strides = array<i32>} : memref<1024x96xbf16, #tpu.memory_space<vmem>>, vector<1x32xbf16>,
        %get3A_795 = vector.shape_cast %get3A_794 : vector<1x32xbf16> to vector<32xbf16>
        %add3A_796 = arith.constant 16 : i32
        %add3A_797 = arith.addi %add3A_243, %add3A_796 : i32
        %add3A_798 = arith.constant 2 : i32
        %add3A_799 = arith.addi %add3A_797, %add3A_798 : i32
        %get3A_800 = arith.index_cast %add3A_799 : i32 to index
        %get3A_801 = arith.constant 64 : index
        %get3A_802 = tpu.vector_load %arg9[%get3A_800, %get3A_801] {strides = array<i32>} : memref<1024x96xbf16, #tpu.memory_space<vmem>>, vector<1x32xbf16>,
        %get3A_803 = vector.shape_cast %get3A_802 : vector<1x32xbf16> to vector<32xbf16>
        %sub3A_804 = arith.subf %get3A_795, %get3A_803 : vector<32xbf16>
        %max3A_805 = arith.maximumf %max3A_789, %sub3A_804 : vector<32xbf16>
        %add3A_806 = arith.constant 3 : i32
        %add3A_807 = arith.addi %add3A_243, %add3A_806 : i32
        %get3A_808 = arith.index_cast %add3A_807 : i32 to index
        %get3A_809 = arith.constant 64 : index
        %get3A_810 = tpu.vector_load %arg9[%get3A_808, %get3A_809] {strides = array<i32>} : memref<1024x96xbf16, #tpu.memory_space<vmem>>, vector<1x32xbf16>,
        %get3A_811 = vector.shape_cast %get3A_810 : vector<1x32xbf16> to vector<32xbf16>
        %add3A_812 = arith.constant 16 : i32
        %add3A_813 = arith.addi %add3A_243, %add3A_812 : i32
        %add3A_814 = arith.constant 3 : i32
        %add3A_815 = arith.addi %add3A_813, %add3A_814 : i32
        %get3A_816 = arith.index_cast %add3A_815 : i32 to index
        %get3A_817 = arith.constant 64 : index
        %get3A_818 = tpu.vector_load %arg9[%get3A_816, %get3A_817] {strides = array<i32>} : memref<1024x96xbf16, #tpu.memory_space<vmem>>, vector<1x32xbf16>,
        %get3A_819 = vector.shape_cast %get3A_818 : vector<1x32xbf16> to vector<32xbf16>
        %sub3A_820 = arith.subf %get3A_811, %get3A_819 : vector<32xbf16>
        %max3A_821 = arith.maximumf %max3A_805, %sub3A_820 : vector<32xbf16>
        %add3A_822 = arith.constant 4 : i32
        %add3A_823 = arith.addi %add3A_243, %add3A_822 : i32
        %get3A_824 = arith.index_cast %add3A_823 : i32 to index
        %get3A_825 = arith.constant 64 : index
        %get3A_826 = tpu.vector_load %arg9[%get3A_824, %get3A_825] {strides = array<i32>} : memref<1024x96xbf16, #tpu.memory_space<vmem>>, vector<1x32xbf16>,
        %get3A_827 = vector.shape_cast %get3A_826 : vector<1x32xbf16> to vector<32xbf16>
        %add3A_828 = arith.constant 16 : i32
        %add3A_829 = arith.addi %add3A_243, %add3A_828 : i32
        %add3A_830 = arith.constant 4 : i32
        %add3A_831 = arith.addi %add3A_829, %add3A_830 : i32
        %get3A_832 = arith.index_cast %add3A_831 : i32 to index
        %get3A_833 = arith.constant 64 : index
        %get3A_834 = tpu.vector_load %arg9[%get3A_832, %get3A_833] {strides = array<i32>} : memref<1024x96xbf16, #tpu.memory_space<vmem>>, vector<1x32xbf16>,
        %get3A_835 = vector.shape_cast %get3A_834 : vector<1x32xbf16> to vector<32xbf16>
        %sub3A_836 = arith.subf %get3A_827, %get3A_835 : vector<32xbf16>
        %max3A_837 = arith.maximumf %max3A_821, %sub3A_836 : vector<32xbf16>
        %add3A_838 = arith.constant 5 : i32
        %add3A_839 = arith.addi %add3A_243, %add3A_838 : i32
        %get3A_840 = arith.index_cast %add3A_839 : i32 to index
        %get3A_841 = arith.constant 64 : index
        %get3A_842 = tpu.vector_load %arg9[%get3A_840, %get3A_841] {strides = array<i32>} : memref<1024x96xbf16, #tpu.memory_space<vmem>>, vector<1x32xbf16>,
        %get3A_843 = vector.shape_cast %get3A_842 : vector<1x32xbf16> to vector<32xbf16>
        %add3A_844 = arith.constant 16 : i32
        %add3A_845 = arith.addi %add3A_243, %add3A_844 : i32
        %add3A_846 = arith.constant 5 : i32
        %add3A_847 = arith.addi %add3A_845, %add3A_846 : i32
        %get3A_848 = arith.index_cast %add3A_847 : i32 to index
        %get3A_849 = arith.constant 64 : index
        %get3A_850 = tpu.vector_load %arg9[%get3A_848, %get3A_849] {strides = array<i32>} : memref<1024x96xbf16, #tpu.memory_space<vmem>>, vector<1x32xbf16>,
        %get3A_851 = vector.shape_cast %get3A_850 : vector<1x32xbf16> to vector<32xbf16>
        %sub3A_852 = arith.subf %get3A_843, %get3A_851 : vector<32xbf16>
        %max3A_853 = arith.maximumf %max3A_837, %sub3A_852 : vector<32xbf16>
        %add3A_854 = arith.constant 6 : i32
        %add3A_855 = arith.addi %add3A_243, %add3A_854 : i32
        %get3A_856 = arith.index_cast %add3A_855 : i32 to index
        %get3A_857 = arith.constant 64 : index
        %get3A_858 = tpu.vector_load %arg9[%get3A_856, %get3A_857] {strides = array<i32>} : memref<1024x96xbf16, #tpu.memory_space<vmem>>, vector<1x32xbf16>,
        %get3A_859 = vector.shape_cast %get3A_858 : vector<1x32xbf16> to vector<32xbf16>
        %add3A_860 = arith.constant 16 : i32
        %add3A_861 = arith.addi %add3A_243, %add3A_860 : i32
        %add3A_862 = arith.constant 6 : i32
        %add3A_863 = arith.addi %add3A_861, %add3A_862 : i32
        %get3A_864 = arith.index_cast %add3A_863 : i32 to index
        %get3A_865 = arith.constant 64 : index
        %get3A_866 = tpu.vector_load %arg9[%get3A_864, %get3A_865] {strides = array<i32>} : memref<1024x96xbf16, #tpu.memory_space<vmem>>, vector<1x32xbf16>,
        %get3A_867 = vector.shape_cast %get3A_866 : vector<1x32xbf16> to vector<32xbf16>
        %sub3A_868 = arith.subf %get3A_859, %get3A_867 : vector<32xbf16>
        %max3A_869 = arith.maximumf %max3A_853, %sub3A_868 : vector<32xbf16>
        %add3A_870 = arith.constant 7 : i32
        %add3A_871 = arith.addi %add3A_243, %add3A_870 : i32
        %get3A_872 = arith.index_cast %add3A_871 : i32 to index
        %get3A_873 = arith.constant 64 : index
        %get3A_874 = tpu.vector_load %arg9[%get3A_872, %get3A_873] {strides = array<i32>} : memref<1024x96xbf16, #tpu.memory_space<vmem>>, vector<1x32xbf16>,
        %get3A_875 = vector.shape_cast %get3A_874 : vector<1x32xbf16> to vector<32xbf16>
        %add3A_876 = arith.constant 16 : i32
        %add3A_877 = arith.addi %add3A_243, %add3A_876 : i32
        %add3A_878 = arith.constant 7 : i32
        %add3A_879 = arith.addi %add3A_877, %add3A_878 : i32
        %get3A_880 = arith.index_cast %add3A_879 : i32 to index
        %get3A_881 = arith.constant 64 : index
        %get3A_882 = tpu.vector_load %arg9[%get3A_880, %get3A_881] {strides = array<i32>} : memref<1024x96xbf16, #tpu.memory_space<vmem>>, vector<1x32xbf16>,
        %get3A_883 = vector.shape_cast %get3A_882 : vector<1x32xbf16> to vector<32xbf16>
        %sub3A_884 = arith.subf %get3A_875, %get3A_883 : vector<32xbf16>
        %max3A_885 = arith.maximumf %max3A_869, %sub3A_884 : vector<32xbf16>
        %add3A_886 = arith.constant 8 : i32
        %add3A_887 = arith.addi %add3A_243, %add3A_886 : i32
        %get3A_888 = arith.index_cast %add3A_887 : i32 to index
        %get3A_889 = arith.constant 64 : index
        %get3A_890 = tpu.vector_load %arg9[%get3A_888, %get3A_889] {strides = array<i32>} : memref<1024x96xbf16, #tpu.memory_space<vmem>>, vector<1x32xbf16>,
        %get3A_891 = vector.shape_cast %get3A_890 : vector<1x32xbf16> to vector<32xbf16>
        %add3A_892 = arith.constant 16 : i32
        %add3A_893 = arith.addi %add3A_243, %add3A_892 : i32
        %add3A_894 = arith.constant 8 : i32
        %add3A_895 = arith.addi %add3A_893, %add3A_894 : i32
        %get3A_896 = arith.index_cast %add3A_895 : i32 to index
        %get3A_897 = arith.constant 64 : index
        %get3A_898 = tpu.vector_load %arg9[%get3A_896, %get3A_897] {strides = array<i32>} : memref<1024x96xbf16, #tpu.memory_space<vmem>>, vector<1x32xbf16>,
        %get3A_899 = vector.shape_cast %get3A_898 : vector<1x32xbf16> to vector<32xbf16>
        %sub3A_900 = arith.subf %get3A_891, %get3A_899 : vector<32xbf16>
        %max3A_901 = arith.maximumf %max3A_885, %sub3A_900 : vector<32xbf16>
        %add3A_902 = arith.constant 9 : i32
        %add3A_903 = arith.addi %add3A_243, %add3A_902 : i32
        %get3A_904 = arith.index_cast %add3A_903 : i32 to index
        %get3A_905 = arith.constant 64 : index
        %get3A_906 = tpu.vector_load %arg9[%get3A_904, %get3A_905] {strides = array<i32>} : memref<1024x96xbf16, #tpu.memory_space<vmem>>, vector<1x32xbf16>,
        %get3A_907 = vector.shape_cast %get3A_906 : vector<1x32xbf16> to vector<32xbf16>
        %add3A_908 = arith.constant 16 : i32
        %add3A_909 = arith.addi %add3A_243, %add3A_908 : i32
        %add3A_910 = arith.constant 9 : i32
        %add3A_911 = arith.addi %add3A_909, %add3A_910 : i32
        %get3A_912 = arith.index_cast %add3A_911 : i32 to index
        %get3A_913 = arith.constant 64 : index
        %get3A_914 = tpu.vector_load %arg9[%get3A_912, %get3A_913] {strides = array<i32>} : memref<1024x96xbf16, #tpu.memory_space<vmem>>, vector<1x32xbf16>,
        %get3A_915 = vector.shape_cast %get3A_914 : vector<1x32xbf16> to vector<32xbf16>
        %sub3A_916 = arith.subf %get3A_907, %get3A_915 : vector<32xbf16>
        %max3A_917 = arith.maximumf %max3A_901, %sub3A_916 : vector<32xbf16>
        %add3A_918 = arith.constant 10 : i32
        %add3A_919 = arith.addi %add3A_243, %add3A_918 : i32
        %get3A_920 = arith.index_cast %add3A_919 : i32 to index
        %get3A_921 = arith.constant 64 : index
        %get3A_922 = tpu.vector_load %arg9[%get3A_920, %get3A_921] {strides = array<i32>} : memref<1024x96xbf16, #tpu.memory_space<vmem>>, vector<1x32xbf16>,
        %get3A_923 = vector.shape_cast %get3A_922 : vector<1x32xbf16> to vector<32xbf16>
        %add3A_924 = arith.constant 16 : i32
        %add3A_925 = arith.addi %add3A_243, %add3A_924 : i32
        %add3A_926 = arith.constant 10 : i32
        %add3A_927 = arith.addi %add3A_925, %add3A_926 : i32
        %get3A_928 = arith.index_cast %add3A_927 : i32 to index
        %get3A_929 = arith.constant 64 : index
        %get3A_930 = tpu.vector_load %arg9[%get3A_928, %get3A_929] {strides = array<i32>} : memref<1024x96xbf16, #tpu.memory_space<vmem>>, vector<1x32xbf16>,
        %get3A_931 = vector.shape_cast %get3A_930 : vector<1x32xbf16> to vector<32xbf16>
        %sub3A_932 = arith.subf %get3A_923, %get3A_931 : vector<32xbf16>
        %max3A_933 = arith.maximumf %max3A_917, %sub3A_932 : vector<32xbf16>
        %add3A_934 = arith.constant 11 : i32
        %add3A_935 = arith.addi %add3A_243, %add3A_934 : i32
        %get3A_936 = arith.index_cast %add3A_935 : i32 to index
        %get3A_937 = arith.constant 64 : index
        %get3A_938 = tpu.vector_load %arg9[%get3A_936, %get3A_937] {strides = array<i32>} : memref<1024x96xbf16, #tpu.memory_space<vmem>>, vector<1x32xbf16>,
        %get3A_939 = vector.shape_cast %get3A_938 : vector<1x32xbf16> to vector<32xbf16>
        %add3A_940 = arith.constant 16 : i32
        %add3A_941 = arith.addi %add3A_243, %add3A_940 : i32
        %add3A_942 = arith.constant 11 : i32
        %add3A_943 = arith.addi %add3A_941, %add3A_942 : i32
        %get3A_944 = arith.index_cast %add3A_943 : i32 to index
        %get3A_945 = arith.constant 64 : index
        %get3A_946 = tpu.vector_load %arg9[%get3A_944, %get3A_945] {strides = array<i32>} : memref<1024x96xbf16, #tpu.memory_space<vmem>>, vector<1x32xbf16>,
        %get3A_947 = vector.shape_cast %get3A_946 : vector<1x32xbf16> to vector<32xbf16>
        %sub3A_948 = arith.subf %get3A_939, %get3A_947 : vector<32xbf16>
        %max3A_949 = arith.maximumf %max3A_933, %sub3A_948 : vector<32xbf16>
        %add3A_950 = arith.constant 12 : i32
        %add3A_951 = arith.addi %add3A_243, %add3A_950 : i32
        %get3A_952 = arith.index_cast %add3A_951 : i32 to index
        %get3A_953 = arith.constant 64 : index
        %get3A_954 = tpu.vector_load %arg9[%get3A_952, %get3A_953] {strides = array<i32>} : memref<1024x96xbf16, #tpu.memory_space<vmem>>, vector<1x32xbf16>,
        %get3A_955 = vector.shape_cast %get3A_954 : vector<1x32xbf16> to vector<32xbf16>
        %add3A_956 = arith.constant 16 : i32
        %add3A_957 = arith.addi %add3A_243, %add3A_956 : i32
        %add3A_958 = arith.constant 12 : i32
        %add3A_959 = arith.addi %add3A_957, %add3A_958 : i32
        %get3A_960 = arith.index_cast %add3A_959 : i32 to index
        %get3A_961 = arith.constant 64 : index
        %get3A_962 = tpu.vector_load %arg9[%get3A_960, %get3A_961] {strides = array<i32>} : memref<1024x96xbf16, #tpu.memory_space<vmem>>, vector<1x32xbf16>,
        %get3A_963 = vector.shape_cast %get3A_962 : vector<1x32xbf16> to vector<32xbf16>
        %sub3A_964 = arith.subf %get3A_955, %get3A_963 : vector<32xbf16>
        %max3A_965 = arith.maximumf %max3A_949, %sub3A_964 : vector<32xbf16>
        %add3A_966 = arith.constant 13 : i32
        %add3A_967 = arith.addi %add3A_243, %add3A_966 : i32
        %get3A_968 = arith.index_cast %add3A_967 : i32 to index
        %get3A_969 = arith.constant 64 : index
        %get3A_970 = tpu.vector_load %arg9[%get3A_968, %get3A_969] {strides = array<i32>} : memref<1024x96xbf16, #tpu.memory_space<vmem>>, vector<1x32xbf16>,
        %get3A_971 = vector.shape_cast %get3A_970 : vector<1x32xbf16> to vector<32xbf16>
        %add3A_972 = arith.constant 16 : i32
        %add3A_973 = arith.addi %add3A_243, %add3A_972 : i32
        %add3A_974 = arith.constant 13 : i32
        %add3A_975 = arith.addi %add3A_973, %add3A_974 : i32
        %get3A_976 = arith.index_cast %add3A_975 : i32 to index
        %get3A_977 = arith.constant 64 : index
        %get3A_978 = tpu.vector_load %arg9[%get3A_976, %get3A_977] {strides = array<i32>} : memref<1024x96xbf16, #tpu.memory_space<vmem>>, vector<1x32xbf16>,
        %get3A_979 = vector.shape_cast %get3A_978 : vector<1x32xbf16> to vector<32xbf16>
        %sub3A_980 = arith.subf %get3A_971, %get3A_979 : vector<32xbf16>
        %max3A_981 = arith.maximumf %max3A_965, %sub3A_980 : vector<32xbf16>
        %add3A_982 = arith.constant 14 : i32
        %add3A_983 = arith.addi %add3A_243, %add3A_982 : i32
        %get3A_984 = arith.index_cast %add3A_983 : i32 to index
        %get3A_985 = arith.constant 64 : index
        %get3A_986 = tpu.vector_load %arg9[%get3A_984, %get3A_985] {strides = array<i32>} : memref<1024x96xbf16, #tpu.memory_space<vmem>>, vector<1x32xbf16>,
        %get3A_987 = vector.shape_cast %get3A_986 : vector<1x32xbf16> to vector<32xbf16>
        %add3A_988 = arith.constant 16 : i32
        %add3A_989 = arith.addi %add3A_243, %add3A_988 : i32
        %add3A_990 = arith.constant 14 : i32
        %add3A_991 = arith.addi %add3A_989, %add3A_990 : i32
        %get3A_992 = arith.index_cast %add3A_991 : i32 to index
        %get3A_993 = arith.constant 64 : index
        %get3A_994 = tpu.vector_load %arg9[%get3A_992, %get3A_993] {strides = array<i32>} : memref<1024x96xbf16, #tpu.memory_space<vmem>>, vector<1x32xbf16>,
        %get3A_995 = vector.shape_cast %get3A_994 : vector<1x32xbf16> to vector<32xbf16>
        %sub3A_996 = arith.subf %get3A_987, %get3A_995 : vector<32xbf16>
        %max3A_997 = arith.maximumf %max3A_981, %sub3A_996 : vector<32xbf16>
        %add3A_998 = arith.constant 15 : i32
        %add3A_999 = arith.addi %add3A_243, %add3A_998 : i32
        %get3A_1000 = arith.index_cast %add3A_999 : i32 to index
        %get3A_1001 = arith.constant 64 : index
        %get3A_1002 = tpu.vector_load %arg9[%get3A_1000, %get3A_1001] {strides = array<i32>} : memref<1024x96xbf16, #tpu.memory_space<vmem>>, vector<1x32xbf16>,
        %get3A_1003 = vector.shape_cast %get3A_1002 : vector<1x32xbf16> to vector<32xbf16>
        %add3A_1004 = arith.constant 16 : i32
        %add3A_1005 = arith.addi %add3A_243, %add3A_1004 : i32
        %add3A_1006 = arith.constant 15 : i32
        %add3A_1007 = arith.addi %add3A_1005, %add3A_1006 : i32
        %get3A_1008 = arith.index_cast %add3A_1007 : i32 to index
        %get3A_1009 = arith.constant 64 : index
        %get3A_1010 = tpu.vector_load %arg9[%get3A_1008, %get3A_1009] {strides = array<i32>} : memref<1024x96xbf16, #tpu.memory_space<vmem>>, vector<1x32xbf16>,
        %get3A_1011 = vector.shape_cast %get3A_1010 : vector<1x32xbf16> to vector<32xbf16>
        %sub3A_1012 = arith.subf %get3A_1003, %get3A_1011 : vector<32xbf16>
        %max3A_1013 = arith.maximumf %max3A_997, %sub3A_1012 : vector<32xbf16>
        %mul3A_1014 = arith.constant 96 : i32
        %mul3A_1015 = arith.muli %scan3A_237, %mul3A_1014 : i32
        %add3A_1016 = arith.constant 1536 : i32
        %add3A_1017 = arith.addi %add3A_1016, %mul3A_1015 : i32
        %add3A_1018 = arith.constant 64 : i32
        %add3A_1019 = arith.addi %add3A_1017, %add3A_1018 : i32
        %swap3A_1020 = arith.index_cast %add3A_1019 : i32 to index
        %swap3A_1021 = tpu.vector_load %arg10[%swap3A_1020] {strides = array<i32>} : memref<3072xbf16, #tpu.memory_space<vmem>>, vector<32xbf16>,
        %swap3A_1022 = vector.shape_cast %swap3A_1021 : vector<32xbf16> to vector<32xbf16>
        %swap3A_1023 = vector.shape_cast %max3A_1013 : vector<32xbf16> to vector<32xbf16>
        tpu.vector_store %arg10[%swap3A_1020], %swap3A_1023 {strides = array<i32>} : memref<3072xbf16, #tpu.memory_space<vmem>>, vector<32xbf16>,
      }
      %scan3A_225 = arith.constant 16 : i32
      %mul3A_226 = arith.constant 16 : i32
      %mul3A_227 = arith.muli %add3A_163, %mul3A_226 : i32
      %add3A_228 = arith.addi %mul3A_2, %mul3A_227 : i32
      %mul3A_229 = arith.constant 96 : i32
      %mul3A_230 = arith.muli %add3A_228, %mul3A_229 : i32
      %dma_start3A_231 = arith.constant 1536 : i32
      %dma_start3A_232 = tpu.memref_slice %arg10[%dma_start3A_231] : memref<3072xbf16, #tpu.memory_space<vmem>> -> memref<1536xbf16, #tpu.memory_space<vmem>>
      %dma_start3A_233 = tpu.memref_slice %arg5[%mul3A_230] : memref<884736xbf16, #tpu.memory_space<hbm>> -> memref<1536xbf16, #tpu.memory_space<hbm>>
      %dma_start3A_234 = tpu.memref_slice %arg5[%mul3A_230] : memref<884736xbf16, #tpu.memory_space<hbm>> -> memref<1536xbf16, #tpu.memory_space<hbm>>
      %dma_start3A_235 = arith.constant 1536 : i32
      %dma_start3A_236 = tpu.memref_slice %arg10[%dma_start3A_235] : memref<3072xbf16, #tpu.memory_space<vmem>> -> memref<1536xbf16, #tpu.memory_space<vmem>>
      tpu.enqueue_dma source(%dma_start3A_236 : memref<1536xbf16, #tpu.memory_space<vmem>>) target(%dma_start3A_234 : memref<1536xbf16, #tpu.memory_space<hbm>>) target_semaphore(%arg14 : memref<!tpu.dma_semaphore, #tpu.memory_space<semaphore_mem>>)
    }
    %scan3A_66 = arith.constant 9 : i32
    %add3A_67 = arith.constant 256 : i32
    %add3A_68 = arith.addi %mul3A_2, %add3A_67 : i32
    %mul3A_69 = arith.constant 96 : i32
    %mul3A_70 = arith.muli %add3A_68, %mul3A_69 : i32
    %dma_wait3A = arith.constant 0 : i32
    %dma_wait3A_71 = tpu.memref_slice %arg10[%dma_wait3A] : memref<3072xbf16, #tpu.memory_space<vmem>> -> memref<1536xbf16, #tpu.memory_space<vmem>>
    %dma_wait3A_72 = tpu.memref_slice %arg5[%mul3A_70] : memref<884736xbf16, #tpu.memory_space<hbm>> -> memref<1536xbf16, #tpu.memory_space<hbm>>
    %dma_wait3A_73 = tpu.memref_slice %arg5[%mul3A_70] : memref<884736xbf16, #tpu.memory_space<hbm>> -> memref<1536xbf16, #tpu.memory_space<hbm>>
    %dma_wait3A_74 = arith.constant 0 : i32
    %dma_wait3A_75 = tpu.memref_slice %arg10[%dma_wait3A_74] : memref<3072xbf16, #tpu.memory_space<vmem>> -> memref<1536xbf16, #tpu.memory_space<vmem>>
    tpu.wait_dma2 semaphore(%arg13 : memref<!tpu.dma_semaphore, #tpu.memory_space<semaphore_mem>>) src(%dma_wait3A_75 : memref<1536xbf16, #tpu.memory_space<vmem>>) dst(%dma_wait3A_73 : memref<1536xbf16, #tpu.memory_space<hbm>>)
    %add3A_76 = arith.constant 272 : i32
    %add3A_77 = arith.addi %mul3A_2, %add3A_76 : i32
    %mul3A_78 = arith.constant 96 : i32
    %mul3A_79 = arith.muli %add3A_77, %mul3A_78 : i32
    %dma_wait3A_80 = arith.constant 1536 : i32
    %dma_wait3A_81 = tpu.memref_slice %arg10[%dma_wait3A_80] : memref<3072xbf16, #tpu.memory_space<vmem>> -> memref<1536xbf16, #tpu.memory_space<vmem>>
    %dma_wait3A_82 = tpu.memref_slice %arg5[%mul3A_79] : memref<884736xbf16, #tpu.memory_space<hbm>> -> memref<1536xbf16, #tpu.memory_space<hbm>>
    %dma_wait3A_83 = tpu.memref_slice %arg5[%mul3A_79] : memref<884736xbf16, #tpu.memory_space<hbm>> -> memref<1536xbf16, #tpu.memory_space<hbm>>
    %dma_wait3A_84 = arith.constant 1536 : i32
    %dma_wait3A_85 = tpu.memref_slice %arg10[%dma_wait3A_84] : memref<3072xbf16, #tpu.memory_space<vmem>> -> memref<1536xbf16, #tpu.memory_space<vmem>>
    tpu.wait_dma2 semaphore(%arg14 : memref<!tpu.dma_semaphore, #tpu.memory_space<semaphore_mem>>) src(%dma_wait3A_85 : memref<1536xbf16, #tpu.memory_space<vmem>>) dst(%dma_wait3A_83 : memref<1536xbf16, #tpu.memory_space<hbm>>)
    return
  }
}

module attributes {stable_mosaic.version = 14 : i64} {
  func.func @_tc_centers_body(%arg0: i32, %arg1: memref<1x96x2304xf32, #tpu.memory_space<vmem>>, %arg2: memref<1x2304x96xf32, #tpu.memory_space<vmem>>, %arg3: memref<2304x50xf32, #tpu.memory_space<vmem>>, %arg4: memref<1x2304x96xf32, #tpu.memory_space<vmem>>) attributes {dimension_semantics = [#tpu.dimension_semantics<arbitrary>], iteration_bounds = array<i64: 4>, scalar_prefetch = 0 : i64, scratch_operands = 0 : i64, tpu.core_type = #tpu.core_type<tc>, window_params = [{transform_indices = @transform_0, window_bounds = array<i64: 1, 96, 2304>}, {transform_indices = @transform_1, window_bounds = array<i64: 1, 2304, 96>}, {pipeline_mode = #tpu.pipeline_mode<synchronous>, transform_indices = @transform_2, window_bounds = array<i64: 2304, 50>}, {transform_indices = @transform_3, window_bounds = array<i64: 1, 2304, 96>}]} {
    %get3A = arith.constant 0 : index
    %get3A_0 = arith.constant 0 : index
    %get3A_1 = arith.constant 0 : index
    %get3A_2 = vector.load %arg1[%get3A, %get3A_0, %get3A_1] : memref<1x96x2304xf32, #tpu.memory_space<vmem>>, vector<1x96x2304xf32>
    %get3A_3 = vector.shape_cast %get3A_2 : vector<1x96x2304xf32> to vector<96x2304xf32>
    %get3A_4 = arith.constant 0 : index
    %get3A_5 = arith.constant 0 : index
    %get3A_6 = arith.constant 0 : index
    %get3A_7 = vector.load %arg2[%get3A_4, %get3A_5, %get3A_6] : memref<1x2304x96xf32, #tpu.memory_space<vmem>>, vector<1x2304x96xf32>
    %get3A_8 = vector.shape_cast %get3A_7 : vector<1x2304x96xf32> to vector<2304x96xf32>
    %get3A_9 = arith.constant 0 : index
    %get3A_10 = arith.constant 0 : index
    %get3A_11 = vector.load %arg3[%get3A_9, %get3A_10] : memref<2304x50xf32, #tpu.memory_space<vmem>>, vector<2304x50xf32>
    %dot_general3A = arith.constant dense<0.000000e+00> : vector<96x50xf32>
    %dot_general3A_12 = tpu.matmul %get3A_3, %get3A_11, %dot_general3A {dimension_numbers = #tpu.dot_dimension_numbers<[1], [0], [0], [1], [0, 0, 1, 1], [], []>, transpose_lhs_hint = false} : vector<96x2304xf32>, vector<2304x50xf32>, vector<96x50xf32> -> vector<96x50xf32>
    %dot_general3A_13 = arith.constant dense<0.000000e+00> : vector<2304x50xf32>
    %dot_general3A_14 = tpu.matmul %get3A_8, %dot_general3A_12, %dot_general3A_13 {dimension_numbers = #tpu.dot_dimension_numbers<[1], [0], [0], [1], [0, 0, 1, 1], [], []>, transpose_lhs_hint = false} : vector<2304x96xf32>, vector<96x50xf32>, vector<2304x50xf32> -> vector<2304x50xf32>
    %mul3A = arith.mulf %dot_general3A_12, %dot_general3A_12 : vector<96x50xf32>
    %reduce_sum3A = arith.constant dense<0.000000e+00> : vector<50xf32>
    %reduce_sum3A_15 = vector.multi_reduction <add>, %mul3A, %reduce_sum3A [0] : vector<96x50xf32> to vector<50xf32>
    %broadcast_in_dim3A = vector.shape_cast %reduce_sum3A_15 : vector<50xf32> to vector<1x50xf32>
    %mul3A_16 = arith.constant 2.000000e+00 : f32
    %mul3A_17 = vector.broadcast %mul3A_16 : f32 to vector<2304x50xf32>
    %mul3A_18 = arith.mulf %mul3A_17, %dot_general3A_14 : vector<2304x50xf32>
    %sub3A = vector.broadcast %broadcast_in_dim3A : vector<1x50xf32> to vector<2304x50xf32>
    %sub3A_19 = arith.subf %mul3A_18, %sub3A : vector<2304x50xf32>
    %reduce_max3A = arith.constant dense<0xFF800000> : vector<2304xf32>
    %reduce_max3A_20 = vector.multi_reduction <maximumf>, %sub3A_19, %reduce_max3A [1] : vector<2304x50xf32> to vector<2304xf32>
    %broadcast_in_dim3A_21 = vector.shape_cast %reduce_max3A_20 : vector<2304xf32> to vector<2304x1xf32>
    %sub3A_22 = vector.broadcast %broadcast_in_dim3A_21 : vector<2304x1xf32> to vector<2304x50xf32>
    %sub3A_23 = arith.subf %sub3A_19, %sub3A_22 : vector<2304x50xf32>
    %exp3A = math.exp %sub3A_23 : vector<2304x50xf32>
    %reduce_sum3A_24 = arith.constant dense<0.000000e+00> : vector<2304xf32>
    %reduce_sum3A_25 = vector.multi_reduction <add>, %exp3A, %reduce_sum3A_24 [1] : vector<2304x50xf32> to vector<2304xf32>
    %broadcast_in_dim3A_26 = vector.shape_cast %reduce_sum3A_25 : vector<2304xf32> to vector<2304x1xf32>
    %div3A = vector.broadcast %broadcast_in_dim3A_26 : vector<2304x1xf32> to vector<2304x50xf32>
    %div3A_27 = arith.divf %exp3A, %div3A : vector<2304x50xf32>
    %reduce_sum3A_28 = arith.constant dense<0.000000e+00> : vector<50xf32>
    %reduce_sum3A_29 = vector.multi_reduction <add>, %div3A_27, %reduce_sum3A_28 [0] : vector<2304x50xf32> to vector<50xf32>
    %broadcast_in_dim3A_30 = vector.shape_cast %reduce_sum3A_29 : vector<50xf32> to vector<1x50xf32>
    %add3A = arith.constant 9.99999993E-9 : f32
    %add3A_31 = vector.broadcast %add3A : f32 to vector<1x50xf32>
    %add3A_32 = arith.addf %broadcast_in_dim3A_30, %add3A_31 : vector<1x50xf32>
    %dot_general3A_33 = arith.constant dense<0.000000e+00> : vector<96x50xf32>
    %dot_general3A_34 = tpu.matmul %get3A_3, %div3A_27, %dot_general3A_33 {dimension_numbers = #tpu.dot_dimension_numbers<[1], [0], [0], [1], [0, 0, 1, 1], [], []>, transpose_lhs_hint = false} : vector<96x2304xf32>, vector<2304x50xf32>, vector<96x50xf32> -> vector<96x50xf32>
    %div3A_35 = vector.broadcast %add3A_32 : vector<1x50xf32> to vector<96x50xf32>
    %div3A_36 = arith.divf %dot_general3A_34, %div3A_35 : vector<96x50xf32>
    %dot_general3A_37 = arith.constant dense<0.000000e+00> : vector<2304x50xf32>
    %dot_general3A_38 = tpu.matmul %get3A_8, %div3A_36, %dot_general3A_37 {dimension_numbers = #tpu.dot_dimension_numbers<[1], [0], [0], [1], [0, 0, 1, 1], [], []>, transpose_lhs_hint = false} : vector<2304x96xf32>, vector<96x50xf32>, vector<2304x50xf32> -> vector<2304x50xf32>
    %mul3A_39 = arith.mulf %div3A_36, %div3A_36 : vector<96x50xf32>
    %reduce_sum3A_40 = arith.constant dense<0.000000e+00> : vector<50xf32>
    %reduce_sum3A_41 = vector.multi_reduction <add>, %mul3A_39, %reduce_sum3A_40 [0] : vector<96x50xf32> to vector<50xf32>
    %broadcast_in_dim3A_42 = vector.shape_cast %reduce_sum3A_41 : vector<50xf32> to vector<1x50xf32>
    %mul3A_43 = arith.constant 2.000000e+00 : f32
    %mul3A_44 = vector.broadcast %mul3A_43 : f32 to vector<2304x50xf32>
    %mul3A_45 = arith.mulf %mul3A_44, %dot_general3A_38 : vector<2304x50xf32>
    %sub3A_46 = vector.broadcast %broadcast_in_dim3A_42 : vector<1x50xf32> to vector<2304x50xf32>
    %sub3A_47 = arith.subf %mul3A_45, %sub3A_46 : vector<2304x50xf32>
    %reduce_max3A_48 = arith.constant dense<0xFF800000> : vector<2304xf32>
    %reduce_max3A_49 = vector.multi_reduction <maximumf>, %sub3A_47, %reduce_max3A_48 [1] : vector<2304x50xf32> to vector<2304xf32>
    %broadcast_in_dim3A_50 = vector.shape_cast %reduce_max3A_49 : vector<2304xf32> to vector<2304x1xf32>
    %sub3A_51 = vector.broadcast %broadcast_in_dim3A_50 : vector<2304x1xf32> to vector<2304x50xf32>
    %sub3A_52 = arith.subf %sub3A_47, %sub3A_51 : vector<2304x50xf32>
    %exp3A_53 = math.exp %sub3A_52 : vector<2304x50xf32>
    %reduce_sum3A_54 = arith.constant dense<0.000000e+00> : vector<2304xf32>
    %reduce_sum3A_55 = vector.multi_reduction <add>, %exp3A_53, %reduce_sum3A_54 [1] : vector<2304x50xf32> to vector<2304xf32>
    %broadcast_in_dim3A_56 = vector.shape_cast %reduce_sum3A_55 : vector<2304xf32> to vector<2304x1xf32>
    %div3A_57 = vector.broadcast %broadcast_in_dim3A_56 : vector<2304x1xf32> to vector<2304x50xf32>
    %div3A_58 = arith.divf %exp3A_53, %div3A_57 : vector<2304x50xf32>
    %reduce_sum3A_59 = arith.constant dense<0.000000e+00> : vector<50xf32>
    %reduce_sum3A_60 = vector.multi_reduction <add>, %div3A_58, %reduce_sum3A_59 [0] : vector<2304x50xf32> to vector<50xf32>
    %broadcast_in_dim3A_61 = vector.shape_cast %reduce_sum3A_60 : vector<50xf32> to vector<1x50xf32>
    %add3A_62 = arith.constant 9.99999993E-9 : f32
    %add3A_63 = vector.broadcast %add3A_62 : f32 to vector<1x50xf32>
    %add3A_64 = arith.addf %broadcast_in_dim3A_61, %add3A_63 : vector<1x50xf32>
    %dot_general3A_65 = arith.constant dense<0.000000e+00> : vector<96x50xf32>
    %dot_general3A_66 = tpu.matmul %get3A_3, %div3A_58, %dot_general3A_65 {dimension_numbers = #tpu.dot_dimension_numbers<[1], [0], [0], [1], [0, 0, 1, 1], [], []>, transpose_lhs_hint = false} : vector<96x2304xf32>, vector<2304x50xf32>, vector<96x50xf32> -> vector<96x50xf32>
    %div3A_67 = vector.broadcast %add3A_64 : vector<1x50xf32> to vector<96x50xf32>
    %div3A_68 = arith.divf %dot_general3A_66, %div3A_67 : vector<96x50xf32>
    %dot_general3A_69 = arith.constant dense<0.000000e+00> : vector<2304x50xf32>
    %dot_general3A_70 = tpu.matmul %get3A_8, %div3A_68, %dot_general3A_69 {dimension_numbers = #tpu.dot_dimension_numbers<[1], [0], [0], [1], [0, 0, 1, 1], [], []>, transpose_lhs_hint = false} : vector<2304x96xf32>, vector<96x50xf32>, vector<2304x50xf32> -> vector<2304x50xf32>
    %mul3A_71 = arith.mulf %div3A_68, %div3A_68 : vector<96x50xf32>
    %reduce_sum3A_72 = arith.constant dense<0.000000e+00> : vector<50xf32>
    %reduce_sum3A_73 = vector.multi_reduction <add>, %mul3A_71, %reduce_sum3A_72 [0] : vector<96x50xf32> to vector<50xf32>
    %broadcast_in_dim3A_74 = vector.shape_cast %reduce_sum3A_73 : vector<50xf32> to vector<1x50xf32>
    %mul3A_75 = arith.constant 2.000000e+00 : f32
    %mul3A_76 = vector.broadcast %mul3A_75 : f32 to vector<2304x50xf32>
    %mul3A_77 = arith.mulf %mul3A_76, %dot_general3A_70 : vector<2304x50xf32>
    %sub3A_78 = vector.broadcast %broadcast_in_dim3A_74 : vector<1x50xf32> to vector<2304x50xf32>
    %sub3A_79 = arith.subf %mul3A_77, %sub3A_78 : vector<2304x50xf32>
    %reduce_max3A_80 = arith.constant dense<0xFF800000> : vector<2304xf32>
    %reduce_max3A_81 = vector.multi_reduction <maximumf>, %sub3A_79, %reduce_max3A_80 [1] : vector<2304x50xf32> to vector<2304xf32>
    %broadcast_in_dim3A_82 = vector.shape_cast %reduce_max3A_81 : vector<2304xf32> to vector<2304x1xf32>
    %sub3A_83 = vector.broadcast %broadcast_in_dim3A_82 : vector<2304x1xf32> to vector<2304x50xf32>
    %sub3A_84 = arith.subf %sub3A_79, %sub3A_83 : vector<2304x50xf32>
    %exp3A_85 = math.exp %sub3A_84 : vector<2304x50xf32>
    %reduce_sum3A_86 = arith.constant dense<0.000000e+00> : vector<2304xf32>
    %reduce_sum3A_87 = vector.multi_reduction <add>, %exp3A_85, %reduce_sum3A_86 [1] : vector<2304x50xf32> to vector<2304xf32>
    %broadcast_in_dim3A_88 = vector.shape_cast %reduce_sum3A_87 : vector<2304xf32> to vector<2304x1xf32>
    %div3A_89 = vector.broadcast %broadcast_in_dim3A_88 : vector<2304x1xf32> to vector<2304x50xf32>
    %div3A_90 = arith.divf %exp3A_85, %div3A_89 : vector<2304x50xf32>
    %reduce_sum3A_91 = arith.constant dense<0.000000e+00> : vector<50xf32>
    %reduce_sum3A_92 = vector.multi_reduction <add>, %div3A_90, %reduce_sum3A_91 [0] : vector<2304x50xf32> to vector<50xf32>
    %broadcast_in_dim3A_93 = vector.shape_cast %reduce_sum3A_92 : vector<50xf32> to vector<1x50xf32>
    %add3A_94 = arith.constant 9.99999993E-9 : f32
    %add3A_95 = vector.broadcast %add3A_94 : f32 to vector<1x50xf32>
    %add3A_96 = arith.addf %broadcast_in_dim3A_93, %add3A_95 : vector<1x50xf32>
    %dot_general3A_97 = arith.constant dense<0.000000e+00> : vector<96x50xf32>
    %dot_general3A_98 = tpu.matmul %get3A_3, %div3A_90, %dot_general3A_97 {dimension_numbers = #tpu.dot_dimension_numbers<[1], [0], [0], [1], [0, 0, 1, 1], [], []>, transpose_lhs_hint = false} : vector<96x2304xf32>, vector<2304x50xf32>, vector<96x50xf32> -> vector<96x50xf32>
    %div3A_99 = vector.broadcast %add3A_96 : vector<1x50xf32> to vector<96x50xf32>
    %div3A_100 = arith.divf %dot_general3A_98, %div3A_99 : vector<96x50xf32>
    %iota3A = tpu.iota {dimensions = array<i32: 1>} : vector<2304x50xi32>
    %broadcast_in_dim3A_101 = arith.constant true
    %broadcast_in_dim3A_102 = vector.broadcast %broadcast_in_dim3A_101 : i1 to vector<2304x50xi1>
    %jit3A = arith.constant -1.000000e+00 : f32
    %broadcast_in_dim3A_103 = vector.broadcast %jit3A : f32 to vector<2304x50xf32>
    %select_n3A = arith.select %broadcast_in_dim3A_102, %div3A_90, %broadcast_in_dim3A_103 : vector<2304x50xi1>, vector<2304x50xf32>
    %reduce_max3A_104 = arith.constant dense<0xFF800000> : vector<2304xf32>
    %reduce_max3A_105 = vector.multi_reduction <maximumf>, %select_n3A, %reduce_max3A_104 [1] : vector<2304x50xf32> to vector<2304xf32>
    %broadcast_in_dim3A_106 = vector.shape_cast %reduce_max3A_105 : vector<2304xf32> to vector<2304x1xf32>
    %eq3A = vector.broadcast %broadcast_in_dim3A_106 : vector<2304x1xf32> to vector<2304x50xf32>
    %eq3A_107 = arith.cmpf oeq, %select_n3A, %eq3A : vector<2304x50xf32>
    %jit3A_108 = arith.constant 50 : i32
    %broadcast_in_dim3A_109 = vector.broadcast %jit3A_108 : i32 to vector<2304x50xi32>
    %select_n3A_110 = arith.select %eq3A_107, %iota3A, %broadcast_in_dim3A_109 : vector<2304x50xi1>, vector<2304x50xi32>
    %reduce_min3A = arith.constant dense<2147483647> : vector<2304xi32>
    %reduce_min3A_111 = vector.multi_reduction <minsi>, %select_n3A_110, %reduce_min3A [1] : vector<2304x50xi32> to vector<2304xi32>
    %broadcast_in_dim3A_112 = vector.shape_cast %reduce_min3A_111 : vector<2304xi32> to vector<2304x1xi32>
    %eq3A_113 = vector.broadcast %broadcast_in_dim3A_112 : vector<2304x1xi32> to vector<2304x50xi32>
    %eq3A_114 = arith.cmpi eq, %iota3A, %eq3A_113 : vector<2304x50xi32>
    %convert_element_type3A = arith.extui %eq3A_114 : vector<2304x50xi1> to vector<2304x50xi32>
    %convert_element_type3A_115 = arith.sitofp %convert_element_type3A : vector<2304x50xi32> to vector<2304x50xf32>
    %dot_general3A_116 = arith.constant dense<0.000000e+00> : vector<2304x96xf32>
    %dot_general3A_117 = tpu.matmul %convert_element_type3A_115, %div3A_100, %dot_general3A_116 {dimension_numbers = #tpu.dot_dimension_numbers<[1], [1], [0], [0], [0, 0, 1, 0], [], []>, transpose_lhs_hint = false} : vector<2304x50xf32>, vector<96x50xf32>, vector<2304x96xf32> -> vector<2304x96xf32>
    %not3A = arith.constant dense<true> : vector<2304x50xi1>
    %not3A_118 = arith.xori %eq3A_114, %not3A : vector<2304x50xi1>
    %and3A = arith.andi %broadcast_in_dim3A_102, %not3A_118 : vector<2304x50xi1>
    %jit3A_119 = arith.constant -1.000000e+00 : f32
    %broadcast_in_dim3A_120 = vector.broadcast %jit3A_119 : f32 to vector<2304x50xf32>
    %select_n3A_121 = arith.select %and3A, %div3A_90, %broadcast_in_dim3A_120 : vector<2304x50xi1>, vector<2304x50xf32>
    %reduce_max3A_122 = arith.constant dense<0xFF800000> : vector<2304xf32>
    %reduce_max3A_123 = vector.multi_reduction <maximumf>, %select_n3A_121, %reduce_max3A_122 [1] : vector<2304x50xf32> to vector<2304xf32>
    %broadcast_in_dim3A_124 = vector.shape_cast %reduce_max3A_123 : vector<2304xf32> to vector<2304x1xf32>
    %eq3A_125 = vector.broadcast %broadcast_in_dim3A_124 : vector<2304x1xf32> to vector<2304x50xf32>
    %eq3A_126 = arith.cmpf oeq, %select_n3A_121, %eq3A_125 : vector<2304x50xf32>
    %jit3A_127 = arith.constant 50 : i32
    %broadcast_in_dim3A_128 = vector.broadcast %jit3A_127 : i32 to vector<2304x50xi32>
    %select_n3A_129 = arith.select %eq3A_126, %iota3A, %broadcast_in_dim3A_128 : vector<2304x50xi1>, vector<2304x50xi32>
    %reduce_min3A_130 = arith.constant dense<2147483647> : vector<2304xi32>
    %reduce_min3A_131 = vector.multi_reduction <minsi>, %select_n3A_129, %reduce_min3A_130 [1] : vector<2304x50xi32> to vector<2304xi32>
    %broadcast_in_dim3A_132 = vector.shape_cast %reduce_min3A_131 : vector<2304xi32> to vector<2304x1xi32>
    %eq3A_133 = vector.broadcast %broadcast_in_dim3A_132 : vector<2304x1xi32> to vector<2304x50xi32>
    %eq3A_134 = arith.cmpi eq, %iota3A, %eq3A_133 : vector<2304x50xi32>
    %convert_element_type3A_135 = arith.extui %eq3A_134 : vector<2304x50xi1> to vector<2304x50xi32>
    %convert_element_type3A_136 = arith.sitofp %convert_element_type3A_135 : vector<2304x50xi32> to vector<2304x50xf32>
    %dot_general3A_137 = arith.constant dense<0.000000e+00> : vector<2304x96xf32>
    %dot_general3A_138 = tpu.matmul %convert_element_type3A_136, %div3A_100, %dot_general3A_137 {dimension_numbers = #tpu.dot_dimension_numbers<[1], [1], [0], [0], [0, 0, 1, 0], [], []>, transpose_lhs_hint = false} : vector<2304x50xf32>, vector<96x50xf32>, vector<2304x96xf32> -> vector<2304x96xf32>
    %max3A = arith.maximumf %dot_general3A_117, %dot_general3A_138 : vector<2304x96xf32>
    %not3A_139 = arith.constant dense<true> : vector<2304x50xi1>
    %not3A_140 = arith.xori %eq3A_134, %not3A_139 : vector<2304x50xi1>
    %and3A_141 = arith.andi %and3A, %not3A_140 : vector<2304x50xi1>
    %jit3A_142 = arith.constant -1.000000e+00 : f32
    %broadcast_in_dim3A_143 = vector.broadcast %jit3A_142 : f32 to vector<2304x50xf32>
    %select_n3A_144 = arith.select %and3A_141, %div3A_90, %broadcast_in_dim3A_143 : vector<2304x50xi1>, vector<2304x50xf32>
    %reduce_max3A_145 = arith.constant dense<0xFF800000> : vector<2304xf32>
    %reduce_max3A_146 = vector.multi_reduction <maximumf>, %select_n3A_144, %reduce_max3A_145 [1] : vector<2304x50xf32> to vector<2304xf32>
    %broadcast_in_dim3A_147 = vector.shape_cast %reduce_max3A_146 : vector<2304xf32> to vector<2304x1xf32>
    %eq3A_148 = vector.broadcast %broadcast_in_dim3A_147 : vector<2304x1xf32> to vector<2304x50xf32>
    %eq3A_149 = arith.cmpf oeq, %select_n3A_144, %eq3A_148 : vector<2304x50xf32>
    %jit3A_150 = arith.constant 50 : i32
    %broadcast_in_dim3A_151 = vector.broadcast %jit3A_150 : i32 to vector<2304x50xi32>
    %select_n3A_152 = arith.select %eq3A_149, %iota3A, %broadcast_in_dim3A_151 : vector<2304x50xi1>, vector<2304x50xi32>
    %reduce_min3A_153 = arith.constant dense<2147483647> : vector<2304xi32>
    %reduce_min3A_154 = vector.multi_reduction <minsi>, %select_n3A_152, %reduce_min3A_153 [1] : vector<2304x50xi32> to vector<2304xi32>
    %broadcast_in_dim3A_155 = vector.shape_cast %reduce_min3A_154 : vector<2304xi32> to vector<2304x1xi32>
    %eq3A_156 = vector.broadcast %broadcast_in_dim3A_155 : vector<2304x1xi32> to vector<2304x50xi32>
    %eq3A_157 = arith.cmpi eq, %iota3A, %eq3A_156 : vector<2304x50xi32>
    %convert_element_type3A_158 = arith.extui %eq3A_157 : vector<2304x50xi1> to vector<2304x50xi32>
    %convert_element_type3A_159 = arith.sitofp %convert_element_type3A_158 : vector<2304x50xi32> to vector<2304x50xf32>
    %dot_general3A_160 = arith.constant dense<0.000000e+00> : vector<2304x96xf32>
    %dot_general3A_161 = tpu.matmul %convert_element_type3A_159, %div3A_100, %dot_general3A_160 {dimension_numbers = #tpu.dot_dimension_numbers<[1], [1], [0], [0], [0, 0, 1, 0], [], []>, transpose_lhs_hint = false} : vector<2304x50xf32>, vector<96x50xf32>, vector<2304x96xf32> -> vector<2304x96xf32>
    %max3A_162 = arith.maximumf %max3A, %dot_general3A_161 : vector<2304x96xf32>
    %not3A_163 = arith.constant dense<true> : vector<2304x50xi1>
    %not3A_164 = arith.xori %eq3A_157, %not3A_163 : vector<2304x50xi1>
    %and3A_165 = arith.andi %and3A_141, %not3A_164 : vector<2304x50xi1>
    %jit3A_166 = arith.constant -1.000000e+00 : f32
    %broadcast_in_dim3A_167 = vector.broadcast %jit3A_166 : f32 to vector<2304x50xf32>
    %select_n3A_168 = arith.select %and3A_165, %div3A_90, %broadcast_in_dim3A_167 : vector<2304x50xi1>, vector<2304x50xf32>
    %reduce_max3A_169 = arith.constant dense<0xFF800000> : vector<2304xf32>
    %reduce_max3A_170 = vector.multi_reduction <maximumf>, %select_n3A_168, %reduce_max3A_169 [1] : vector<2304x50xf32> to vector<2304xf32>
    %broadcast_in_dim3A_171 = vector.shape_cast %reduce_max3A_170 : vector<2304xf32> to vector<2304x1xf32>
    %eq3A_172 = vector.broadcast %broadcast_in_dim3A_171 : vector<2304x1xf32> to vector<2304x50xf32>
    %eq3A_173 = arith.cmpf oeq, %select_n3A_168, %eq3A_172 : vector<2304x50xf32>
    %jit3A_174 = arith.constant 50 : i32
    %broadcast_in_dim3A_175 = vector.broadcast %jit3A_174 : i32 to vector<2304x50xi32>
    %select_n3A_176 = arith.select %eq3A_173, %iota3A, %broadcast_in_dim3A_175 : vector<2304x50xi1>, vector<2304x50xi32>
    %reduce_min3A_177 = arith.constant dense<2147483647> : vector<2304xi32>
    %reduce_min3A_178 = vector.multi_reduction <minsi>, %select_n3A_176, %reduce_min3A_177 [1] : vector<2304x50xi32> to vector<2304xi32>
    %broadcast_in_dim3A_179 = vector.shape_cast %reduce_min3A_178 : vector<2304xi32> to vector<2304x1xi32>
    %eq3A_180 = vector.broadcast %broadcast_in_dim3A_179 : vector<2304x1xi32> to vector<2304x50xi32>
    %eq3A_181 = arith.cmpi eq, %iota3A, %eq3A_180 : vector<2304x50xi32>
    %convert_element_type3A_182 = arith.extui %eq3A_181 : vector<2304x50xi1> to vector<2304x50xi32>
    %convert_element_type3A_183 = arith.sitofp %convert_element_type3A_182 : vector<2304x50xi32> to vector<2304x50xf32>
    %dot_general3A_184 = arith.constant dense<0.000000e+00> : vector<2304x96xf32>
    %dot_general3A_185 = tpu.matmul %convert_element_type3A_183, %div3A_100, %dot_general3A_184 {dimension_numbers = #tpu.dot_dimension_numbers<[1], [1], [0], [0], [0, 0, 1, 0], [], []>, transpose_lhs_hint = false} : vector<2304x50xf32>, vector<96x50xf32>, vector<2304x96xf32> -> vector<2304x96xf32>
    %max3A_186 = arith.maximumf %max3A_162, %dot_general3A_185 : vector<2304x96xf32>
    %not3A_187 = arith.constant dense<true> : vector<2304x50xi1>
    %not3A_188 = arith.xori %eq3A_181, %not3A_187 : vector<2304x50xi1>
    %and3A_189 = arith.andi %and3A_165, %not3A_188 : vector<2304x50xi1>
    %jit3A_190 = arith.constant -1.000000e+00 : f32
    %broadcast_in_dim3A_191 = vector.broadcast %jit3A_190 : f32 to vector<2304x50xf32>
    %select_n3A_192 = arith.select %and3A_189, %div3A_90, %broadcast_in_dim3A_191 : vector<2304x50xi1>, vector<2304x50xf32>
    %reduce_max3A_193 = arith.constant dense<0xFF800000> : vector<2304xf32>
    %reduce_max3A_194 = vector.multi_reduction <maximumf>, %select_n3A_192, %reduce_max3A_193 [1] : vector<2304x50xf32> to vector<2304xf32>
    %broadcast_in_dim3A_195 = vector.shape_cast %reduce_max3A_194 : vector<2304xf32> to vector<2304x1xf32>
    %eq3A_196 = vector.broadcast %broadcast_in_dim3A_195 : vector<2304x1xf32> to vector<2304x50xf32>
    %eq3A_197 = arith.cmpf oeq, %select_n3A_192, %eq3A_196 : vector<2304x50xf32>
    %jit3A_198 = arith.constant 50 : i32
    %broadcast_in_dim3A_199 = vector.broadcast %jit3A_198 : i32 to vector<2304x50xi32>
    %select_n3A_200 = arith.select %eq3A_197, %iota3A, %broadcast_in_dim3A_199 : vector<2304x50xi1>, vector<2304x50xi32>
    %reduce_min3A_201 = arith.constant dense<2147483647> : vector<2304xi32>
    %reduce_min3A_202 = vector.multi_reduction <minsi>, %select_n3A_200, %reduce_min3A_201 [1] : vector<2304x50xi32> to vector<2304xi32>
    %broadcast_in_dim3A_203 = vector.shape_cast %reduce_min3A_202 : vector<2304xi32> to vector<2304x1xi32>
    %eq3A_204 = vector.broadcast %broadcast_in_dim3A_203 : vector<2304x1xi32> to vector<2304x50xi32>
    %eq3A_205 = arith.cmpi eq, %iota3A, %eq3A_204 : vector<2304x50xi32>
    %convert_element_type3A_206 = arith.extui %eq3A_205 : vector<2304x50xi1> to vector<2304x50xi32>
    %convert_element_type3A_207 = arith.sitofp %convert_element_type3A_206 : vector<2304x50xi32> to vector<2304x50xf32>
    %dot_general3A_208 = arith.constant dense<0.000000e+00> : vector<2304x96xf32>
    %dot_general3A_209 = tpu.matmul %convert_element_type3A_207, %div3A_100, %dot_general3A_208 {dimension_numbers = #tpu.dot_dimension_numbers<[1], [1], [0], [0], [0, 0, 1, 0], [], []>, transpose_lhs_hint = false} : vector<2304x50xf32>, vector<96x50xf32>, vector<2304x96xf32> -> vector<2304x96xf32>
    %max3A_210 = arith.maximumf %max3A_186, %dot_general3A_209 : vector<2304x96xf32>
    %not3A_211 = arith.constant dense<true> : vector<2304x50xi1>
    %not3A_212 = arith.xori %eq3A_205, %not3A_211 : vector<2304x50xi1>
    %and3A_213 = arith.andi %and3A_189, %not3A_212 : vector<2304x50xi1>
    %jit3A_214 = arith.constant -1.000000e+00 : f32
    %broadcast_in_dim3A_215 = vector.broadcast %jit3A_214 : f32 to vector<2304x50xf32>
    %select_n3A_216 = arith.select %and3A_213, %div3A_90, %broadcast_in_dim3A_215 : vector<2304x50xi1>, vector<2304x50xf32>
    %reduce_max3A_217 = arith.constant dense<0xFF800000> : vector<2304xf32>
    %reduce_max3A_218 = vector.multi_reduction <maximumf>, %select_n3A_216, %reduce_max3A_217 [1] : vector<2304x50xf32> to vector<2304xf32>
    %broadcast_in_dim3A_219 = vector.shape_cast %reduce_max3A_218 : vector<2304xf32> to vector<2304x1xf32>
    %eq3A_220 = vector.broadcast %broadcast_in_dim3A_219 : vector<2304x1xf32> to vector<2304x50xf32>
    %eq3A_221 = arith.cmpf oeq, %select_n3A_216, %eq3A_220 : vector<2304x50xf32>
    %jit3A_222 = arith.constant 50 : i32
    %broadcast_in_dim3A_223 = vector.broadcast %jit3A_222 : i32 to vector<2304x50xi32>
    %select_n3A_224 = arith.select %eq3A_221, %iota3A, %broadcast_in_dim3A_223 : vector<2304x50xi1>, vector<2304x50xi32>
    %reduce_min3A_225 = arith.constant dense<2147483647> : vector<2304xi32>
    %reduce_min3A_226 = vector.multi_reduction <minsi>, %select_n3A_224, %reduce_min3A_225 [1] : vector<2304x50xi32> to vector<2304xi32>
    %broadcast_in_dim3A_227 = vector.shape_cast %reduce_min3A_226 : vector<2304xi32> to vector<2304x1xi32>
    %eq3A_228 = vector.broadcast %broadcast_in_dim3A_227 : vector<2304x1xi32> to vector<2304x50xi32>
    %eq3A_229 = arith.cmpi eq, %iota3A, %eq3A_228 : vector<2304x50xi32>
    %convert_element_type3A_230 = arith.extui %eq3A_229 : vector<2304x50xi1> to vector<2304x50xi32>
    %convert_element_type3A_231 = arith.sitofp %convert_element_type3A_230 : vector<2304x50xi32> to vector<2304x50xf32>
    %dot_general3A_232 = arith.constant dense<0.000000e+00> : vector<2304x96xf32>
    %dot_general3A_233 = tpu.matmul %convert_element_type3A_231, %div3A_100, %dot_general3A_232 {dimension_numbers = #tpu.dot_dimension_numbers<[1], [1], [0], [0], [0, 0, 1, 0], [], []>, transpose_lhs_hint = false} : vector<2304x50xf32>, vector<96x50xf32>, vector<2304x96xf32> -> vector<2304x96xf32>
    %max3A_234 = arith.maximumf %max3A_210, %dot_general3A_233 : vector<2304x96xf32>
    %not3A_235 = arith.constant dense<true> : vector<2304x50xi1>
    %not3A_236 = arith.xori %eq3A_229, %not3A_235 : vector<2304x50xi1>
    %and3A_237 = arith.andi %and3A_213, %not3A_236 : vector<2304x50xi1>
    %jit3A_238 = arith.constant -1.000000e+00 : f32
    %broadcast_in_dim3A_239 = vector.broadcast %jit3A_238 : f32 to vector<2304x50xf32>
    %select_n3A_240 = arith.select %and3A_237, %div3A_90, %broadcast_in_dim3A_239 : vector<2304x50xi1>, vector<2304x50xf32>
    %reduce_max3A_241 = arith.constant dense<0xFF800000> : vector<2304xf32>
    %reduce_max3A_242 = vector.multi_reduction <maximumf>, %select_n3A_240, %reduce_max3A_241 [1] : vector<2304x50xf32> to vector<2304xf32>
    %broadcast_in_dim3A_243 = vector.shape_cast %reduce_max3A_242 : vector<2304xf32> to vector<2304x1xf32>
    %eq3A_244 = vector.broadcast %broadcast_in_dim3A_243 : vector<2304x1xf32> to vector<2304x50xf32>
    %eq3A_245 = arith.cmpf oeq, %select_n3A_240, %eq3A_244 : vector<2304x50xf32>
    %jit3A_246 = arith.constant 50 : i32
    %broadcast_in_dim3A_247 = vector.broadcast %jit3A_246 : i32 to vector<2304x50xi32>
    %select_n3A_248 = arith.select %eq3A_245, %iota3A, %broadcast_in_dim3A_247 : vector<2304x50xi1>, vector<2304x50xi32>
    %reduce_min3A_249 = arith.constant dense<2147483647> : vector<2304xi32>
    %reduce_min3A_250 = vector.multi_reduction <minsi>, %select_n3A_248, %reduce_min3A_249 [1] : vector<2304x50xi32> to vector<2304xi32>
    %broadcast_in_dim3A_251 = vector.shape_cast %reduce_min3A_250 : vector<2304xi32> to vector<2304x1xi32>
    %eq3A_252 = vector.broadcast %broadcast_in_dim3A_251 : vector<2304x1xi32> to vector<2304x50xi32>
    %eq3A_253 = arith.cmpi eq, %iota3A, %eq3A_252 : vector<2304x50xi32>
    %convert_element_type3A_254 = arith.extui %eq3A_253 : vector<2304x50xi1> to vector<2304x50xi32>
    %convert_element_type3A_255 = arith.sitofp %convert_element_type3A_254 : vector<2304x50xi32> to vector<2304x50xf32>
    %dot_general3A_256 = arith.constant dense<0.000000e+00> : vector<2304x96xf32>
    %dot_general3A_257 = tpu.matmul %convert_element_type3A_255, %div3A_100, %dot_general3A_256 {dimension_numbers = #tpu.dot_dimension_numbers<[1], [1], [0], [0], [0, 0, 1, 0], [], []>, transpose_lhs_hint = false} : vector<2304x50xf32>, vector<96x50xf32>, vector<2304x96xf32> -> vector<2304x96xf32>
    %max3A_258 = arith.maximumf %max3A_234, %dot_general3A_257 : vector<2304x96xf32>
    %not3A_259 = arith.constant dense<true> : vector<2304x50xi1>
    %not3A_260 = arith.xori %eq3A_253, %not3A_259 : vector<2304x50xi1>
    %and3A_261 = arith.andi %and3A_237, %not3A_260 : vector<2304x50xi1>
    %jit3A_262 = arith.constant -1.000000e+00 : f32
    %broadcast_in_dim3A_263 = vector.broadcast %jit3A_262 : f32 to vector<2304x50xf32>
    %select_n3A_264 = arith.select %and3A_261, %div3A_90, %broadcast_in_dim3A_263 : vector<2304x50xi1>, vector<2304x50xf32>
    %reduce_max3A_265 = arith.constant dense<0xFF800000> : vector<2304xf32>
    %reduce_max3A_266 = vector.multi_reduction <maximumf>, %select_n3A_264, %reduce_max3A_265 [1] : vector<2304x50xf32> to vector<2304xf32>
    %broadcast_in_dim3A_267 = vector.shape_cast %reduce_max3A_266 : vector<2304xf32> to vector<2304x1xf32>
    %eq3A_268 = vector.broadcast %broadcast_in_dim3A_267 : vector<2304x1xf32> to vector<2304x50xf32>
    %eq3A_269 = arith.cmpf oeq, %select_n3A_264, %eq3A_268 : vector<2304x50xf32>
    %jit3A_270 = arith.constant 50 : i32
    %broadcast_in_dim3A_271 = vector.broadcast %jit3A_270 : i32 to vector<2304x50xi32>
    %select_n3A_272 = arith.select %eq3A_269, %iota3A, %broadcast_in_dim3A_271 : vector<2304x50xi1>, vector<2304x50xi32>
    %reduce_min3A_273 = arith.constant dense<2147483647> : vector<2304xi32>
    %reduce_min3A_274 = vector.multi_reduction <minsi>, %select_n3A_272, %reduce_min3A_273 [1] : vector<2304x50xi32> to vector<2304xi32>
    %broadcast_in_dim3A_275 = vector.shape_cast %reduce_min3A_274 : vector<2304xi32> to vector<2304x1xi32>
    %eq3A_276 = vector.broadcast %broadcast_in_dim3A_275 : vector<2304x1xi32> to vector<2304x50xi32>
    %eq3A_277 = arith.cmpi eq, %iota3A, %eq3A_276 : vector<2304x50xi32>
    %convert_element_type3A_278 = arith.extui %eq3A_277 : vector<2304x50xi1> to vector<2304x50xi32>
    %convert_element_type3A_279 = arith.sitofp %convert_element_type3A_278 : vector<2304x50xi32> to vector<2304x50xf32>
    %dot_general3A_280 = arith.constant dense<0.000000e+00> : vector<2304x96xf32>
    %dot_general3A_281 = tpu.matmul %convert_element_type3A_279, %div3A_100, %dot_general3A_280 {dimension_numbers = #tpu.dot_dimension_numbers<[1], [1], [0], [0], [0, 0, 1, 0], [], []>, transpose_lhs_hint = false} : vector<2304x50xf32>, vector<96x50xf32>, vector<2304x96xf32> -> vector<2304x96xf32>
    %max3A_282 = arith.maximumf %max3A_258, %dot_general3A_281 : vector<2304x96xf32>
    %not3A_283 = arith.constant dense<true> : vector<2304x50xi1>
    %not3A_284 = arith.xori %eq3A_277, %not3A_283 : vector<2304x50xi1>
    %and3A_285 = arith.andi %and3A_261, %not3A_284 : vector<2304x50xi1>
    %jit3A_286 = arith.constant -1.000000e+00 : f32
    %broadcast_in_dim3A_287 = vector.broadcast %jit3A_286 : f32 to vector<2304x50xf32>
    %select_n3A_288 = arith.select %and3A_285, %div3A_90, %broadcast_in_dim3A_287 : vector<2304x50xi1>, vector<2304x50xf32>
    %reduce_max3A_289 = arith.constant dense<0xFF800000> : vector<2304xf32>
    %reduce_max3A_290 = vector.multi_reduction <maximumf>, %select_n3A_288, %reduce_max3A_289 [1] : vector<2304x50xf32> to vector<2304xf32>
    %broadcast_in_dim3A_291 = vector.shape_cast %reduce_max3A_290 : vector<2304xf32> to vector<2304x1xf32>
    %eq3A_292 = vector.broadcast %broadcast_in_dim3A_291 : vector<2304x1xf32> to vector<2304x50xf32>
    %eq3A_293 = arith.cmpf oeq, %select_n3A_288, %eq3A_292 : vector<2304x50xf32>
    %jit3A_294 = arith.constant 50 : i32
    %broadcast_in_dim3A_295 = vector.broadcast %jit3A_294 : i32 to vector<2304x50xi32>
    %select_n3A_296 = arith.select %eq3A_293, %iota3A, %broadcast_in_dim3A_295 : vector<2304x50xi1>, vector<2304x50xi32>
    %reduce_min3A_297 = arith.constant dense<2147483647> : vector<2304xi32>
    %reduce_min3A_298 = vector.multi_reduction <minsi>, %select_n3A_296, %reduce_min3A_297 [1] : vector<2304x50xi32> to vector<2304xi32>
    %broadcast_in_dim3A_299 = vector.shape_cast %reduce_min3A_298 : vector<2304xi32> to vector<2304x1xi32>
    %eq3A_300 = vector.broadcast %broadcast_in_dim3A_299 : vector<2304x1xi32> to vector<2304x50xi32>
    %eq3A_301 = arith.cmpi eq, %iota3A, %eq3A_300 : vector<2304x50xi32>
    %convert_element_type3A_302 = arith.extui %eq3A_301 : vector<2304x50xi1> to vector<2304x50xi32>
    %convert_element_type3A_303 = arith.sitofp %convert_element_type3A_302 : vector<2304x50xi32> to vector<2304x50xf32>
    %dot_general3A_304 = arith.constant dense<0.000000e+00> : vector<2304x96xf32>
    %dot_general3A_305 = tpu.matmul %convert_element_type3A_303, %div3A_100, %dot_general3A_304 {dimension_numbers = #tpu.dot_dimension_numbers<[1], [1], [0], [0], [0, 0, 1, 0], [], []>, transpose_lhs_hint = false} : vector<2304x50xf32>, vector<96x50xf32>, vector<2304x96xf32> -> vector<2304x96xf32>
    %max3A_306 = arith.maximumf %max3A_282, %dot_general3A_305 : vector<2304x96xf32>
    %not3A_307 = arith.constant dense<true> : vector<2304x50xi1>
    %not3A_308 = arith.xori %eq3A_301, %not3A_307 : vector<2304x50xi1>
    %and3A_309 = arith.andi %and3A_285, %not3A_308 : vector<2304x50xi1>
    %jit3A_310 = arith.constant -1.000000e+00 : f32
    %broadcast_in_dim3A_311 = vector.broadcast %jit3A_310 : f32 to vector<2304x50xf32>
    %select_n3A_312 = arith.select %and3A_309, %div3A_90, %broadcast_in_dim3A_311 : vector<2304x50xi1>, vector<2304x50xf32>
    %reduce_max3A_313 = arith.constant dense<0xFF800000> : vector<2304xf32>
    %reduce_max3A_314 = vector.multi_reduction <maximumf>, %select_n3A_312, %reduce_max3A_313 [1] : vector<2304x50xf32> to vector<2304xf32>
    %broadcast_in_dim3A_315 = vector.shape_cast %reduce_max3A_314 : vector<2304xf32> to vector<2304x1xf32>
    %eq3A_316 = vector.broadcast %broadcast_in_dim3A_315 : vector<2304x1xf32> to vector<2304x50xf32>
    %eq3A_317 = arith.cmpf oeq, %select_n3A_312, %eq3A_316 : vector<2304x50xf32>
    %jit3A_318 = arith.constant 50 : i32
    %broadcast_in_dim3A_319 = vector.broadcast %jit3A_318 : i32 to vector<2304x50xi32>
    %select_n3A_320 = arith.select %eq3A_317, %iota3A, %broadcast_in_dim3A_319 : vector<2304x50xi1>, vector<2304x50xi32>
    %reduce_min3A_321 = arith.constant dense<2147483647> : vector<2304xi32>
    %reduce_min3A_322 = vector.multi_reduction <minsi>, %select_n3A_320, %reduce_min3A_321 [1] : vector<2304x50xi32> to vector<2304xi32>
    %broadcast_in_dim3A_323 = vector.shape_cast %reduce_min3A_322 : vector<2304xi32> to vector<2304x1xi32>
    %eq3A_324 = vector.broadcast %broadcast_in_dim3A_323 : vector<2304x1xi32> to vector<2304x50xi32>
    %eq3A_325 = arith.cmpi eq, %iota3A, %eq3A_324 : vector<2304x50xi32>
    %convert_element_type3A_326 = arith.extui %eq3A_325 : vector<2304x50xi1> to vector<2304x50xi32>
    %convert_element_type3A_327 = arith.sitofp %convert_element_type3A_326 : vector<2304x50xi32> to vector<2304x50xf32>
    %dot_general3A_328 = arith.constant dense<0.000000e+00> : vector<2304x96xf32>
    %dot_general3A_329 = tpu.matmul %convert_element_type3A_327, %div3A_100, %dot_general3A_328 {dimension_numbers = #tpu.dot_dimension_numbers<[1], [1], [0], [0], [0, 0, 1, 0], [], []>, transpose_lhs_hint = false} : vector<2304x50xf32>, vector<96x50xf32>, vector<2304x96xf32> -> vector<2304x96xf32>
    %max3A_330 = arith.maximumf %max3A_306, %dot_general3A_329 : vector<2304x96xf32>
    %not3A_331 = arith.constant dense<true> : vector<2304x50xi1>
    %not3A_332 = arith.xori %eq3A_325, %not3A_331 : vector<2304x50xi1>
    %and3A_333 = arith.andi %and3A_309, %not3A_332 : vector<2304x50xi1>
    %jit3A_334 = arith.constant -1.000000e+00 : f32
    %broadcast_in_dim3A_335 = vector.broadcast %jit3A_334 : f32 to vector<2304x50xf32>
    %select_n3A_336 = arith.select %and3A_333, %div3A_90, %broadcast_in_dim3A_335 : vector<2304x50xi1>, vector<2304x50xf32>
    %reduce_max3A_337 = arith.constant dense<0xFF800000> : vector<2304xf32>
    %reduce_max3A_338 = vector.multi_reduction <maximumf>, %select_n3A_336, %reduce_max3A_337 [1] : vector<2304x50xf32> to vector<2304xf32>
    %broadcast_in_dim3A_339 = vector.shape_cast %reduce_max3A_338 : vector<2304xf32> to vector<2304x1xf32>
    %eq3A_340 = vector.broadcast %broadcast_in_dim3A_339 : vector<2304x1xf32> to vector<2304x50xf32>
    %eq3A_341 = arith.cmpf oeq, %select_n3A_336, %eq3A_340 : vector<2304x50xf32>
    %jit3A_342 = arith.constant 50 : i32
    %broadcast_in_dim3A_343 = vector.broadcast %jit3A_342 : i32 to vector<2304x50xi32>
    %select_n3A_344 = arith.select %eq3A_341, %iota3A, %broadcast_in_dim3A_343 : vector<2304x50xi1>, vector<2304x50xi32>
    %reduce_min3A_345 = arith.constant dense<2147483647> : vector<2304xi32>
    %reduce_min3A_346 = vector.multi_reduction <minsi>, %select_n3A_344, %reduce_min3A_345 [1] : vector<2304x50xi32> to vector<2304xi32>
    %broadcast_in_dim3A_347 = vector.shape_cast %reduce_min3A_346 : vector<2304xi32> to vector<2304x1xi32>
    %eq3A_348 = vector.broadcast %broadcast_in_dim3A_347 : vector<2304x1xi32> to vector<2304x50xi32>
    %eq3A_349 = arith.cmpi eq, %iota3A, %eq3A_348 : vector<2304x50xi32>
    %convert_element_type3A_350 = arith.extui %eq3A_349 : vector<2304x50xi1> to vector<2304x50xi32>
    %convert_element_type3A_351 = arith.sitofp %convert_element_type3A_350 : vector<2304x50xi32> to vector<2304x50xf32>
    %dot_general3A_352 = arith.constant dense<0.000000e+00> : vector<2304x96xf32>
    %dot_general3A_353 = tpu.matmul %convert_element_type3A_351, %div3A_100, %dot_general3A_352 {dimension_numbers = #tpu.dot_dimension_numbers<[1], [1], [0], [0], [0, 0, 1, 0], [], []>, transpose_lhs_hint = false} : vector<2304x50xf32>, vector<96x50xf32>, vector<2304x96xf32> -> vector<2304x96xf32>
    %max3A_354 = arith.maximumf %max3A_330, %dot_general3A_353 : vector<2304x96xf32>
    %not3A_355 = arith.constant dense<true> : vector<2304x50xi1>
    %not3A_356 = arith.xori %eq3A_349, %not3A_355 : vector<2304x50xi1>
    %and3A_357 = arith.andi %and3A_333, %not3A_356 : vector<2304x50xi1>
    %jit3A_358 = arith.constant -1.000000e+00 : f32
    %broadcast_in_dim3A_359 = vector.broadcast %jit3A_358 : f32 to vector<2304x50xf32>
    %select_n3A_360 = arith.select %and3A_357, %div3A_90, %broadcast_in_dim3A_359 : vector<2304x50xi1>, vector<2304x50xf32>
    %reduce_max3A_361 = arith.constant dense<0xFF800000> : vector<2304xf32>
    %reduce_max3A_362 = vector.multi_reduction <maximumf>, %select_n3A_360, %reduce_max3A_361 [1] : vector<2304x50xf32> to vector<2304xf32>
    %broadcast_in_dim3A_363 = vector.shape_cast %reduce_max3A_362 : vector<2304xf32> to vector<2304x1xf32>
    %eq3A_364 = vector.broadcast %broadcast_in_dim3A_363 : vector<2304x1xf32> to vector<2304x50xf32>
    %eq3A_365 = arith.cmpf oeq, %select_n3A_360, %eq3A_364 : vector<2304x50xf32>
    %jit3A_366 = arith.constant 50 : i32
    %broadcast_in_dim3A_367 = vector.broadcast %jit3A_366 : i32 to vector<2304x50xi32>
    %select_n3A_368 = arith.select %eq3A_365, %iota3A, %broadcast_in_dim3A_367 : vector<2304x50xi1>, vector<2304x50xi32>
    %reduce_min3A_369 = arith.constant dense<2147483647> : vector<2304xi32>
    %reduce_min3A_370 = vector.multi_reduction <minsi>, %select_n3A_368, %reduce_min3A_369 [1] : vector<2304x50xi32> to vector<2304xi32>
    %broadcast_in_dim3A_371 = vector.shape_cast %reduce_min3A_370 : vector<2304xi32> to vector<2304x1xi32>
    %eq3A_372 = vector.broadcast %broadcast_in_dim3A_371 : vector<2304x1xi32> to vector<2304x50xi32>
    %eq3A_373 = arith.cmpi eq, %iota3A, %eq3A_372 : vector<2304x50xi32>
    %convert_element_type3A_374 = arith.extui %eq3A_373 : vector<2304x50xi1> to vector<2304x50xi32>
    %convert_element_type3A_375 = arith.sitofp %convert_element_type3A_374 : vector<2304x50xi32> to vector<2304x50xf32>
    %dot_general3A_376 = arith.constant dense<0.000000e+00> : vector<2304x96xf32>
    %dot_general3A_377 = tpu.matmul %convert_element_type3A_375, %div3A_100, %dot_general3A_376 {dimension_numbers = #tpu.dot_dimension_numbers<[1], [1], [0], [0], [0, 0, 1, 0], [], []>, transpose_lhs_hint = false} : vector<2304x50xf32>, vector<96x50xf32>, vector<2304x96xf32> -> vector<2304x96xf32>
    %max3A_378 = arith.maximumf %max3A_354, %dot_general3A_377 : vector<2304x96xf32>
    %swap3A = arith.constant 0 : index
    %swap3A_379 = arith.constant 0 : index
    %swap3A_380 = arith.constant 0 : index
    %swap3A_381 = vector.load %arg4[%swap3A, %swap3A_379, %swap3A_380] : memref<1x2304x96xf32, #tpu.memory_space<vmem>>, vector<1x2304x96xf32>
    %swap3A_382 = vector.shape_cast %swap3A_381 : vector<1x2304x96xf32> to vector<2304x96xf32>
    %swap3A_383 = vector.shape_cast %max3A_378 : vector<2304x96xf32> to vector<1x2304x96xf32>
    tpu.vector_store %arg4[%swap3A, %swap3A_379, %swap3A_380], %swap3A_383 {strides = array<i32>} : memref<1x2304x96xf32, #tpu.memory_space<vmem>>, vector<1x2304x96xf32>,
    return
  }
  func.func @transform_0(%arg0: i32) -> (i32, i32, i32) {
    %c0_i32 = arith.constant 0 : i32
    %c0_i32_0 = arith.constant 0 : i32
    %c0_i32_1 = arith.constant 0 : i32
    return %arg0, %c0_i32, %c0_i32_0 : i32, i32, i32
  }
  func.func @transform_1(%arg0: i32) -> (i32, i32, i32) {
    %c0_i32 = arith.constant 0 : i32
    %c0_i32_0 = arith.constant 0 : i32
    %c0_i32_1 = arith.constant 0 : i32
    return %arg0, %c0_i32, %c0_i32_0 : i32, i32, i32
  }
  func.func @transform_2(%arg0: i32) -> (i32, i32) {
    %c0_i32 = arith.constant 0 : i32
    %c0_i32_0 = arith.constant 0 : i32
    %c0_i32_1 = arith.constant 0 : i32
    return %c0_i32, %c0_i32_0 : i32, i32
  }
  func.func @transform_3(%arg0: i32) -> (i32, i32, i32) {
    %c0_i32 = arith.constant 0 : i32
    %c0_i32_0 = arith.constant 0 : i32
    %c0_i32_1 = arith.constant 0 : i32
    return %arg0, %c0_i32, %c0_i32_0 : i32, i32, i32
  }
}

module attributes {stable_mosaic.version = 14 : i64} {
  func.func @_tc_conv_body(%arg0: i32, %arg1: memref<1x2304x96xf32, #tpu.memory_space<vmem>>, %arg2: memref<1x2304x96xbf16, #tpu.memory_space<vmem>>, %arg3: memref<1x2304x96xf32, #tpu.memory_space<vmem>>, %arg4: memref<96x96xf32, #tpu.memory_space<vmem>>, %arg5: memref<96x96xf32, #tpu.memory_space<vmem>>, %arg6: memref<96x96xf32, #tpu.memory_space<vmem>>, %arg7: memref<1x96xf32, #tpu.memory_space<vmem>>, %arg8: memref<1x96x2304xf32, #tpu.memory_space<vmem>>) attributes {dimension_semantics = [#tpu.dimension_semantics<arbitrary>], iteration_bounds = array<i64: 4>, scalar_prefetch = 0 : i64, scratch_operands = 0 : i64, tpu.core_type = #tpu.core_type<tc>, window_params = [{transform_indices = @transform_0, window_bounds = array<i64: 1, 2304, 96>}, {transform_indices = @transform_1, window_bounds = array<i64: 1, 2304, 96>}, {transform_indices = @transform_2, window_bounds = array<i64: 1, 2304, 96>}, {pipeline_mode = #tpu.pipeline_mode<synchronous>, transform_indices = @transform_3, window_bounds = array<i64: 96, 96>}, {pipeline_mode = #tpu.pipeline_mode<synchronous>, transform_indices = @transform_4, window_bounds = array<i64: 96, 96>}, {pipeline_mode = #tpu.pipeline_mode<synchronous>, transform_indices = @transform_5, window_bounds = array<i64: 96, 96>}, {pipeline_mode = #tpu.pipeline_mode<synchronous>, transform_indices = @transform_6, window_bounds = array<i64: 1, 96>}, {transform_indices = @transform_7, window_bounds = array<i64: 1, 96, 2304>}]} {
    %get3A = arith.constant 0 : index
    %get3A_0 = arith.constant 0 : index
    %get3A_1 = arith.constant 0 : index
    %get3A_2 = vector.load %arg1[%get3A, %get3A_0, %get3A_1] : memref<1x2304x96xf32, #tpu.memory_space<vmem>>, vector<1x2304x96xf32>
    %get3A_3 = vector.shape_cast %get3A_2 : vector<1x2304x96xf32> to vector<2304x96xf32>
    %get3A_4 = arith.constant 0 : index
    %get3A_5 = arith.constant 0 : index
    %get3A_6 = arith.constant 0 : index
    %get3A_7 = vector.load %arg2[%get3A_4, %get3A_5, %get3A_6] : memref<1x2304x96xbf16, #tpu.memory_space<vmem>>, vector<1x2304x96xbf16>
    %get3A_8 = vector.shape_cast %get3A_7 : vector<1x2304x96xbf16> to vector<2304x96xbf16>
    %convert_element_type3A = arith.extf %get3A_8 : vector<2304x96xbf16> to vector<2304x96xf32>
    %get3A_9 = arith.constant 0 : index
    %get3A_10 = arith.constant 0 : index
    %get3A_11 = arith.constant 0 : index
    %get3A_12 = vector.load %arg3[%get3A_9, %get3A_10, %get3A_11] : memref<1x2304x96xf32, #tpu.memory_space<vmem>>, vector<1x2304x96xf32>
    %get3A_13 = vector.shape_cast %get3A_12 : vector<1x2304x96xf32> to vector<2304x96xf32>
    %get3A_14 = arith.constant 0 : index
    %get3A_15 = arith.constant 0 : index
    %get3A_16 = vector.load %arg4[%get3A_14, %get3A_15] : memref<96x96xf32, #tpu.memory_space<vmem>>, vector<96x96xf32>
    %dot_general3A = arith.constant dense<0.000000e+00> : vector<2304x96xf32>
    %dot_general3A_17 = tpu.matmul %get3A_3, %get3A_16, %dot_general3A {dimension_numbers = #tpu.dot_dimension_numbers<[1], [1], [0], [0], [0, 0, 1, 0], [], []>, transpose_lhs_hint = false} : vector<2304x96xf32>, vector<96x96xf32>, vector<2304x96xf32> -> vector<2304x96xf32>
    %get3A_18 = arith.constant 0 : index
    %get3A_19 = arith.constant 0 : index
    %get3A_20 = vector.load %arg5[%get3A_18, %get3A_19] : memref<96x96xf32, #tpu.memory_space<vmem>>, vector<96x96xf32>
    %dot_general3A_21 = arith.constant dense<0.000000e+00> : vector<2304x96xf32>
    %dot_general3A_22 = tpu.matmul %convert_element_type3A, %get3A_20, %dot_general3A_21 {dimension_numbers = #tpu.dot_dimension_numbers<[1], [1], [0], [0], [0, 0, 1, 0], [], []>, transpose_lhs_hint = false} : vector<2304x96xf32>, vector<96x96xf32>, vector<2304x96xf32> -> vector<2304x96xf32>
    %add3A = arith.addf %dot_general3A_17, %dot_general3A_22 : vector<2304x96xf32>
    %get3A_23 = arith.constant 0 : index
    %get3A_24 = arith.constant 0 : index
    %get3A_25 = vector.load %arg6[%get3A_23, %get3A_24] : memref<96x96xf32, #tpu.memory_space<vmem>>, vector<96x96xf32>
    %dot_general3A_26 = arith.constant dense<0.000000e+00> : vector<2304x96xf32>
    %dot_general3A_27 = tpu.matmul %get3A_13, %get3A_25, %dot_general3A_26 {dimension_numbers = #tpu.dot_dimension_numbers<[1], [1], [0], [0], [0, 0, 1, 0], [], []>, transpose_lhs_hint = false} : vector<2304x96xf32>, vector<96x96xf32>, vector<2304x96xf32> -> vector<2304x96xf32>
    %add3A_28 = arith.addf %add3A, %dot_general3A_27 : vector<2304x96xf32>
    %get3A_29 = arith.constant 0 : index
    %get3A_30 = arith.constant 0 : index
    %get3A_31 = vector.load %arg7[%get3A_29, %get3A_30] : memref<1x96xf32, #tpu.memory_space<vmem>>, vector<1x96xf32>
    %add3A_32 = vector.broadcast %get3A_31 : vector<1x96xf32> to vector<2304x96xf32>
    %add3A_33 = arith.addf %add3A_28, %add3A_32 : vector<2304x96xf32>
    %max3A = arith.constant 0.000000e+00 : f32
    %max3A_34 = vector.broadcast %max3A : f32 to vector<2304x96xf32>
    %max3A_35 = arith.maximumf %add3A_33, %max3A_34 : vector<2304x96xf32>
    %transpose3A = tpu.transpose %max3A_35, [1, 0] : vector<2304x96xf32> -> vector<96x2304xf32>
    %swap3A = arith.constant 0 : index
    %swap3A_36 = arith.constant 0 : index
    %swap3A_37 = arith.constant 0 : index
    %swap3A_38 = vector.load %arg8[%swap3A, %swap3A_36, %swap3A_37] : memref<1x96x2304xf32, #tpu.memory_space<vmem>>, vector<1x96x2304xf32>
    %swap3A_39 = vector.shape_cast %swap3A_38 : vector<1x96x2304xf32> to vector<96x2304xf32>
    %swap3A_40 = vector.shape_cast %transpose3A : vector<96x2304xf32> to vector<1x96x2304xf32>
    tpu.vector_store %arg8[%swap3A, %swap3A_36, %swap3A_37], %swap3A_40 {strides = array<i32>} : memref<1x96x2304xf32, #tpu.memory_space<vmem>>, vector<1x96x2304xf32>,
    return
  }
  func.func @transform_0(%arg0: i32) -> (i32, i32, i32) {
    %c0_i32 = arith.constant 0 : i32
    %c0_i32_0 = arith.constant 0 : i32
    %c0_i32_1 = arith.constant 0 : i32
    return %arg0, %c0_i32, %c0_i32_0 : i32, i32, i32
  }
  func.func @transform_1(%arg0: i32) -> (i32, i32, i32) {
    %c0_i32 = arith.constant 0 : i32
    %c0_i32_0 = arith.constant 0 : i32
    %c0_i32_1 = arith.constant 0 : i32
    return %arg0, %c0_i32, %c0_i32_0 : i32, i32, i32
  }
  func.func @transform_2(%arg0: i32) -> (i32, i32, i32) {
    %c0_i32 = arith.constant 0 : i32
    %c0_i32_0 = arith.constant 0 : i32
    %c0_i32_1 = arith.constant 0 : i32
    return %arg0, %c0_i32, %c0_i32_0 : i32, i32, i32
  }
  func.func @transform_3(%arg0: i32) -> (i32, i32) {
    %c0_i32 = arith.constant 0 : i32
    %c0_i32_0 = arith.constant 0 : i32
    %c0_i32_1 = arith.constant 0 : i32
    return %c0_i32, %c0_i32_0 : i32, i32
  }
  func.func @transform_4(%arg0: i32) -> (i32, i32) {
    %c0_i32 = arith.constant 0 : i32
    %c0_i32_0 = arith.constant 0 : i32
    %c0_i32_1 = arith.constant 0 : i32
    return %c0_i32, %c0_i32_0 : i32, i32
  }
  func.func @transform_5(%arg0: i32) -> (i32, i32) {
    %c0_i32 = arith.constant 0 : i32
    %c0_i32_0 = arith.constant 0 : i32
    %c0_i32_1 = arith.constant 0 : i32
    return %c0_i32, %c0_i32_0 : i32, i32
  }
  func.func @transform_6(%arg0: i32) -> (i32, i32) {
    %c0_i32 = arith.constant 0 : i32
    %c0_i32_0 = arith.constant 0 : i32
    %c0_i32_1 = arith.constant 0 : i32
    return %c0_i32, %c0_i32_0 : i32, i32
  }
  func.func @transform_7(%arg0: i32) -> (i32, i32, i32) {
    %c0_i32 = arith.constant 0 : i32
    %c0_i32_0 = arith.constant 0 : i32
    %c0_i32_1 = arith.constant 0 : i32
    return %arg0, %c0_i32, %c0_i32_0 : i32, i32, i32
  }
}

</mosaic_0001>

<sc_bundles>
// kernel: kernel.5.cloned.1.call-start
scs
__scs_entry_jumppad:
0x0: {  	(pc) =	sbr.rel $0x88, $3  }
0x1: {  	(tag) =	ssettag $0x0;
	lr =	simm.s32 $0x1  }
0x2: {  	[smem:$0x3F9D] =	sst lr;
	_ =	strace $0xD0000000  }
0x3: {  	_ = 	snop  }
0x4: {  	_ = 	snop  }
0x5: {  	_ = 	snop  }
0x6: {  	_ = 	snop  }
0x7: {  	_ = 	snop  }
__scs_overlays_trampoline_lowered:
0x8: {  	[smem:$0x3FAC] =	sst s0  }
0x9: {  	[smem:$0x3FAD] =	sst s1  }
0xa: {  	[smem:$0x3FAE] =	sst s2  }
0xb: {  	[smem:$0x3FAF] =	sst s3  }
0xc: {  	[smem:$0x3FB0] =	sst s4  }
0xd: {  	[smem:$0x3FB1] =	sst s5  }
0xe: {  	[smem:$0x3FB2] =	sst s6  }
0xf: {  	[smem:$0x3FB3] =	sst s7  }
0x10: {  	[smem:$0x3FB4] =	sst s8  }
0x11: {  	[smem:$0x3FB5] =	sst s9;
	s0 =	simm.s32 @!p0 $0x0  }
0x12: {  	s1 =	sld [smem:$0x3F9B];
	s0 =	simm.s32 @p0 $0x1  }
0x13: {  	[smem:$0x3FB6] =	sst s0;
	s0 =	simm.s32 @!p1 $0x0  }
0x14: {  	s2 =	sld [smem:$0x3F9A];
	s0 =	simm.s32 @p1 $0x1  }
0x15: {  	[smem:$0x3FB7] =	sst s0;
	s0 =	simm.s32 @!p2 $0x0  }
0x16: {  	s3 =	sld [smem:$0x3FDB];
	s0 =	simm.s32 @p2 $0x1  }
0x17: {  	s4 =	simm.s32 $0x1BF5;
	[smem:$0x3FB9] =	sst s0  }
0x18: {  	s0 =	sld [smem:$0x3F9C];
	_ =	swait.ge [sflag:s4], $0x0  }
0x19: {  	s7 =	sld [smem:$0x3F9D]  }
0x1a: {  	s8 =	sadd.s32 $0xFFFFE003, lr  }
0x1b: {  	s9 =	sadd.s32 $0xFFFFFEF7, lr;
	s5 =	simm.s32 $0xFFFFFFFF;
	p2 =	slt.u32 s8, $0xFFFFF086  }
0x1c: {  	p1 =	slt.u32 s9, $0xF7A;
	s5 =	simm.s32 @!p2 $0x0  }
0x1d: {  	s5 =	simm.s32 @p1 $0x1;
	p0 =	seq.s32 s7, s2  }
0x1e: {  	s7 =	smul.u32 @!p0 $0xF7A, s2;
	p2 =	seq.s32 @!p0 s5, $0x0  }
0x1f: {  	s9 =	smul.u32 $0xF7A, s1;
	s8 =	simm.s32 @!p0 $0x1BF5;
	p2 =	por !p2, p0  }
0x20: {  	[sflag:s8] =	ssyncset.s32 @!p0 $0xFFFFF086;
	s6 =	sadd.s32 @!p0 s3, s7;
	s7 =	simm.s32 @!p0 $0x108  }
0x21: {  	s3 =	sadd.s32 s3, s9;
	s6 =	sadd.s32 @!p0 $0x88, s6;
	s7 =	simm.s32 @p2 $0x1082  }
0x22: {  	[simem:s7], [sflag:s8] =	dma.local @!p0 [hbm:s6], $0xF7A  }
0x23: {  	s9 =	sor.u32 $0xD0000000, s2;
	s6 =	simm.s32 $0x108;
	_ =	swait.ge @!p0 [sflag:s8], $0x0  }
0x24: {  	s3 =	sadd.s32 $0x88, s3;
	s6 =	simm.s32 @!p1 $0x1082;
	[sflag:s4] =	ssyncset.s32 $0xFFFFF086  }
0x25: {  	[simem:s6], [sflag:s4] =	dma.local [hbm:s3], $0xF7A  }
0x26: {  	[smem:$0x3F9D] =	sst s1;
	(tag) =	ssettag s2;
	_ =	strace s9  }
0x27: {  	s1 =	sld [smem:$0x3FAD]  }
0x28: {  	s2 =	sld [smem:$0x3FAE]  }
0x29: {  	s4 =	sld [smem:$0x3FB0]  }
0x2a: {  	p0 =	seq.s32 s5, $0x0;
	s5 =	sld [smem:$0x3FB1]  }
0x2b: {  	s6 =	sld [smem:$0x3FB2]  }
0x2c: {  	s7 =	sld [smem:$0x3FB3]  }
0x2d: {  	s3 =	simm.s32 $0x108;
	s8 =	sld [smem:$0x3FB4]  }
0x2e: {  	s3 =	simm.s32 @!p0 $0x1082;
	s9 =	sld [smem:$0x3FB5]  }
0x2f: {  	lr =	sadd.s32 s0, s3;
	s0 =	sld [smem:$0x3FAC]  }
0x30: {  	s3 =	sld [smem:$0x3FAF]  }
0x31: {  	[smem:$0x3FB8] =	sst s10  }
0x32: {  	s10 =	sld [smem:$0x3FB6];
	_ =	sdelay $0x3  }
0x33: {  	p0 =	seq.s32 s10, $0x1;
	s10 =	sld [smem:$0x3FB8];
	_ =	sdelay $0x3  }
0x34: {  	[smem:$0x3FB8] =	sst s10  }
0x35: {  	s10 =	sld [smem:$0x3FB7];
	_ =	sdelay $0x3  }
0x36: {  	p1 =	seq.s32 s10, $0x1;
	s10 =	sld [smem:$0x3FB8];
	_ =	sdelay $0x3  }
0x37: {  	[smem:$0x3FB8] =	sst s10  }
0x38: {  	s10 =	sld [smem:$0x3FB9]  }
0x39: {  	_ = 	snop;
	(pc) =	sbr.ind lr, $3  }
0x3a: {  	_ = 	snop  }
0x3b: {  	_ = 	snop  }
0x3c: {  	p2 =	seq.s32 s10, $0x1;
	s10 =	sld [smem:$0x3FB8]  }
0x3d: {  	_ =	shalt  }
0x3e: {  	_ =	shalt  }
0x3f: {  	_ =	shalt  }
0x40: {  	_ =	shalt  }
0x41: {  	_ =	shalt  }
0x42: {  	_ =	shalt  }
0x43: {  	_ =	shalt  }
0x44: {  	_ =	shalt  }
0x45: {  	_ =	shalt  }
0x46: {  	_ =	shalt  }
0x47: {  	_ =	shalt  }
0x48: {  	_ =	shalt  }
0x49: {  	_ =	shalt  }
0x4a: {  	_ =	shalt  }
0x4b: {  	_ =	shalt  }
0x4c: {  	_ =	shalt  }
0x4d: {  	_ =	shalt  }
0x4e: {  	_ =	shalt  }
0x4f: {  	_ =	shalt  }
0x50: {  	_ =	shalt  }
0x51: {  	_ =	shalt  }
0x52: {  	_ =	shalt  }
0x53: {  	_ =	shalt  }
0x54: {  	_ =	shalt  }
0x55: {  	_ =	shalt  }
0x56: {  	_ =	shalt  }
0x57: {  	_ =	shalt  }
0x58: {  	_ =	shalt  }
0x59: {  	_ =	shalt  }
0x5a: {  	_ =	shalt  }
0x5b: {  	_ =	shalt  }
0x5c: {  	_ =	shalt  }
0x5d: {  	_ =	shalt  }
0x5e: {  	_ =	shalt  }
0x5f: {  	_ =	shalt  }
0x60: {  	_ =	shalt  }
0x61: {  	_ =	shalt  }
0x62: {  	_ =	shalt  }
0x63: {  	_ =	shalt  }
0x64: {  	_ =	shalt  }
0x65: {  	_ =	shalt  }
0x66: {  	_ =	shalt  }
0x67: {  	_ =	shalt  }
0x68: {  	_ =	shalt  }
0x69: {  	_ =	shalt  }
0x6a: {  	_ =	shalt  }
0x6b: {  	_ =	shalt  }
0x6c: {  	_ =	shalt  }
0x6d: {  	_ =	shalt  }
0x6e: {  	_ =	shalt  }
0x6f: {  	_ =	shalt  }
0x70: {  	_ =	shalt  }
0x71: {  	_ =	shalt  }
0x72: {  	_ =	shalt  }
0x73: {  	_ =	shalt  }
0x74: {  	_ =	shalt  }
0x75: {  	_ =	shalt  }
0x76: {  	_ =	shalt  }
0x77: {  	_ =	shalt  }
0x78: {  	_ =	shalt  }
0x79: {  	_ =	shalt  }
0x7a: {  	_ =	shalt  }
0x7b: {  	_ =	shalt  }
0x7c: {  	_ =	shalt  }
0x7d: {  	_ =	shalt  }
0x7e: {  	_ =	shalt  }
0x7f: {  	_ =	shalt  }
0x80: {  	_ =	shalt  }
0x81: {  	_ =	shalt  }
0x82: {  	_ =	shalt  }
0x83: {  	_ =	shalt  }
0x84: {  	_ =	shalt  }
0x85: {  	_ =	shalt  }
0x86: {  	_ =	shalt  }
0x87: {  	_ =	shalt  }
.Lfunc_end0:
.L_simem_size_0:
called_computation_lowered:
.L_overlay_start_0:
0x88: {  	s2 =	sld [smem:$0x3FD9]  }
0x89: {  	s3 =	sld [smem:$0x3FFE];
	_ =	sdelay $0x1  }
0x8a: {  	s1 =	srdreg.scid  }
0x8b: {  	s0 =	sand.u32 $0x1, s1  }
0x8c: {  	s17 =	sshll.u32 s0, $0xA;
	s2 =	sadd.s32 s3, s2  }
0x8d: {  	s2 =	sadd.s32 s2, s17  }
0x8e: {  	[smem:$0x3FC4] =	sst s2  }
0x8f: {  	_ = 	snop  }
0x90: {  	s2 =	sld [smem:$0x3FD0];
	(tm) =	ssettm $0x1  }
0x91: {  	s18 =	sld [smem:$0x3FFB];
	_ =	sdelay $0x3  }
0x92: {  	_ =	strace s18  }
0x93: {  	s3 =	sld [smem:$0x3FFC];
	_ =	sdelay $0x3  }
0x94: {  	_ =	strace s3  }
0x95: {  	s3 =	sld [smem:$0x3FFD];
	_ =	sdelay $0x3  }
0x96: {  	_ =	strace s3  }
0x97: {  	_ =	strace $0x8FFFFFFF  }
0x98: {  	s19 =	sld [smem:$0x3FDB];
	_ =	sdelay $0x1  }
0x99: {  	s4 =	simm.s32 $_scs_section_size  }
0x9a: {  	s5 =	simm.s32 $_size__tile_overlayer_lowered;
	s6 =	simm.s32 $_tile_overlayer_lowered  }
0x9b: {  	s22 =	simm.s32 $0x1BFF;
	s21 =	sshll.u32 s6, $0x1;
	s3 =	sadd.s32 s4, s19  }
0x9c: {  	s7 =	simm.s32 $0x0;
	s20 =	sshll.u32 s5, $0x1;
	s5 =	sadd.s32 s21, s3  }
0x9d: {  	[timem:s7], [sflag:s22] =	dma.local [hbm:s5], s20  }
0x9e: {  	_ =	swait.ge [sflag:s22], s20  }
0x9f: {  	s4 =	ssub.s32 $0x0, s20;
	[sflag:s22] =	ssyncset.done $0x0  }
0xa0: {  	[sflag:s22] =	ssyncadd.s32 s4;
	_ =	sdelay $0x1  }
0xa1: {  	s23 =	simm.s32 $0x1B8B  }
0xa2: {  	_ =	swait.ge [sflag:s23], $0x1  }
0xa3: {  	[sflag:s23] =	ssyncset.done $0x0  }
0xa4: {  	s25 =	simm.s32 $0x1B8E;
	s24 =	sld [smem:$0x3FFE];
	[sflag:s23] =	ssyncadd.s32 $0xFFFFFFFF  }
0xa5: {  	s26 =	simm.s32 $execute0_lowered;
	[smem:$0x3FD2] =	sst s25  }
0xa6: {  	s5 =	sshll.u32 s26, $0x1;
	_ =	strace $0x80000046;
	[dreg:$0x1] =	wrdreg $0xFFFFFFFF  }
0xa7: {  	s28 =	simm.s32 $_size_execute0_lowered;
	s3 =	sadd.s32 s3, s5;
	[dreg:$0x0] =	wrdreg $0x0  }
0xa8: {  	s5 =	sshll.u32 s28, $0x1;
	[dreg:$0x2] =	wrdreg s3  }
0xa9: {  	[dreg:$0x3] =	wrdreg s5  }
0xaa: {  	[dreg:$0x4] =	wrdreg $0xC0  }
0xab: {  	_ =	task [dreg:s7], $0x5FFFF  }
0xac: {  	[dreg:$0x1] =	wrdreg $0xFFFFFFFF  }
0xad: {  	[dreg:$0x0] =	wrdreg $0x60  }
0xae: {  	[dreg:$0x2] =	wrdreg s2  }
0xaf: {  	[dreg:$0x3] =	wrdreg s24  }
0xb0: {  	[dreg:$0x4] =	wrdreg $0x9  }
0xb1: {  	_ =	task.clear_ibuf [dreg:s7], $0x5FFFF;
	_ =	strace $0x90000046  }
0xb2: {  	s29 =	simm.s32 $0x9;
	_ =	strace $0x80000048  }
0xb3: {  	_ =	swait.ge [sflag:s29], $0x1  }
0xb4: {  	[sflag:s29] =	ssyncadd.s32 $0xFFFFFFFF  }
0xb5: {  	_ =	strace $0x90000048  }
0xb6: {  	_ =	sfence  }
0xb7: {  	s30 =	sld [smem:$0x0];
	_ =	sdelay $0x2  }
0xb8: {  	s31 =	sshll.u32 s1, $0xD;
	s1 =	sshrl.u32 s1, $0x2  }
0xb9: {  	s3 =	sand.u32 $0x4000, s31;
	s1 =	sadd.s32 s1, s30  }
0xba: {  	s0 =	sor.u32 s3, s0;
	s1 =	sshll.u32 s1, $0x11  }
0xbb: {  	s0 =	sor.u32 s1, s0  }
0xbc: {  	s0 =	sadd.s32 $0x8F2B, s0  }
0xbd: {  	[sflag:s0] =	ssyncadd.remote.s32 $0x1  }
0xbe: {  	_ =	sfence.sel $0xFFFF  }
0xbf: {  	[dreg:$0x0] =	wrdreg $0xFFFFFFFF;
	(pc) =	sbr.abs _section_cstart, $3  }
0xc0: {  	[dreg:$0x1] =	wrdreg $0xFFFFFFFF  }
0xc1: {  	_ =	task.clear_ibuf [dreg:s7], $0x2FFFF;
	_ =	strace $0x9FFFFFFF  }
0xc2: {  	(tm) =	ssettm $0x7FFFFFFF  }
0xc3: {  	_ =	shalt  }
tec
execute0_lowered:
.L_overlay_start_1:
0x0: {  	(tag) =	ssettag $0x1  }
0x1: {  	s0 =	srdreg.scid;
	s2 =	rddreg [dreg:$0x0]  }
0x2: {  	s8 =	stileid.u32;
	s5 =	rddreg [dreg:$0x1]  }
0x3: {  	s3 =	simm.s32 $0x0;
	s10 =	simm.s32 $0x5;
	s12 =	simm.s32 $0x80  }
0x4: {  	s14 =	simm.s32 $0x6000;
	s15 =	simm.s32 $0x100;
	s16 =	simm.s32 $0x7800  }
0x5: {  	s17 =	simm.s32 $0x180;
	s18 =	simm.s32 $0x9000;
	s19 =	simm.s32 $0xA800  }
0x6: {  	s20 =	simm.s32 $0xC000;
	s21 =	simm.s32 $0xD800;
	s22 =	simm.s32 $0xF000  }
0x7: {  	s23 =	simm.s32 $0x1;
	s0 =	sand.u32 $0x1, s0;
	s1 =	sshll.u32 s8, $0x1  }
0x8: {  	s24 =	simm.s32 $0x10800;
	s25 =	simm.s32 $0x2;
	s1 =	sor.u32 s0, s1  }
0x9: {  	s26 =	simm.s32 $0x10B00;
	s28 =	simm.s32 $0x3;
	s4 =	smul.u32 $0x240, s1  }
0xa: {  	s29 =	simm.s32 $0x4;
	s30 =	simm.s32 $0x0;
	s31 =	sshrl.u32 s8, $0x2  }
0xb: {  	s0 =	ssub.s32 $0x2, s0;
	s7 =	sadd.s32 s4, s5;
	s4 =	smul.u32 $0x120, s1  }
0xc: {  	[smem:$0x7FF] =	sst s3;
	s6 =	sshrl.u32 s0, $0x1;
	s1 =	smul.u32 $0x900, s31  }
0xd: {  	_ =	strace $0x80000047;
	s0 =	ssub.s32 s0, s6;
	s5 =	sadd.s32 $0xA200, s5  }
0xe: {  	s8 =	smax.u32 s0, $0x1;
	s6 =	sadd.s32 $0x5A00, s7;
	s7 =	sadd.s32 $0x1200, s7;
	v0 =	vmov s1  }
.LBB2_1:
0xf: {  	s0 =	simm.s32 $0x2400  }
0x10: {  	[tilespmem:s0], [sflag:$0x5] =	stream.linear.gather [hbm4b:s6+s3], $0x1200, $0x38;
	[tilespmem:$0x10E00] =	vst v63  }
0x11: {  	_ =	swait.ge [sflag:s10], $0x1200  }
0x12: {  	[sflag:s10] =	ssyncset.done $0x0  }
0x13: {  	s31 =	simm.s32 $0x3600;
	[sflag:s10] =	ssyncadd.s32 $0xFFFFEE00  }
0x14: {  	[tilespmem:s31], [sflag:$0x5] =	stream.linear.gather [hbm4b:s7+s3], $0x1200, $0x38;
	[tilespmem:$0x10E00] =	vst v63  }
0x15: {  	_ =	swait.ge [sflag:s10], $0x1200  }
0x16: {  	[sflag:s10] =	ssyncset.done $0x0  }
0x17: {  	s1 =	simm.s32 $0x0;
	[sflag:s10] =	ssyncadd.s32 $0xFFFFEE00  }
0x18: {  	v1 =	vld [tilespmem:s1+$0x2400];
	_ =	sdelay $0x4  }
0x19: {  	s0 =	simm.s32 $0x10;
	v1 =	vadd.s32 v0, v1  }
0x1a: {  	[tilespmem:s0+$0xFFFFFFF0] =	vst v1  }
0x1b: {  	v1 =	vld [tilespmem:s1+$0x3600];
	_ =	sdelay $0x4  }
0x1c: {  	v1 =	vadd.s32 v0, v1  }
0x1d: {  	s9 =	simm.s32 $0x10;
	s1 =	simm.s32 $0x80;
	[tilespmem:s0+$0x0] =	vst v1  }
.LBB2_2:
0x1e: {  	p0 =	sne.s32 s1, $0x47C0;
	v1 =	vld [tilespmem:s9+$0x2400];
	_ =	sdelay $0x4  }
0x1f: {  	s0 =	sadd.s32 $0x20, s0;
	v1 =	vadd.s32 v0, v1  }
0x20: {  	[tilespmem:s0+$0xFFFFFFF0] =	vst v1  }
0x21: {  	v1 =	vld [tilespmem:s9+$0x3600];
	_ =	sdelay $0x1  }
.Ltmp0:
0x22: {  	(pc) =	sbr.rel @p0 .LBB2_2-.Ltmp0, $3  }
0x23: {  	_ =	sdelay $0x1  }
0x24: {  	v1 =	vadd.s32 v0, v1  }
0x25: {  	s9 =	sshra.s32 s1, $0x2;
	s1 =	sadd.s32 $0x40, s1;
	[tilespmem:s0+$0x0] =	vst v1  }
0x26: {  	v1 =	vld [tilespmem:s9+$0x2400];
	_ =	sdelay $0x4  }
0x27: {  	s0 =	sadd.s32 $0x20, s0;
	v1 =	vadd.s32 v0, v1  }
0x28: {  	[tilespmem:s0+$0xFFFFFFF0] =	vst v1  }
0x29: {  	v1 =	vld [tilespmem:s9+$0x3600];
	_ =	sdelay $0x4  }
0x2a: {  	v1 =	vadd.s32 v0, v1  }
0x2b: {  	s31 =	simm.s32 $0x0;
	s13 =	simm.s32 $0x4800;
	[tilespmem:s0+$0x0] =	vst v1  }
0x2c: {  	[tilespmem:s13], [sflag:$0x1] =	stream.indirect.gather [hbm4b:s2+s12], $0x30, s31, s12, $0xb8;
	[tilespmem:$0x10E00] =	vst v63  }
0x2d: {  	_ = 	snop  }
0x2e: {  	[tilespmem:s14], [sflag:$0x1] =	stream.indirect.gather [hbm4b:s2+s12], $0x30, s12, s12, $0xb8;
	[tilespmem:$0x10E00] =	vst v63  }
0x2f: {  	_ = 	snop  }
0x30: {  	[tilespmem:s16], [sflag:$0x1] =	stream.indirect.gather [hbm4b:s2+s12], $0x30, s15, s12, $0xb8;
	[tilespmem:$0x10E00] =	vst v63  }
0x31: {  	_ = 	snop  }
0x32: {  	[tilespmem:s18], [sflag:$0x1] =	stream.indirect.gather [hbm4b:s2+s12], $0x30, s17, s12, $0xb8;
	[tilespmem:$0x10E00] =	vst v63  }
.LBB2_4:
0x33: {  	s1 =	sshllo.u32 s31, $0x1  }
0x34: {  	s0 =	sshll.u32 s1, $0x9  }
0x35: {  	s0 =	sand.u32 $0x3FFFFE00, s0  }
0x36: {  	[tilespmem:s19], [sflag:$0x2] =	stream.indirect.gather [hbm4b:s2+s12], $0x30, s0, s12, $0xb8;
	[tilespmem:$0x10E00] =	vst v63  }
0x37: {  	s9 =	sor.u32 $0x80, s0  }
0x38: {  	[tilespmem:s20], [sflag:$0x2] =	stream.indirect.gather [hbm4b:s2+s12], $0x30, s9, s12, $0xb8;
	[tilespmem:$0x10E00] =	vst v63  }
0x39: {  	s13 =	sor.u32 $0x100, s0  }
0x3a: {  	[tilespmem:s21], [sflag:$0x2] =	stream.indirect.gather [hbm4b:s2+s12], $0x30, s13, s12, $0xb8;
	[tilespmem:$0x10E00] =	vst v63  }
0x3b: {  	s0 =	sor.u32 $0x180, s0  }
0x3c: {  	[tilespmem:s22], [sflag:$0x2] =	stream.indirect.gather [hbm4b:s2+s12], $0x30, s0, s12, $0xb8;
	[tilespmem:$0x10E00] =	vst v63  }
0x3d: {  	_ =	swait.ge [sflag:s23], $0x1800  }
0x3e: {  	[sflag:s23] =	ssyncset.done $0x0  }
0x3f: {  	[sflag:s23] =	ssyncadd.s32 $0xFFFFE800  }
0x40: {  	_ =	swait.ge [sflag:s23], $0x1800  }
0x41: {  	[sflag:s23] =	ssyncset.done $0x0  }
0x42: {  	[sflag:s23] =	ssyncadd.s32 $0xFFFFE800  }
0x43: {  	_ =	swait.ge [sflag:s23], $0x1800  }
0x44: {  	[sflag:s23] =	ssyncset.done $0x0  }
0x45: {  	[sflag:s23] =	ssyncadd.s32 $0xFFFFE800  }
0x46: {  	_ =	swait.ge [sflag:s23], $0x1800  }
0x47: {  	p0 =	seq.s32 s31, $0x0;
	[sflag:s23] =	ssyncset.done $0x0  }
0x48: {  	s0 =	simm.s32 @!p0 $0x3;
	[sflag:s23] =	ssyncadd.s32 $0xFFFFE800  }
0x49: {  	_ =	swait.ge @!p0 [sflag:s0], $0x300  }
0x4a: {  	[sflag:s0] =	ssyncset.done @!p0 $0x0  }
0x4b: {  	s9 =	simm.s32 $0x0;
	[sflag:s0] =	ssyncadd.s32 @!p0 $0xFFFFFD00;
	s0 =	simm.s32 $0x4B00  }
.LBB2_5:
0x4c: {  	v1 =	vld [tilespmem:s0+$0xFFFFFD00]  }
0x4d: {  	v2 =	vld [tilespmem:s0+$0x0]  }
0x4e: {  	v3 =	vld [tilespmem:s0+$0xFFFFFD30]  }
0x4f: {  	v4 =	vld [tilespmem:s0+$0x30]  }
0x50: {  	v5 =	vld [tilespmem:s0+$0xFFFFFD60]  }
0x51: {  	v6 =	vld [tilespmem:s0+$0x60]  }
0x52: {  	v7 =	vld [tilespmem:s0+$0xFFFFFD90]  }
0x53: {  	v8 =	vld [tilespmem:s0+$0x90]  }
0x54: {  	v9 =	vld [tilespmem:s0+$0xFFFFFDC0]  }
0x55: {  	v10 =	vld [tilespmem:s0+$0xC0]  }
0x56: {  	v11 =	vld [tilespmem:s0+$0xFFFFFDF0]  }
0x57: {  	v12 =	vld [tilespmem:s0+$0xF0]  }
0x58: {  	v13 =	vld [tilespmem:s0+$0xFFFFFE20]  }
0x59: {  	v14 =	vld [tilespmem:s0+$0x120]  }
0x5a: {  	v15 =	vld [tilespmem:s0+$0xFFFFFE50]  }
0x5b: {  	v16 =	vld [tilespmem:s0+$0x150]  }
0x5c: {  	v17 =	vld [tilespmem:s0+$0xFFFFFE80]  }
0x5d: {  	v18 =	vld [tilespmem:s0+$0x180]  }
0x5e: {  	v19 =	vld [tilespmem:s0+$0xFFFFFEB0]  }
0x5f: {  	v20 =	vld [tilespmem:s0+$0x1B0]  }
0x60: {  	v21 =	vld [tilespmem:s0+$0xFFFFFEE0]  }
0x61: {  	v22 =	vld [tilespmem:s0+$0x1E0]  }
0x62: {  	v26 =	vld [tilespmem:s0+$0x210];
	v1 =	vsub.bf16 v1, v2;
	v2 =	vsub.bf16 v3, v4  }
0x63: {  	v27 =	vld [tilespmem:s0+$0xFFFFFF40];
	v25 =	vsub.bf16 v5, v6  }
0x64: {  	v29 =	vld [tilespmem:s0+$0x240];
	v1 =	vmax.bf16 v1, v2;
	v2 =	vsub.bf16 v7, v8  }
0x65: {  	v30 =	vld [tilespmem:s0+$0xFFFFFF70];
	v28 =	vsub.bf16 v9, v10;
	v1 =	vmax.bf16 v1, v25  }
0x66: {  	v32 =	vld [tilespmem:s0+$0x270];
	v1 =	vmax.bf16 v1, v2;
	v2 =	vsub.bf16 v11, v12  }
0x67: {  	v3 =	vld [tilespmem:s0+$0xFFFFFF10];
	v31 =	vsub.bf16 v13, v14;
	v1 =	vmax.bf16 v1, v28  }
0x68: {  	v33 =	vld [tilespmem:s0+$0xFFFFFFA0];
	v1 =	vmax.bf16 v1, v2;
	v2 =	vsub.bf16 v15, v16  }
0x69: {  	v35 =	vld [tilespmem:s0+$0x2A0];
	v34 =	vsub.bf16 v17, v18;
	v1 =	vmax.bf16 v1, v31  }
0x6a: {  	v36 =	vld [tilespmem:s0+$0xFFFFFFD0];
	v1 =	vmax.bf16 v1, v2;
	v2 =	vsub.bf16 v19, v20  }
0x6b: {  	v38 =	vld [tilespmem:s0+$0x2D0];
	v37 =	vsub.bf16 v21, v22;
	v1 =	vmax.bf16 v1, v34  }
0x6c: {  	v1 =	vmax.bf16 v1, v2;
	v2 =	vsub.bf16 v3, v26  }
0x6d: {  	v3 =	vsub.bf16 v27, v29;
	v1 =	vmax.bf16 v1, v37  }
0x6e: {  	v1 =	vmax.bf16 v1, v2;
	v2 =	vsub.bf16 v30, v32  }
0x6f: {  	v1 =	vmax.bf16 v1, v3;
	v3 =	vsub.bf16 v33, v35  }
0x70: {  	v1 =	vmax.bf16 v1, v2;
	v2 =	vsub.bf16 v36, v38  }
0x71: {  	v1 =	vmax.bf16 v1, v3  }
0x72: {  	s11 =	sshra.s32 s9, $0x2;
	v1 =	vmax.bf16 v1, v2  }
0x73: {  	[tilespmem:s11+$0x10800] =	vst v1  }
0x74: {  	v1 =	vld [tilespmem:s0+$0xFFFFFD10]  }
0x75: {  	v2 =	vld [tilespmem:s0+$0x10]  }
0x76: {  	v3 =	vld [tilespmem:s0+$0xFFFFFD40]  }
0x77: {  	v39 =	vld [tilespmem:s0+$0x40]  }
0x78: {  	v40 =	vld [tilespmem:s0+$0xFFFFFD70]  }
0x79: {  	v41 =	vld [tilespmem:s0+$0x70]  }
0x7a: {  	v42 =	vld [tilespmem:s0+$0xFFFFFDA0]  }
0x7b: {  	v43 =	vld [tilespmem:s0+$0xA0]  }
0x7c: {  	v44 =	vld [tilespmem:s0+$0xFFFFFDD0]  }
0x7d: {  	v45 =	vld [tilespmem:s0+$0xD0]  }
0x7e: {  	v46 =	vld [tilespmem:s0+$0xFFFFFE00]  }
0x7f: {  	v47 =	vld [tilespmem:s0+$0x100]  }
0x80: {  	v48 =	vld [tilespmem:s0+$0xFFFFFE30]  }
0x81: {  	v49 =	vld [tilespmem:s0+$0x130]  }
0x82: {  	v50 =	vld [tilespmem:s0+$0xFFFFFE60]  }
0x83: {  	v51 =	vld [tilespmem:s0+$0x160]  }
0x84: {  	v52 =	vld [tilespmem:s0+$0xFFFFFE90]  }
0x85: {  	v53 =	vld [tilespmem:s0+$0x190]  }
0x86: {  	v54 =	vld [tilespmem:s0+$0xFFFFFEC0]  }
0x87: {  	v55 =	vld [tilespmem:s0+$0x1C0]  }
0x88: {  	v56 =	vld [tilespmem:s0+$0xFFFFFEF0]  }
0x89: {  	v57 =	vld [tilespmem:s0+$0x1F0]  }
0x8a: {  	v59 =	vld [tilespmem:s0+$0x220];
	v1 =	vsub.bf16 v1, v2;
	v2 =	vsub.bf16 v3, v39  }
0x8b: {  	v60 =	vld [tilespmem:s0+$0xFFFFFF50];
	v58 =	vsub.bf16 v40, v41  }
0x8c: {  	v62 =	vld [tilespmem:s0+$0x250];
	v1 =	vmax.bf16 v1, v2;
	v2 =	vsub.bf16 v42, v43  }
0x8d: {  	v63 =	vld [tilespmem:s0+$0xFFFFFF80];
	v61 =	vsub.bf16 v44, v45;
	v1 =	vmax.bf16 v1, v58  }
0x8e: {  	v24 =	vld [tilespmem:s0+$0x280];
	v1 =	vmax.bf16 v1, v2;
	v2 =	vsub.bf16 v46, v47  }
0x8f: {  	v3 =	vld [tilespmem:s0+$0xFFFFFF20];
	v23 =	vsub.bf16 v48, v49;
	v1 =	vmax.bf16 v1, v61  }
0x90: {  	v25 =	vld [tilespmem:s0+$0xFFFFFFB0];
	v1 =	vmax.bf16 v1, v2;
	v2 =	vsub.bf16 v50, v51  }
0x91: {  	v27 =	vld [tilespmem:s0+$0x2B0];
	v26 =	vsub.bf16 v52, v53;
	v1 =	vmax.bf16 v1, v23  }
0x92: {  	v28 =	vld [tilespmem:s0+$0xFFFFFFE0];
	v1 =	vmax.bf16 v1, v2;
	v2 =	vsub.bf16 v54, v55  }
0x93: {  	v30 =	vld [tilespmem:s0+$0x2E0];
	v29 =	vsub.bf16 v56, v57;
	v1 =	vmax.bf16 v1, v26  }
0x94: {  	v1 =	vmax.bf16 v1, v2;
	v2 =	vsub.bf16 v3, v59  }
0x95: {  	v3 =	vsub.bf16 v60, v62;
	v1 =	vmax.bf16 v1, v29  }
0x96: {  	v1 =	vmax.bf16 v1, v2;
	v2 =	vsub.bf16 v63, v24  }
0x97: {  	v1 =	vmax.bf16 v1, v3;
	v3 =	vsub.bf16 v25, v27  }
0x98: {  	v1 =	vmax.bf16 v1, v2;
	v2 =	vsub.bf16 v28, v30  }
0x99: {  	v1 =	vmax.bf16 v1, v3  }
0x9a: {  	v1 =	vmax.bf16 v1, v2  }
0x9b: {  	[tilespmem:s11+$0x10810] =	vst v1  }
0x9c: {  	v1 =	vld [tilespmem:s0+$0xFFFFFD20]  }
0x9d: {  	v2 =	vld [tilespmem:s0+$0x20]  }
0x9e: {  	v3 =	vld [tilespmem:s0+$0xFFFFFD50]  }
0x9f: {  	v31 =	vld [tilespmem:s0+$0x50]  }
0xa0: {  	v32 =	vld [tilespmem:s0+$0xFFFFFD80]  }
0xa1: {  	v33 =	vld [tilespmem:s0+$0x80]  }
0xa2: {  	v34 =	vld [tilespmem:s0+$0xFFFFFDB0]  }
0xa3: {  	v35 =	vld [tilespmem:s0+$0xB0]  }
0xa4: {  	v36 =	vld [tilespmem:s0+$0xFFFFFDE0]  }
0xa5: {  	v37 =	vld [tilespmem:s0+$0xE0]  }
0xa6: {  	v38 =	vld [tilespmem:s0+$0xFFFFFE10]  }
0xa7: {  	v39 =	vld [tilespmem:s0+$0x110]  }
0xa8: {  	v40 =	vld [tilespmem:s0+$0xFFFFFE40]  }
0xa9: {  	v41 =	vld [tilespmem:s0+$0x140]  }
0xaa: {  	v42 =	vld [tilespmem:s0+$0xFFFFFE70]  }
0xab: {  	v43 =	vld [tilespmem:s0+$0x170]  }
0xac: {  	v44 =	vld [tilespmem:s0+$0xFFFFFEA0]  }
0xad: {  	v45 =	vld [tilespmem:s0+$0x1A0]  }
0xae: {  	v46 =	vld [tilespmem:s0+$0xFFFFFED0]  }
0xaf: {  	v47 =	vld [tilespmem:s0+$0x1D0]  }
0xb0: {  	v48 =	vld [tilespmem:s0+$0xFFFFFF00]  }
0xb1: {  	v49 =	vld [tilespmem:s0+$0x200]  }
0xb2: {  	v51 =	vld [tilespmem:s0+$0x230];
	v1 =	vsub.bf16 v1, v2;
	v2 =	vsub.bf16 v3, v31  }
0xb3: {  	v52 =	vld [tilespmem:s0+$0xFFFFFF60];
	v50 =	vsub.bf16 v32, v33  }
0xb4: {  	v54 =	vld [tilespmem:s0+$0x260];
	v1 =	vmax.bf16 v1, v2;
	v2 =	vsub.bf16 v34, v35  }
0xb5: {  	v55 =	vld [tilespmem:s0+$0xFFFFFF90];
	v53 =	vsub.bf16 v36, v37;
	v1 =	vmax.bf16 v1, v50  }
0xb6: {  	v57 =	vld [tilespmem:s0+$0x290];
	v1 =	vmax.bf16 v1, v2;
	v2 =	vsub.bf16 v38, v39  }
0xb7: {  	v3 =	vld [tilespmem:s0+$0xFFFFFF30];
	v56 =	vsub.bf16 v40, v41;
	v1 =	vmax.bf16 v1, v53  }
0xb8: {  	v58 =	vld [tilespmem:s0+$0xFFFFFFC0];
	v1 =	vmax.bf16 v1, v2;
	v2 =	vsub.bf16 v42, v43  }
0xb9: {  	v60 =	vld [tilespmem:s0+$0x2C0];
	v59 =	vsub.bf16 v44, v45;
	v1 =	vmax.bf16 v1, v56  }
0xba: {  	v61 =	vld [tilespmem:s0+$0xFFFFFFF0];
	v1 =	vmax.bf16 v1, v2;
	v2 =	vsub.bf16 v46, v47  }
0xbb: {  	v63 =	vld [tilespmem:s0+$0x2F0];
	v62 =	vsub.bf16 v48, v49;
	v1 =	vmax.bf16 v1, v59  }
0xbc: {  	v1 =	vmax.bf16 v1, v2;
	v2 =	vsub.bf16 v3, v51  }
0xbd: {  	v3 =	vsub.bf16 v52, v54;
	v1 =	vmax.bf16 v1, v62  }
0xbe: {  	p1 =	sne.s32 s9, $0xB40;
	v1 =	vmax.bf16 v1, v2;
	v2 =	vsub.bf16 v55, v57  }
.Ltmp1:
0xbf: {  	v1 =	vmax.bf16 v1, v3;
	v3 =	vsub.bf16 v58, v60;
	(pc) =	sbr.rel @p1 .LBB2_5-.Ltmp1, $4  }
0xc0: {  	v1 =	vmax.bf16 v1, v2;
	v2 =	vsub.bf16 v61, v63  }
0xc1: {  	v1 =	vmax.bf16 v1, v3  }
0xc2: {  	v1 =	vmax.bf16 v1, v2  }
0xc3: {  	s9 =	sadd.s32 $0xC0, s9;
	s0 =	sadd.s32 $0x600, s0;
	[tilespmem:s11+$0x10820] =	vst v1  }
0xc4: {  	s0 =	sshll.u32 s31, $0x5  }
0xc5: {  	s0 =	sadd.s32 s4, s0  }
0xc6: {  	s0 =	smul.u32 $0x6, s0;
	_ =	sdelay $0x1  }
0xc7: {  	p1 =	seq.s32 s31, $0x8;
	s0 =	sadd.s32 s5, s0  }
0xc8: {  	[hbm4b:s0+s3] =	stream.linear.scatter [tilespmem:s24], [sflag:$0x3], $0x300, $0x38;
	[tilespmem:$0x10E00] =	vst v63  }
0xc9: {  	s0 =	sshll.u32 @!p1 s31, $0xA  }
0xca: {  	s0 =	sand.u32 @!p1 $0x3FFFFC00, s0  }
0xcb: {  	s11 =	simm.s32 @!p1 $0x80;
	s13 =	simm.s32 @!p1 $0x4800;
	s9 =	sadd.s32 @!p1 $0x400, s0  }
0xcc: {  	[tilespmem:s13], [sflag:$0x1] =	stream.indirect.gather @!p1 [hbm4b:s2+s11], $0x30, s9, s11, $0xb8;
	[tilespmem:$0x10E00] =	vst v63  }
0xcd: {  	s9 =	sadd.s32 @!p1 $0x480, s0;
	s13 =	simm.s32 @!p1 $0x6000  }
0xce: {  	[tilespmem:s13], [sflag:$0x1] =	stream.indirect.gather @!p1 [hbm4b:s2+s11], $0x30, s9, s11, $0xb8;
	[tilespmem:$0x10E00] =	vst v63  }
0xcf: {  	s9 =	sadd.s32 @!p1 $0x500, s0;
	s13 =	simm.s32 @!p1 $0x7800  }
0xd0: {  	[tilespmem:s13], [sflag:$0x1] =	stream.indirect.gather @!p1 [hbm4b:s2+s11], $0x30, s9, s11, $0xb8;
	[tilespmem:$0x10E00] =	vst v63  }
0xd1: {  	s0 =	sadd.s32 @!p1 $0x580, s0;
	s9 =	simm.s32 @!p1 $0x9000  }
0xd2: {  	[tilespmem:s9], [sflag:$0x1] =	stream.indirect.gather @!p1 [hbm4b:s2+s11], $0x30, s0, s11, $0xb8;
	[tilespmem:$0x10E00] =	vst v63  }
0xd3: {  	_ =	swait.ge [sflag:s25], $0x1800  }
0xd4: {  	[sflag:s25] =	ssyncset.done $0x0  }
0xd5: {  	[sflag:s25] =	ssyncadd.s32 $0xFFFFE800  }
0xd6: {  	_ =	swait.ge [sflag:s25], $0x1800  }
0xd7: {  	[sflag:s25] =	ssyncset.done $0x0  }
0xd8: {  	[sflag:s25] =	ssyncadd.s32 $0xFFFFE800  }
0xd9: {  	_ =	swait.ge [sflag:s25], $0x1800  }
0xda: {  	[sflag:s25] =	ssyncset.done $0x0  }
0xdb: {  	[sflag:s25] =	ssyncadd.s32 $0xFFFFE800  }
0xdc: {  	_ =	swait.ge [sflag:s25], $0x1800  }
0xdd: {  	[sflag:s25] =	ssyncset.done $0x0  }
0xde: {  	s0 =	simm.s32 @!p0 $0x4;
	[sflag:s25] =	ssyncadd.s32 $0xFFFFE800  }
0xdf: {  	_ =	swait.ge @!p0 [sflag:s0], $0x300  }
0xe0: {  	[sflag:s0] =	ssyncset.done @!p0 $0x0  }
0xe1: {  	s9 =	simm.s32 $0x10B20;
	[sflag:s0] =	ssyncadd.s32 @!p0 $0xFFFFFD00;
	s0 =	simm.s32 $0x0  }
.LBB2_7:
0xe2: {  	s11 =	sshra.s32 s0, $0x2  }
0xe3: {  	v1 =	vld [tilespmem:s11+$0xA800]  }
0xe4: {  	v2 =	vld [tilespmem:s11+$0xAB00]  }
0xe5: {  	v3 =	vld [tilespmem:s11+$0xA830]  }
0xe6: {  	v4 =	vld [tilespmem:s11+$0xAB30]  }
0xe7: {  	v5 =	vld [tilespmem:s11+$0xA860]  }
0xe8: {  	v6 =	vld [tilespmem:s11+$0xAB60]  }
0xe9: {  	v7 =	vld [tilespmem:s11+$0xA890]  }
0xea: {  	v8 =	vld [tilespmem:s11+$0xAB90]  }
0xeb: {  	v9 =	vld [tilespmem:s11+$0xA8C0]  }
0xec: {  	v10 =	vld [tilespmem:s11+$0xABC0]  }
0xed: {  	v11 =	vld [tilespmem:s11+$0xA8F0]  }
0xee: {  	v12 =	vld [tilespmem:s11+$0xABF0]  }
0xef: {  	v13 =	vld [tilespmem:s11+$0xA920]  }
0xf0: {  	v14 =	vld [tilespmem:s11+$0xAC20]  }
0xf1: {  	v15 =	vld [tilespmem:s11+$0xA950]  }
0xf2: {  	v16 =	vld [tilespmem:s11+$0xAC50]  }
0xf3: {  	v17 =	vld [tilespmem:s11+$0xA980]  }
0xf4: {  	v18 =	vld [tilespmem:s11+$0xAC80]  }
0xf5: {  	v19 =	vld [tilespmem:s11+$0xA9B0]  }
0xf6: {  	v20 =	vld [tilespmem:s11+$0xACB0]  }
0xf7: {  	v21 =	vld [tilespmem:s11+$0xA9E0]  }
0xf8: {  	v22 =	vld [tilespmem:s11+$0xACE0]  }
0xf9: {  	v26 =	vld [tilespmem:s11+$0xAD10];
	v1 =	vsub.bf16 v1, v2;
	v2 =	vsub.bf16 v3, v4  }
0xfa: {  	v27 =	vld [tilespmem:s11+$0xAA40];
	v25 =	vsub.bf16 v5, v6  }
0xfb: {  	v29 =	vld [tilespmem:s11+$0xAD40];
	v1 =	vmax.bf16 v1, v2;
	v2 =	vsub.bf16 v7, v8  }
0xfc: {  	v30 =	vld [tilespmem:s11+$0xAA70];
	v28 =	vsub.bf16 v9, v10;
	v1 =	vmax.bf16 v1, v25  }
0xfd: {  	v32 =	vld [tilespmem:s11+$0xAD70];
	v1 =	vmax.bf16 v1, v2;
	v2 =	vsub.bf16 v11, v12  }
0xfe: {  	v3 =	vld [tilespmem:s11+$0xAA10];
	v31 =	vsub.bf16 v13, v14;
	v1 =	vmax.bf16 v1, v28  }
0xff: {  	v33 =	vld [tilespmem:s11+$0xAAA0];
	v1 =	vmax.bf16 v1, v2;
	v2 =	vsub.bf16 v15, v16  }
0x100: {  	v35 =	vld [tilespmem:s11+$0xADA0];
	v34 =	vsub.bf16 v17, v18;
	v1 =	vmax.bf16 v1, v31  }
0x101: {  	v36 =	vld [tilespmem:s11+$0xAAD0];
	v1 =	vmax.bf16 v1, v2;
	v2 =	vsub.bf16 v19, v20  }
0x102: {  	v38 =	vld [tilespmem:s11+$0xADD0];
	v37 =	vsub.bf16 v21, v22;
	v1 =	vmax.bf16 v1, v34  }
0x103: {  	v1 =	vmax.bf16 v1, v2;
	v2 =	vsub.bf16 v3, v26  }
0x104: {  	v3 =	vsub.bf16 v27, v29;
	v1 =	vmax.bf16 v1, v37  }
0x105: {  	v1 =	vmax.bf16 v1, v2;
	v2 =	vsub.bf16 v30, v32  }
0x106: {  	v1 =	vmax.bf16 v1, v3;
	v3 =	vsub.bf16 v33, v35  }
0x107: {  	v1 =	vmax.bf16 v1, v2;
	v2 =	vsub.bf16 v36, v38  }
0x108: {  	v1 =	vmax.bf16 v1, v3  }
0x109: {  	v1 =	vmax.bf16 v1, v2  }
0x10a: {  	[tilespmem:s9+$0xFFFFFFE0] =	vst v1  }
0x10b: {  	v1 =	vld [tilespmem:s11+$0xA810]  }
0x10c: {  	v2 =	vld [tilespmem:s11+$0xAB10]  }
0x10d: {  	v3 =	vld [tilespmem:s11+$0xA840]  }
0x10e: {  	v39 =	vld [tilespmem:s11+$0xAB40]  }
0x10f: {  	v40 =	vld [tilespmem:s11+$0xA870]  }
0x110: {  	v41 =	vld [tilespmem:s11+$0xAB70]  }
0x111: {  	v42 =	vld [tilespmem:s11+$0xA8A0]  }
0x112: {  	v43 =	vld [tilespmem:s11+$0xABA0]  }
0x113: {  	v44 =	vld [tilespmem:s11+$0xA8D0]  }
0x114: {  	v45 =	vld [tilespmem:s11+$0xABD0]  }
0x115: {  	v46 =	vld [tilespmem:s11+$0xA900]  }
0x116: {  	v47 =	vld [tilespmem:s11+$0xAC00]  }
0x117: {  	v48 =	vld [tilespmem:s11+$0xA930]  }
0x118: {  	v49 =	vld [tilespmem:s11+$0xAC30]  }
0x119: {  	v50 =	vld [tilespmem:s11+$0xA960]  }
0x11a: {  	v51 =	vld [tilespmem:s11+$0xAC60]  }
0x11b: {  	v52 =	vld [tilespmem:s11+$0xA990]  }
0x11c: {  	v53 =	vld [tilespmem:s11+$0xAC90]  }
0x11d: {  	v54 =	vld [tilespmem:s11+$0xA9C0]  }
0x11e: {  	v55 =	vld [tilespmem:s11+$0xACC0]  }
0x11f: {  	v56 =	vld [tilespmem:s11+$0xA9F0]  }
0x120: {  	v57 =	vld [tilespmem:s11+$0xACF0]  }
0x121: {  	v59 =	vld [tilespmem:s11+$0xAD20];
	v1 =	vsub.bf16 v1, v2;
	v2 =	vsub.bf16 v3, v39  }
0x122: {  	v60 =	vld [tilespmem:s11+$0xAA50];
	v58 =	vsub.bf16 v40, v41  }
0x123: {  	v62 =	vld [tilespmem:s11+$0xAD50];
	v1 =	vmax.bf16 v1, v2;
	v2 =	vsub.bf16 v42, v43  }
0x124: {  	v63 =	vld [tilespmem:s11+$0xAA80];
	v61 =	vsub.bf16 v44, v45;
	v1 =	vmax.bf16 v1, v58  }
0x125: {  	v24 =	vld [tilespmem:s11+$0xAD80];
	v1 =	vmax.bf16 v1, v2;
	v2 =	vsub.bf16 v46, v47  }
0x126: {  	v3 =	vld [tilespmem:s11+$0xAA20];
	v23 =	vsub.bf16 v48, v49;
	v1 =	vmax.bf16 v1, v61  }
0x127: {  	v25 =	vld [tilespmem:s11+$0xAAB0];
	v1 =	vmax.bf16 v1, v2;
	v2 =	vsub.bf16 v50, v51  }
0x128: {  	v27 =	vld [tilespmem:s11+$0xADB0];
	v26 =	vsub.bf16 v52, v53;
	v1 =	vmax.bf16 v1, v23  }
0x129: {  	v28 =	vld [tilespmem:s11+$0xAAE0];
	v1 =	vmax.bf16 v1, v2;
	v2 =	vsub.bf16 v54, v55  }
0x12a: {  	v30 =	vld [tilespmem:s11+$0xADE0];
	v29 =	vsub.bf16 v56, v57;
	v1 =	vmax.bf16 v1, v26  }
0x12b: {  	v1 =	vmax.bf16 v1, v2;
	v2 =	vsub.bf16 v3, v59  }
0x12c: {  	v3 =	vsub.bf16 v60, v62;
	v1 =	vmax.bf16 v1, v29  }
0x12d: {  	v1 =	vmax.bf16 v1, v2;
	v2 =	vsub.bf16 v63, v24  }
0x12e: {  	v1 =	vmax.bf16 v1, v3;
	v3 =	vsub.bf16 v25, v27  }
0x12f: {  	v1 =	vmax.bf16 v1, v2;
	v2 =	vsub.bf16 v28, v30  }
0x130: {  	v1 =	vmax.bf16 v1, v3  }
0x131: {  	v1 =	vmax.bf16 v1, v2  }
0x132: {  	[tilespmem:s9+$0xFFFFFFF0] =	vst v1  }
0x133: {  	v1 =	vld [tilespmem:s11+$0xA820]  }
0x134: {  	v2 =	vld [tilespmem:s11+$0xAB20]  }
0x135: {  	v3 =	vld [tilespmem:s11+$0xA850]  }
0x136: {  	v31 =	vld [tilespmem:s11+$0xAB50]  }
0x137: {  	v32 =	vld [tilespmem:s11+$0xA880]  }
0x138: {  	v33 =	vld [tilespmem:s11+$0xAB80]  }
0x139: {  	v34 =	vld [tilespmem:s11+$0xA8B0]  }
0x13a: {  	v35 =	vld [tilespmem:s11+$0xABB0]  }
0x13b: {  	v36 =	vld [tilespmem:s11+$0xA8E0]  }
0x13c: {  	v37 =	vld [tilespmem:s11+$0xABE0]  }
0x13d: {  	v38 =	vld [tilespmem:s11+$0xA910]  }
0x13e: {  	v39 =	vld [tilespmem:s11+$0xAC10]  }
0x13f: {  	v40 =	vld [tilespmem:s11+$0xA940]  }
0x140: {  	v41 =	vld [tilespmem:s11+$0xAC40]  }
0x141: {  	v42 =	vld [tilespmem:s11+$0xA970]  }
0x142: {  	v43 =	vld [tilespmem:s11+$0xAC70]  }
0x143: {  	v44 =	vld [tilespmem:s11+$0xA9A0]  }
0x144: {  	v45 =	vld [tilespmem:s11+$0xACA0]  }
0x145: {  	v46 =	vld [tilespmem:s11+$0xA9D0]  }
0x146: {  	v47 =	vld [tilespmem:s11+$0xACD0]  }
0x147: {  	v48 =	vld [tilespmem:s11+$0xAA00]  }
0x148: {  	v49 =	vld [tilespmem:s11+$0xAD00]  }
0x149: {  	v51 =	vld [tilespmem:s11+$0xAD30];
	v1 =	vsub.bf16 v1, v2;
	v2 =	vsub.bf16 v3, v31  }
0x14a: {  	v52 =	vld [tilespmem:s11+$0xAA60];
	v50 =	vsub.bf16 v32, v33  }
0x14b: {  	v54 =	vld [tilespmem:s11+$0xAD60];
	v1 =	vmax.bf16 v1, v2;
	v2 =	vsub.bf16 v34, v35  }
0x14c: {  	v55 =	vld [tilespmem:s11+$0xAA90];
	v53 =	vsub.bf16 v36, v37;
	v1 =	vmax.bf16 v1, v50  }
0x14d: {  	v57 =	vld [tilespmem:s11+$0xAD90];
	v1 =	vmax.bf16 v1, v2;
	v2 =	vsub.bf16 v38, v39  }
0x14e: {  	v3 =	vld [tilespmem:s11+$0xAA30];
	v56 =	vsub.bf16 v40, v41;
	v1 =	vmax.bf16 v1, v53  }
0x14f: {  	v58 =	vld [tilespmem:s11+$0xAAC0];
	v1 =	vmax.bf16 v1, v2;
	v2 =	vsub.bf16 v42, v43  }
0x150: {  	v60 =	vld [tilespmem:s11+$0xADC0];
	v59 =	vsub.bf16 v44, v45;
	v1 =	vmax.bf16 v1, v56  }
0x151: {  	v61 =	vld [tilespmem:s11+$0xAAF0];
	v1 =	vmax.bf16 v1, v2;
	v2 =	vsub.bf16 v46, v47  }
0x152: {  	v63 =	vld [tilespmem:s11+$0xADF0];
	v62 =	vsub.bf16 v48, v49;
	v1 =	vmax.bf16 v1, v59  }
0x153: {  	v1 =	vmax.bf16 v1, v2;
	v2 =	vsub.bf16 v3, v51  }
0x154: {  	v3 =	vsub.bf16 v52, v54;
	v1 =	vmax.bf16 v1, v62  }
0x155: {  	p0 =	sne.s32 s0, $0x16800;
	v1 =	vmax.bf16 v1, v2;
	v2 =	vsub.bf16 v55, v57  }
.Ltmp2:
0x156: {  	v1 =	vmax.bf16 v1, v3;
	v3 =	vsub.bf16 v58, v60;
	(pc) =	sbr.rel @p0 .LBB2_7-.Ltmp2, $4  }
0x157: {  	v1 =	vmax.bf16 v1, v2;
	v2 =	vsub.bf16 v61, v63  }
0x158: {  	v1 =	vmax.bf16 v1, v3  }
0x159: {  	v1 =	vmax.bf16 v1, v2  }
0x15a: {  	s0 =	sadd.s32 $0x1800, s0;
	[tilespmem:s9+$0x0] =	vst v1;
	s9 =	sadd.s32 $0x30, s9  }
0x15b: {  	s31 =	sadd.s32 $0x1, s31  }
0x15c: {  	s0 =	sshll.u32 s1, $0x4;
	p0 =	sne.s32 s31, $0x9  }
.Ltmp3:
0x15d: {  	s0 =	sadd.s32 s4, s0;
	(pc) =	sbr.rel @p0 .LBB2_4-.Ltmp3, $3  }
0x15e: {  	s0 =	smul.u32 $0x6, s0;
	_ =	sdelay $0x1  }
0x15f: {  	s0 =	sadd.s32 s5, s0  }
0x160: {  	[hbm4b:s0+s3] =	stream.linear.scatter [tilespmem:s26], [sflag:$0x4], $0x300, $0x38;
	[tilespmem:$0x10E00] =	vst v63  }
0x161: {  	s30 =	sadd.s32 $0x1, s30  }
0x162: {  	_ =	swait.ge [sflag:s28], $0x300;
	p0 =	sne.s32 s30, s8  }
.Ltmp4:
0x163: {  	[sflag:s28] =	ssyncset.done $0x0;
	(pc) =	sbr.rel @p0 .LBB2_1-.Ltmp4, $4  }
0x164: {  	[sflag:s28] =	ssyncadd.s32 $0xFFFFFD00  }
0x165: {  	_ =	swait.ge [sflag:s29], $0x300  }
0x166: {  	[sflag:s29] =	ssyncset.done $0x0  }
0x167: {  	[sflag:s29] =	ssyncadd.s32 $0xFFFFFD00  }
0x168: {  	_ =	sfence.sel $0x180000  }
0x169: {  	[bflag:$0x0] =	sbarrier.arrive $0xFFFF  }
0x16a: {  	_ =	strace $0x90000047  }
0x16b: {  	s0 =	stileid.u32;
	[bflag:$0x2] =	sbarrier.arrive $0xFFFF  }
0x16c: {  	p0 =	sne.s32 s0, $0x0;
	s0 =	rddreg [dreg:$0x2]  }
0x16d: {  	s0 =	sadd.s32 @!p0 $0x100000, s0  }
0x16e: {  	[sflag:s0] =	ssyncadd.tile.s32 @!p0 $0x1;
	_ =	shalt  }
.Lfunc_end2:
_tile_overlayer_lowered:
.L_overlay_start_2:
0x16f: {  	(tag) =	ssettag $0x2  }
0x170: {  	s0 =	rddreg [dreg:$0x0];
	s2 =	stileid.u32  }
0x171: {  	s1 =	rddreg [dreg:$0x1];
	p0 =	sne.s32 s2, $0x0  }
0x172: {  	s3 =	rddreg [dreg:$0x2];
	[bflag:$0x3] =	sbarrier.arrive $0xFFFF;
	s2 =	simm.s32 @!p0 $0x1C05  }
0x173: {  	[timem:s3], [sflag:s2] =	dma.local @!p0 [hbm:s0], s1  }
0x174: {  	s0 =	simm.s32 @!p0 $0x5  }
0x175: {  	_ =	swait.ge @!p0 [sflag:s0], s1  }
0x176: {  	s1 =	ssub.s32 @!p0 $0x0, s1;
	[sflag:s0] =	ssyncset.done @!p0 $0x0  }
0x177: {  	[sflag:s0] =	ssyncadd.s32 @!p0 s1  }
0x178: {  	[bflag:$0x3] =	sbarrier.arrive $0xFFFF  }
0x179: {  	_ =	shalt  }

</sc_bundles>
